<compile_context>
chip_gen: v7x
topology: tpu7x:2x2x1
jax: 0.10.2.dev20260603
libtpu: 0.0.44.dev20260713+nightly
codegen_flags: <defaults>
</compile_context>

<pallas_src>
import functools

import jax
import jax.numpy as jnp
from jax import lax
from jax.experimental import pallas as pl
from jax.experimental.pallas import tpu as pltpu
from jax.experimental.pallas import tpu_sc as plsc

B = 16384
D = 512
N_MIX = 65536
LANES = 16
NC = 2
NS = 16
NW = NC * NS
ROWS_PER_W = N_MIX // NW
K = 16
NT = ROWS_PER_W // K
NBUF = 4

_mesh = plsc.VectorSubcoreMesh(
    core_axis_name="c", subcore_axis_name="s", num_cores=NC, num_subcores=NS
)


@functools.partial(
    pl.kernel,
    out_type=jax.ShapeDtypeStruct((N_MIX, D), jnp.float32),
    mesh=_mesh,
    compiler_params=pltpu.CompilerParams(
        needs_layout_passes=False, use_tc_tiling_on_sc=True
    ),
    scratch_types=[
        pltpu.VMEM((ROWS_PER_W,), jnp.int32),
        pltpu.VMEM((ROWS_PER_W,), jnp.int32),
        pltpu.VMEM((ROWS_PER_W,), jnp.float32),
        [pltpu.VMEM((K, D), jnp.float32)] * NBUF,
        [pltpu.VMEM((K, D), jnp.float32)] * NBUF,
        [pltpu.VMEM((K, D), jnp.float32)] * NBUF,
        [pltpu.SemaphoreType.DMA] * NBUF,
        [pltpu.SemaphoreType.DMA] * NBUF,
        [pltpu.SemaphoreType.DMA] * NBUF,
    ],
)
def _mix_sc(x_hbm, ia_hbm, ib_hbm, lam_hbm, out_hbm,
            ia_v, ib_v, lam_v, xa, xb, ob, sa, sb, sw):
    wid = lax.axis_index("s") * NC + lax.axis_index("c")

    pltpu.sync_copy(ia_hbm.at[wid], ia_v)
    pltpu.sync_copy(ib_hbm.at[wid], ib_v)
    pltpu.sync_copy(lam_hbm.at[wid], lam_v)

    row0 = wid * ROWS_PER_W

    def issue_gathers(t, buf):
        pltpu.async_copy(x_hbm.at[ia_v.at[pl.ds(t * K, K)]], xa[buf], sa[buf])
        pltpu.async_copy(x_hbm.at[ib_v.at[pl.ds(t * K, K)]], xb[buf], sb[buf])

    for t in range(NBUF - 1):
        issue_gathers(t, t)

    def quad_body(q, _):
        for buf in range(NBUF):
            t = NBUF * q + buf
            pltpu.make_async_copy(
                x_hbm.at[ia_v.at[pl.ds(t * K, K)]], xa[buf], sa[buf]
            ).wait()
            pltpu.make_async_copy(
                x_hbm.at[ib_v.at[pl.ds(t * K, K)]], xb[buf], sb[buf]
            ).wait()

            @pl.when(q > 0)
            def _():
                pltpu.make_async_copy(
                    ob[buf], out_hbm.at[pl.ds(row0, K)], sw[buf]
                ).wait()

            xa_b, xb_b, o_b = xa[buf], xb[buf], ob[buf]

            def row_body(r, _):
                lam16 = plsc.load_gather(
                    lam_v, [jnp.full((LANES,), t * K + r, jnp.int32)]
                )
                for c in range(D // LANES):
                    sl = pl.ds(c * LANES, LANES)
                    av = xa_b[r, sl]
                    bv = xb_b[r, sl]
                    o_b[r, sl] = bv + lam16 * (av - bv)
                return _

            lax.fori_loop(0, K, row_body, None)

            pltpu.async_copy(o_b, out_hbm.at[pl.ds(row0 + t * K, K)], sw[buf])

            @pl.when(t + NBUF - 1 < NT)
            def _():
                issue_gathers(t + NBUF - 1, (buf + NBUF - 1) % NBUF)
        return _

    lax.fori_loop(0, NT // NBUF, quad_body, None)

    for buf in range(NBUF):
        t = NT - NBUF + buf
        pltpu.make_async_copy(
            ob[buf], out_hbm.at[pl.ds(row0 + t * K, K)], sw[buf]
        ).wait()


def kernel(x, idx_a, idx_b, mix_lambda):
    ia = idx_a.astype(jnp.int32).reshape(NW, ROWS_PER_W)
    ib = idx_b.astype(jnp.int32).reshape(NW, ROWS_PER_W)
    lam = mix_lambda.astype(jnp.float32).reshape(NW, ROWS_PER_W)
    return _mix_sc(x, ia, ib, lam)

# --- scband reference (transcript-rebuilt; emitter-appended) ---
"""Pipeline reference for scband-mixer-22265110462582 (READ-ONLY COPY).

The authoritative reference and input builder live on the scoring server;
editing this copy changes nothing except your own understanding.
"""

import jax, jax.numpy as jnp
import numpy as np

B = 16384
D = 512
MIX_MULT = 4
N_MIX = B * MIX_MULT
ALPHA = 0.2


def setup_inputs(seed: int = 0) -> dict:
    key = jax.random.key(seed)
    k_x, k_a, k_b, k_lam = jax.random.split(key, 4)
    x = jax.random.normal(k_x, (B, D), dtype=jnp.float32)
    idx_a = jax.random.randint(k_a, (N_MIX,), 0, B, dtype=jnp.int64 if jax.config.jax_enable_x64 else jnp.int32)
    idx_b = jax.random.randint(k_b, (N_MIX,), 0, B, dtype=jnp.int64 if jax.config.jax_enable_x64 else jnp.int32)
    # mix_lambda drawn from Beta(alpha, alpha), matching torch.distributions.Beta sample
    mix_lambda = jax.random.beta(k_lam, ALPHA, ALPHA, (N_MIX,)).astype(jnp.float32)
    return {"x": x, "idx_a": idx_a, "idx_b": idx_b, "mix_lambda": mix_lambda}


def reference(x, idx_a, idx_b, mix_lambda):
    # Faithful translation of Mixer.transform given a fitted plan (idx_a, idx_b, mix_lambda).
    # min_lambda == 0.0 so no clamping is applied (matches default init kwargs).
    lam = mix_lambda.astype(x.dtype)
    lam_shape = (lam.shape[0],) + (1,) * (x.ndim - 1)
    lam = lam.reshape(lam_shape)
    xa = jnp.take(x, idx_a, axis=0)
    xb = jnp.take(x, idx_b, axis=0)
    x_mix = lam * xa + (1.0 - lam) * xb
    return x_mix

if __name__ == "__main__":
    import jax
    _d = setup_inputs()
    print(jax.jit(kernel)(*tuple(_d.values())))

</pallas_src>

<mosaic_0001>
#map = affine_map<(d0, d1) -> (0, 0)>
module attributes {stable_mosaic.version = 14 : i64} {
  func.func @_mix_sc(%arg0: i32, %arg1: i32, %arg2: memref<16384x512xf32, #tpu.memory_space<hbm>>, %arg3: memref<32x2048xi32, #tpu.memory_space<hbm>>, %arg4: memref<32x2048xi32, #tpu.memory_space<hbm>>, %arg5: memref<32x2048xf32, #tpu.memory_space<hbm>>, %arg6: memref<65536x512xf32, #tpu.memory_space<hbm>>, %arg7: memref<2048xi32, #tpu.memory_space<vmem>>, %arg8: memref<2048xi32, #tpu.memory_space<vmem>>, %arg9: memref<2048xf32, #tpu.memory_space<vmem>>, %arg10: memref<16x512xf32, #tpu.memory_space<vmem>>, %arg11: memref<16x512xf32, #tpu.memory_space<vmem>>, %arg12: memref<16x512xf32, #tpu.memory_space<vmem>>, %arg13: memref<16x512xf32, #tpu.memory_space<vmem>>, %arg14: memref<16x512xf32, #tpu.memory_space<vmem>>, %arg15: memref<16x512xf32, #tpu.memory_space<vmem>>, %arg16: memref<16x512xf32, #tpu.memory_space<vmem>>, %arg17: memref<16x512xf32, #tpu.memory_space<vmem>>, %arg18: memref<16x512xf32, #tpu.memory_space<vmem>>, %arg19: memref<16x512xf32, #tpu.memory_space<vmem>>, %arg20: memref<16x512xf32, #tpu.memory_space<vmem>>, %arg21: memref<16x512xf32, #tpu.memory_space<vmem>>, %arg22: memref<!tpu.dma_semaphore, #tpu.memory_space<semaphore_mem>>, %arg23: memref<!tpu.dma_semaphore, #tpu.memory_space<semaphore_mem>>, %arg24: memref<!tpu.dma_semaphore, #tpu.memory_space<semaphore_mem>>, %arg25: memref<!tpu.dma_semaphore, #tpu.memory_space<semaphore_mem>>, %arg26: memref<!tpu.dma_semaphore, #tpu.memory_space<semaphore_mem>>, %arg27: memref<!tpu.dma_semaphore, #tpu.memory_space<semaphore_mem>>, %arg28: memref<!tpu.dma_semaphore, #tpu.memory_space<semaphore_mem>>, %arg29: memref<!tpu.dma_semaphore, #tpu.memory_space<semaphore_mem>>, %arg30: memref<!tpu.dma_semaphore, #tpu.memory_space<semaphore_mem>>, %arg31: memref<!tpu.dma_semaphore, #tpu.memory_space<semaphore_mem>>, %arg32: memref<!tpu.dma_semaphore, #tpu.memory_space<semaphore_mem>>, %arg33: memref<!tpu.dma_semaphore, #tpu.memory_space<semaphore_mem>>) attributes {dimension_semantics = [#tpu.dimension_semantics<core_parallel>, #tpu.dimension_semantics<subcore_parallel>], iteration_bounds = array<i64: 2, 16>, scalar_prefetch = 0 : i64, scratch_operands = 27 : i64, tpu.core_type = #tpu.core_type<sc_vector_subcore>, window_params = [{transform_indices = #map}, {transform_indices = #map}, {transform_indices = #map}, {transform_indices = #map}, {transform_indices = #map}]} {
    %mul3A = arith.constant 2 : i32
    %mul3A_0 = arith.muli %arg1, %mul3A : i32
    %add3A = arith.addi %mul3A_0, %arg0 : i32
    "tpu.region"() ({
      %run_scoped3A = tpu.sem_alloc : memref<!tpu.dma_semaphore, #tpu.memory_space<semaphore_mem>>
      %dma_start3A_59 = arith.constant 0 : i32
      %dma_start3A_60 = tpu.memref_slice %arg3[%add3A, %dma_start3A_59] : memref<32x2048xi32, #tpu.memory_space<hbm>> -> memref<1x2048xi32, #tpu.memory_space<hbm>>
      %dma_start3A_61 = tpu.memref_squeeze %dma_start3A_60 : memref<1x2048xi32, #tpu.memory_space<hbm>> -> memref<2048xi32, #tpu.memory_space<hbm>>
      %dma_start3A_62 = arith.constant 0 : i32
      %dma_start3A_63 = tpu.memref_slice %arg3[%add3A, %dma_start3A_62] : memref<32x2048xi32, #tpu.memory_space<hbm>> -> memref<1x2048xi32, #tpu.memory_space<hbm>>
      %dma_start3A_64 = tpu.memref_squeeze %dma_start3A_63 : memref<1x2048xi32, #tpu.memory_space<hbm>> -> memref<2048xi32, #tpu.memory_space<hbm>>
      tpu.enqueue_dma source(%dma_start3A_64 : memref<2048xi32, #tpu.memory_space<hbm>>) target(%arg7 : memref<2048xi32, #tpu.memory_space<vmem>>) target_semaphore(%run_scoped3A : memref<!tpu.dma_semaphore, #tpu.memory_space<semaphore_mem>>)
      %dma_wait3A_65 = arith.constant 0 : i32
      %dma_wait3A_66 = tpu.memref_slice %arg3[%add3A, %dma_wait3A_65] : memref<32x2048xi32, #tpu.memory_space<hbm>> -> memref<1x2048xi32, #tpu.memory_space<hbm>>
      %dma_wait3A_67 = tpu.memref_squeeze %dma_wait3A_66 : memref<1x2048xi32, #tpu.memory_space<hbm>> -> memref<2048xi32, #tpu.memory_space<hbm>>
      %dma_wait3A_68 = arith.constant 0 : i32
      %dma_wait3A_69 = tpu.memref_slice %arg3[%add3A, %dma_wait3A_68] : memref<32x2048xi32, #tpu.memory_space<hbm>> -> memref<1x2048xi32, #tpu.memory_space<hbm>>
      %dma_wait3A_70 = tpu.memref_squeeze %dma_wait3A_69 : memref<1x2048xi32, #tpu.memory_space<hbm>> -> memref<2048xi32, #tpu.memory_space<hbm>>
      tpu.wait_dma2 semaphore(%run_scoped3A : memref<!tpu.dma_semaphore, #tpu.memory_space<semaphore_mem>>) src(%dma_wait3A_70 : memref<2048xi32, #tpu.memory_space<hbm>>) dst(%arg7 : memref<2048xi32, #tpu.memory_space<vmem>>)
      tpu.yield
    }) : () -> ()
    "tpu.region"() ({
      %run_scoped3A = tpu.sem_alloc : memref<!tpu.dma_semaphore, #tpu.memory_space<semaphore_mem>>
      %dma_start3A_59 = arith.constant 0 : i32
      %dma_start3A_60 = tpu.memref_slice %arg4[%add3A, %dma_start3A_59] : memref<32x2048xi32, #tpu.memory_space<hbm>> -> memref<1x2048xi32, #tpu.memory_space<hbm>>
      %dma_start3A_61 = tpu.memref_squeeze %dma_start3A_60 : memref<1x2048xi32, #tpu.memory_space<hbm>> -> memref<2048xi32, #tpu.memory_space<hbm>>
      %dma_start3A_62 = arith.constant 0 : i32
      %dma_start3A_63 = tpu.memref_slice %arg4[%add3A, %dma_start3A_62] : memref<32x2048xi32, #tpu.memory_space<hbm>> -> memref<1x2048xi32, #tpu.memory_space<hbm>>
      %dma_start3A_64 = tpu.memref_squeeze %dma_start3A_63 : memref<1x2048xi32, #tpu.memory_space<hbm>> -> memref<2048xi32, #tpu.memory_space<hbm>>
      tpu.enqueue_dma source(%dma_start3A_64 : memref<2048xi32, #tpu.memory_space<hbm>>) target(%arg8 : memref<2048xi32, #tpu.memory_space<vmem>>) target_semaphore(%run_scoped3A : memref<!tpu.dma_semaphore, #tpu.memory_space<semaphore_mem>>)
      %dma_wait3A_65 = arith.constant 0 : i32
      %dma_wait3A_66 = tpu.memref_slice %arg4[%add3A, %dma_wait3A_65] : memref<32x2048xi32, #tpu.memory_space<hbm>> -> memref<1x2048xi32, #tpu.memory_space<hbm>>
      %dma_wait3A_67 = tpu.memref_squeeze %dma_wait3A_66 : memref<1x2048xi32, #tpu.memory_space<hbm>> -> memref<2048xi32, #tpu.memory_space<hbm>>
      %dma_wait3A_68 = arith.constant 0 : i32
      %dma_wait3A_69 = tpu.memref_slice %arg4[%add3A, %dma_wait3A_68] : memref<32x2048xi32, #tpu.memory_space<hbm>> -> memref<1x2048xi32, #tpu.memory_space<hbm>>
      %dma_wait3A_70 = tpu.memref_squeeze %dma_wait3A_69 : memref<1x2048xi32, #tpu.memory_space<hbm>> -> memref<2048xi32, #tpu.memory_space<hbm>>
      tpu.wait_dma2 semaphore(%run_scoped3A : memref<!tpu.dma_semaphore, #tpu.memory_space<semaphore_mem>>) src(%dma_wait3A_70 : memref<2048xi32, #tpu.memory_space<hbm>>) dst(%arg8 : memref<2048xi32, #tpu.memory_space<vmem>>)
      tpu.yield
    }) : () -> ()
    "tpu.region"() ({
      %run_scoped3A = tpu.sem_alloc : memref<!tpu.dma_semaphore, #tpu.memory_space<semaphore_mem>>
      %dma_start3A_59 = arith.constant 0 : i32
      %dma_start3A_60 = tpu.memref_slice %arg5[%add3A, %dma_start3A_59] : memref<32x2048xf32, #tpu.memory_space<hbm>> -> memref<1x2048xf32, #tpu.memory_space<hbm>>
      %dma_start3A_61 = tpu.memref_squeeze %dma_start3A_60 : memref<1x2048xf32, #tpu.memory_space<hbm>> -> memref<2048xf32, #tpu.memory_space<hbm>>
      %dma_start3A_62 = arith.constant 0 : i32
      %dma_start3A_63 = tpu.memref_slice %arg5[%add3A, %dma_start3A_62] : memref<32x2048xf32, #tpu.memory_space<hbm>> -> memref<1x2048xf32, #tpu.memory_space<hbm>>
      %dma_start3A_64 = tpu.memref_squeeze %dma_start3A_63 : memref<1x2048xf32, #tpu.memory_space<hbm>> -> memref<2048xf32, #tpu.memory_space<hbm>>
      tpu.enqueue_dma source(%dma_start3A_64 : memref<2048xf32, #tpu.memory_space<hbm>>) target(%arg9 : memref<2048xf32, #tpu.memory_space<vmem>>) target_semaphore(%run_scoped3A : memref<!tpu.dma_semaphore, #tpu.memory_space<semaphore_mem>>)
      %dma_wait3A_65 = arith.constant 0 : i32
      %dma_wait3A_66 = tpu.memref_slice %arg5[%add3A, %dma_wait3A_65] : memref<32x2048xf32, #tpu.memory_space<hbm>> -> memref<1x2048xf32, #tpu.memory_space<hbm>>
      %dma_wait3A_67 = tpu.memref_squeeze %dma_wait3A_66 : memref<1x2048xf32, #tpu.memory_space<hbm>> -> memref<2048xf32, #tpu.memory_space<hbm>>
      %dma_wait3A_68 = arith.constant 0 : i32
      %dma_wait3A_69 = tpu.memref_slice %arg5[%add3A, %dma_wait3A_68] : memref<32x2048xf32, #tpu.memory_space<hbm>> -> memref<1x2048xf32, #tpu.memory_space<hbm>>
      %dma_wait3A_70 = tpu.memref_squeeze %dma_wait3A_69 : memref<1x2048xf32, #tpu.memory_space<hbm>> -> memref<2048xf32, #tpu.memory_space<hbm>>
      tpu.wait_dma2 semaphore(%run_scoped3A : memref<!tpu.dma_semaphore, #tpu.memory_space<semaphore_mem>>) src(%dma_wait3A_70 : memref<2048xf32, #tpu.memory_space<hbm>>) dst(%arg9 : memref<2048xf32, #tpu.memory_space<vmem>>)
      tpu.yield
    }) : () -> ()
    %mul3A_1 = arith.constant 2048 : i32
    %mul3A_2 = arith.muli %add3A, %mul3A_1 : i32
    %dma_start3A = arith.constant 0 : i32
    %dma_start3A_3 = tpu.memref_slice %arg7[%dma_start3A] : memref<2048xi32, #tpu.memory_space<vmem>> -> memref<16xi32, #tpu.memory_space<vmem>>
    %dma_start3A_4 = arith.constant 0 : i32
    %dma_start3A_5 = arith.constant 0 : i32
    %dma_start3A_6 = tpu.memref_slice %arg2[%dma_start3A_4, %dma_start3A_5] : memref<16384x512xf32, #tpu.memory_space<hbm>> -> memref<16384x512xf32, #tpu.memory_space<hbm>>
    tpu.enqueue_indirect_dma source(%dma_start3A_6 : memref<16384x512xf32, #tpu.memory_space<hbm>>) target(%arg10 : memref<16x512xf32, #tpu.memory_space<vmem>>) offsets(%dma_start3A_3 : memref<16xi32, #tpu.memory_space<vmem>>) semaphore(%arg22 : memref<!tpu.dma_semaphore, #tpu.memory_space<semaphore_mem>>)
    %dma_start3A_7 = arith.constant 0 : i32
    %dma_start3A_8 = tpu.memref_slice %arg8[%dma_start3A_7] : memref<2048xi32, #tpu.memory_space<vmem>> -> memref<16xi32, #tpu.memory_space<vmem>>
    %dma_start3A_9 = arith.constant 0 : i32
    %dma_start3A_10 = arith.constant 0 : i32
    %dma_start3A_11 = tpu.memref_slice %arg2[%dma_start3A_9, %dma_start3A_10] : memref<16384x512xf32, #tpu.memory_space<hbm>> -> memref<16384x512xf32, #tpu.memory_space<hbm>>
    tpu.enqueue_indirect_dma source(%dma_start3A_11 : memref<16384x512xf32, #tpu.memory_space<hbm>>) target(%arg14 : memref<16x512xf32, #tpu.memory_space<vmem>>) offsets(%dma_start3A_8 : memref<16xi32, #tpu.memory_space<vmem>>) semaphore(%arg26 : memref<!tpu.dma_semaphore, #tpu.memory_space<semaphore_mem>>)
    %dma_start3A_12 = arith.constant 16 : i32
    %dma_start3A_13 = tpu.memref_slice %arg7[%dma_start3A_12] : memref<2048xi32, #tpu.memory_space<vmem>> -> memref<16xi32, #tpu.memory_space<vmem>>
    %dma_start3A_14 = arith.constant 0 : i32
    %dma_start3A_15 = arith.constant 0 : i32
    %dma_start3A_16 = tpu.memref_slice %arg2[%dma_start3A_14, %dma_start3A_15] : memref<16384x512xf32, #tpu.memory_space<hbm>> -> memref<16384x512xf32, #tpu.memory_space<hbm>>
    tpu.enqueue_indirect_dma source(%dma_start3A_16 : memref<16384x512xf32, #tpu.memory_space<hbm>>) target(%arg11 : memref<16x512xf32, #tpu.memory_space<vmem>>) offsets(%dma_start3A_13 : memref<16xi32, #tpu.memory_space<vmem>>) semaphore(%arg23 : memref<!tpu.dma_semaphore, #tpu.memory_space<semaphore_mem>>)
    %dma_start3A_17 = arith.constant 16 : i32
    %dma_start3A_18 = tpu.memref_slice %arg8[%dma_start3A_17] : memref<2048xi32, #tpu.memory_space<vmem>> -> memref<16xi32, #tpu.memory_space<vmem>>
    %dma_start3A_19 = arith.constant 0 : i32
    %dma_start3A_20 = arith.constant 0 : i32
    %dma_start3A_21 = tpu.memref_slice %arg2[%dma_start3A_19, %dma_start3A_20] : memref<16384x512xf32, #tpu.memory_space<hbm>> -> memref<16384x512xf32, #tpu.memory_space<hbm>>
    tpu.enqueue_indirect_dma source(%dma_start3A_21 : memref<16384x512xf32, #tpu.memory_space<hbm>>) target(%arg15 : memref<16x512xf32, #tpu.memory_space<vmem>>) offsets(%dma_start3A_18 : memref<16xi32, #tpu.memory_space<vmem>>) semaphore(%arg27 : memref<!tpu.dma_semaphore, #tpu.memory_space<semaphore_mem>>)
    %dma_start3A_22 = arith.constant 32 : i32
    %dma_start3A_23 = tpu.memref_slice %arg7[%dma_start3A_22] : memref<2048xi32, #tpu.memory_space<vmem>> -> memref<16xi32, #tpu.memory_space<vmem>>
    %dma_start3A_24 = arith.constant 0 : i32
    %dma_start3A_25 = arith.constant 0 : i32
    %dma_start3A_26 = tpu.memref_slice %arg2[%dma_start3A_24, %dma_start3A_25] : memref<16384x512xf32, #tpu.memory_space<hbm>> -> memref<16384x512xf32, #tpu.memory_space<hbm>>
    tpu.enqueue_indirect_dma source(%dma_start3A_26 : memref<16384x512xf32, #tpu.memory_space<hbm>>) target(%arg12 : memref<16x512xf32, #tpu.memory_space<vmem>>) offsets(%dma_start3A_23 : memref<16xi32, #tpu.memory_space<vmem>>) semaphore(%arg24 : memref<!tpu.dma_semaphore, #tpu.memory_space<semaphore_mem>>)
    %dma_start3A_27 = arith.constant 32 : i32
    %dma_start3A_28 = tpu.memref_slice %arg8[%dma_start3A_27] : memref<2048xi32, #tpu.memory_space<vmem>> -> memref<16xi32, #tpu.memory_space<vmem>>
    %dma_start3A_29 = arith.constant 0 : i32
    %dma_start3A_30 = arith.constant 0 : i32
    %dma_start3A_31 = tpu.memref_slice %arg2[%dma_start3A_29, %dma_start3A_30] : memref<16384x512xf32, #tpu.memory_space<hbm>> -> memref<16384x512xf32, #tpu.memory_space<hbm>>
    tpu.enqueue_indirect_dma source(%dma_start3A_31 : memref<16384x512xf32, #tpu.memory_space<hbm>>) target(%arg16 : memref<16x512xf32, #tpu.memory_space<vmem>>) offsets(%dma_start3A_28 : memref<16xi32, #tpu.memory_space<vmem>>) semaphore(%arg28 : memref<!tpu.dma_semaphore, #tpu.memory_space<semaphore_mem>>)
    %scan3A = arith.constant 0 : i32
    %scan3A_32 = arith.constant 32 : i32
    %scan3A_33 = arith.addi %scan3A, %scan3A_32 : i32
    %scan3A_34 = arith.constant 1 : i32
    scf.for %scan3A_59 = %scan3A to %scan3A_33 step %scan3A_34  : i32 {
      %mul3A_60 = arith.constant 4 : i32
      %mul3A_61 = arith.muli %mul3A_60, %scan3A_59 : i32
      %add3A_62 = arith.constant 0 : i32
      %add3A_63 = arith.addi %mul3A_61, %add3A_62 : i32
      %mul3A_64 = arith.constant 16 : i32
      %mul3A_65 = arith.muli %add3A_63, %mul3A_64 : i32
      %dma_wait3A_66 = tpu.memref_slice %arg7[%mul3A_65] : memref<2048xi32, #tpu.memory_space<vmem>> -> memref<16xi32, #tpu.memory_space<vmem>>
      %dma_wait3A_67 = arith.constant 0 : i32
      %dma_wait3A_68 = arith.constant 0 : i32
      %dma_wait3A_69 = tpu.memref_slice %arg2[%dma_wait3A_67, %dma_wait3A_68] : memref<16384x512xf32, #tpu.memory_space<hbm>> -> memref<16384x512xf32, #tpu.memory_space<hbm>>
      tpu.wait_indirect_dma semaphore(%arg22 : memref<!tpu.dma_semaphore, #tpu.memory_space<semaphore_mem>>) src(%dma_wait3A_69 : memref<16384x512xf32, #tpu.memory_space<hbm>>) dst(%arg10 : memref<16x512xf32, #tpu.memory_space<vmem>>)
      %mul3A_70 = arith.constant 16 : i32
      %mul3A_71 = arith.muli %add3A_63, %mul3A_70 : i32
      %dma_wait3A_72 = tpu.memref_slice %arg8[%mul3A_71] : memref<2048xi32, #tpu.memory_space<vmem>> -> memref<16xi32, #tpu.memory_space<vmem>>
      %dma_wait3A_73 = arith.constant 0 : i32
      %dma_wait3A_74 = arith.constant 0 : i32
      %dma_wait3A_75 = tpu.memref_slice %arg2[%dma_wait3A_73, %dma_wait3A_74] : memref<16384x512xf32, #tpu.memory_space<hbm>> -> memref<16384x512xf32, #tpu.memory_space<hbm>>
      tpu.wait_indirect_dma semaphore(%arg26 : memref<!tpu.dma_semaphore, #tpu.memory_space<semaphore_mem>>) src(%dma_wait3A_75 : memref<16384x512xf32, #tpu.memory_space<hbm>>) dst(%arg14 : memref<16x512xf32, #tpu.memory_space<vmem>>)
      %gt3A = arith.constant 0 : i32
      %gt3A_76 = arith.cmpi sgt, %scan3A_59, %gt3A : i32
      %convert_element_type3A = arith.extui %gt3A_76 : i1 to i32
      %cond3A = arith.constant 0 : i32
      %cond3A_77 = arith.cmpi ne, %convert_element_type3A, %cond3A : i32
      scf.if %cond3A_77 {
        %dma_wait3A_223 = arith.constant 0 : i32
        %dma_wait3A_224 = tpu.memref_slice %arg6[%mul3A_2, %dma_wait3A_223] : memref<65536x512xf32, #tpu.memory_space<hbm>> -> memref<16x512xf32, #tpu.memory_space<hbm>>
        %dma_wait3A_225 = arith.constant 0 : i32
        %dma_wait3A_226 = tpu.memref_slice %arg6[%mul3A_2, %dma_wait3A_225] : memref<65536x512xf32, #tpu.memory_space<hbm>> -> memref<16x512xf32, #tpu.memory_space<hbm>>
        tpu.wait_dma2 semaphore(%arg30 : memref<!tpu.dma_semaphore, #tpu.memory_space<semaphore_mem>>) src(%arg18 : memref<16x512xf32, #tpu.memory_space<vmem>>) dst(%dma_wait3A_226 : memref<16x512xf32, #tpu.memory_space<hbm>>)
      } else {
      }
      %scan3A_78 = arith.constant 0 : i32
      %scan3A_79 = arith.constant 16 : i32
      %scan3A_80 = arith.addi %scan3A_78, %scan3A_79 : i32
      %scan3A_81 = arith.constant 1 : i32
      scf.for %scan3A_223 = %scan3A_78 to %scan3A_80 step %scan3A_81  : i32 {
        %mul3A_224 = arith.constant 16 : i32
        %mul3A_225 = arith.muli %add3A_63, %mul3A_224 : i32
        %add3A_226 = arith.addi %mul3A_225, %scan3A_223 : i32
        %broadcast_in_dim3A = vector.broadcast %add3A_226 : i32 to vector<16xi32>
        %gather3A = tpu.vector_load_idx %arg9[%broadcast_in_dim3A] : memref<2048xf32, #tpu.memory_space<vmem>>[vector<16xi32>], vector<16xf32>,
        %get3A = arith.index_cast %scan3A_223 : i32 to index
        %get3A_227 = arith.constant 0 : index
        %get3A_228 = tpu.vector_load %arg10[%get3A, %get3A_227] {strides = array<i32>} : memref<16x512xf32, #tpu.memory_space<vmem>>, vector<16xf32>,
        %get3A_229 = arith.index_cast %scan3A_223 : i32 to index
        %get3A_230 = arith.constant 0 : index
        %get3A_231 = tpu.vector_load %arg14[%get3A_229, %get3A_230] {strides = array<i32>} : memref<16x512xf32, #tpu.memory_space<vmem>>, vector<16xf32>,
        %sub3A_232 = arith.subf %get3A_228, %get3A_231 : vector<16xf32>
        %mul3A_233 = arith.mulf %gather3A, %sub3A_232 : vector<16xf32>
        %add3A_234 = arith.addf %get3A_231, %mul3A_233 : vector<16xf32>
        %swap3A = arith.index_cast %scan3A_223 : i32 to index
        %swap3A_235 = arith.constant 0 : index
        %swap3A_236 = tpu.vector_load %arg18[%swap3A, %swap3A_235] {strides = array<i32>} : memref<16x512xf32, #tpu.memory_space<vmem>>, vector<16xf32>,
        tpu.vector_store %arg18[%swap3A, %swap3A_235], %add3A_234 {strides = array<i32>} : memref<16x512xf32, #tpu.memory_space<vmem>>, vector<16xf32>,
        %get3A_237 = arith.index_cast %scan3A_223 : i32 to index
        %get3A_238 = arith.constant 16 : index
        %get3A_239 = tpu.vector_load %arg10[%get3A_237, %get3A_238] {strides = array<i32>} : memref<16x512xf32, #tpu.memory_space<vmem>>, vector<16xf32>,
        %get3A_240 = arith.index_cast %scan3A_223 : i32 to index
        %get3A_241 = arith.constant 16 : index
        %get3A_242 = tpu.vector_load %arg14[%get3A_240, %get3A_241] {strides = array<i32>} : memref<16x512xf32, #tpu.memory_space<vmem>>, vector<16xf32>,
        %sub3A_243 = arith.subf %get3A_239, %get3A_242 : vector<16xf32>
        %mul3A_244 = arith.mulf %gather3A, %sub3A_243 : vector<16xf32>
        %add3A_245 = arith.addf %get3A_242, %mul3A_244 : vector<16xf32>
        %swap3A_246 = arith.index_cast %scan3A_223 : i32 to index
        %swap3A_247 = arith.constant 16 : index
        %swap3A_248 = tpu.vector_load %arg18[%swap3A_246, %swap3A_247] {strides = array<i32>} : memref<16x512xf32, #tpu.memory_space<vmem>>, vector<16xf32>,
        tpu.vector_store %arg18[%swap3A_246, %swap3A_247], %add3A_245 {strides = array<i32>} : memref<16x512xf32, #tpu.memory_space<vmem>>, vector<16xf32>,
        %get3A_249 = arith.index_cast %scan3A_223 : i32 to index
        %get3A_250 = arith.constant 32 : index
        %get3A_251 = tpu.vector_load %arg10[%get3A_249, %get3A_250] {strides = array<i32>} : memref<16x512xf32, #tpu.memory_space<vmem>>, vector<16xf32>,
        %get3A_252 = arith.index_cast %scan3A_223 : i32 to index
        %get3A_253 = arith.constant 32 : index
        %get3A_254 = tpu.vector_load %arg14[%get3A_252, %get3A_253] {strides = array<i32>} : memref<16x512xf32, #tpu.memory_space<vmem>>, vector<16xf32>,
        %sub3A_255 = arith.subf %get3A_251, %get3A_254 : vector<16xf32>
        %mul3A_256 = arith.mulf %gather3A, %sub3A_255 : vector<16xf32>
        %add3A_257 = arith.addf %get3A_254, %mul3A_256 : vector<16xf32>
        %swap3A_258 = arith.index_cast %scan3A_223 : i32 to index
        %swap3A_259 = arith.constant 32 : index
        %swap3A_260 = tpu.vector_load %arg18[%swap3A_258, %swap3A_259] {strides = array<i32>} : memref<16x512xf32, #tpu.memory_space<vmem>>, vector<16xf32>,
        tpu.vector_store %arg18[%swap3A_258, %swap3A_259], %add3A_257 {strides = array<i32>} : memref<16x512xf32, #tpu.memory_space<vmem>>, vector<16xf32>,
        %get3A_261 = arith.index_cast %scan3A_223 : i32 to index
        %get3A_262 = arith.constant 48 : index
        %get3A_263 = tpu.vector_load %arg10[%get3A_261, %get3A_262] {strides = array<i32>} : memref<16x512xf32, #tpu.memory_space<vmem>>, vector<16xf32>,
        %get3A_264 = arith.index_cast %scan3A_223 : i32 to index
        %get3A_265 = arith.constant 48 : index
        %get3A_266 = tpu.vector_load %arg14[%get3A_264, %get3A_265] {strides = array<i32>} : memref<16x512xf32, #tpu.memory_space<vmem>>, vector<16xf32>,
        %sub3A_267 = arith.subf %get3A_263, %get3A_266 : vector<16xf32>
        %mul3A_268 = arith.mulf %gather3A, %sub3A_267 : vector<16xf32>
        %add3A_269 = arith.addf %get3A_266, %mul3A_268 : vector<16xf32>
        %swap3A_270 = arith.index_cast %scan3A_223 : i32 to index
        %swap3A_271 = arith.constant 48 : index
        %swap3A_272 = tpu.vector_load %arg18[%swap3A_270, %swap3A_271] {strides = array<i32>} : memref<16x512xf32, #tpu.memory_space<vmem>>, vector<16xf32>,
        tpu.vector_store %arg18[%swap3A_270, %swap3A_271], %add3A_269 {strides = array<i32>} : memref<16x512xf32, #tpu.memory_space<vmem>>, vector<16xf32>,
        %get3A_273 = arith.index_cast %scan3A_223 : i32 to index
        %get3A_274 = arith.constant 64 : index
        %get3A_275 = tpu.vector_load %arg10[%get3A_273, %get3A_274] {strides = array<i32>} : memref<16x512xf32, #tpu.memory_space<vmem>>, vector<16xf32>,
        %get3A_276 = arith.index_cast %scan3A_223 : i32 to index
        %get3A_277 = arith.constant 64 : index
        %get3A_278 = tpu.vector_load %arg14[%get3A_276, %get3A_277] {strides = array<i32>} : memref<16x512xf32, #tpu.memory_space<vmem>>, vector<16xf32>,
        %sub3A_279 = arith.subf %get3A_275, %get3A_278 : vector<16xf32>
        %mul3A_280 = arith.mulf %gather3A, %sub3A_279 : vector<16xf32>
        %add3A_281 = arith.addf %get3A_278, %mul3A_280 : vector<16xf32>
        %swap3A_282 = arith.index_cast %scan3A_223 : i32 to index
        %swap3A_283 = arith.constant 64 : index
        %swap3A_284 = tpu.vector_load %arg18[%swap3A_282, %swap3A_283] {strides = array<i32>} : memref<16x512xf32, #tpu.memory_space<vmem>>, vector<16xf32>,
        tpu.vector_store %arg18[%swap3A_282, %swap3A_283], %add3A_281 {strides = array<i32>} : memref<16x512xf32, #tpu.memory_space<vmem>>, vector<16xf32>,
        %get3A_285 = arith.index_cast %scan3A_223 : i32 to index
        %get3A_286 = arith.constant 80 : index
        %get3A_287 = tpu.vector_load %arg10[%get3A_285, %get3A_286] {strides = array<i32>} : memref<16x512xf32, #tpu.memory_space<vmem>>, vector<16xf32>,
        %get3A_288 = arith.index_cast %scan3A_223 : i32 to index
        %get3A_289 = arith.constant 80 : index
        %get3A_290 = tpu.vector_load %arg14[%get3A_288, %get3A_289] {strides = array<i32>} : memref<16x512xf32, #tpu.memory_space<vmem>>, vector<16xf32>,
        %sub3A_291 = arith.subf %get3A_287, %get3A_290 : vector<16xf32>
        %mul3A_292 = arith.mulf %gather3A, %sub3A_291 : vector<16xf32>
        %add3A_293 = arith.addf %get3A_290, %mul3A_292 : vector<16xf32>
        %swap3A_294 = arith.index_cast %scan3A_223 : i32 to index
        %swap3A_295 = arith.constant 80 : index
        %swap3A_296 = tpu.vector_load %arg18[%swap3A_294, %swap3A_295] {strides = array<i32>} : memref<16x512xf32, #tpu.memory_space<vmem>>, vector<16xf32>,
        tpu.vector_store %arg18[%swap3A_294, %swap3A_295], %add3A_293 {strides = array<i32>} : memref<16x512xf32, #tpu.memory_space<vmem>>, vector<16xf32>,
        %get3A_297 = arith.index_cast %scan3A_223 : i32 to index
        %get3A_298 = arith.constant 96 : index
        %get3A_299 = tpu.vector_load %arg10[%get3A_297, %get3A_298] {strides = array<i32>} : memref<16x512xf32, #tpu.memory_space<vmem>>, vector<16xf32>,
        %get3A_300 = arith.index_cast %scan3A_223 : i32 to index
        %get3A_301 = arith.constant 96 : index
        %get3A_302 = tpu.vector_load %arg14[%get3A_300, %get3A_301] {strides = array<i32>} : memref<16x512xf32, #tpu.memory_space<vmem>>, vector<16xf32>,
        %sub3A_303 = arith.subf %get3A_299, %get3A_302 : vector<16xf32>
        %mul3A_304 = arith.mulf %gather3A, %sub3A_303 : vector<16xf32>
        %add3A_305 = arith.addf %get3A_302, %mul3A_304 : vector<16xf32>
        %swap3A_306 = arith.index_cast %scan3A_223 : i32 to index
        %swap3A_307 = arith.constant 96 : index
        %swap3A_308 = tpu.vector_load %arg18[%swap3A_306, %swap3A_307] {strides = array<i32>} : memref<16x512xf32, #tpu.memory_space<vmem>>, vector<16xf32>,
        tpu.vector_store %arg18[%swap3A_306, %swap3A_307], %add3A_305 {strides = array<i32>} : memref<16x512xf32, #tpu.memory_space<vmem>>, vector<16xf32>,
        %get3A_309 = arith.index_cast %scan3A_223 : i32 to index
        %get3A_310 = arith.constant 112 : index
        %get3A_311 = tpu.vector_load %arg10[%get3A_309, %get3A_310] {strides = array<i32>} : memref<16x512xf32, #tpu.memory_space<vmem>>, vector<16xf32>,
        %get3A_312 = arith.index_cast %scan3A_223 : i32 to index
        %get3A_313 = arith.constant 112 : index
        %get3A_314 = tpu.vector_load %arg14[%get3A_312, %get3A_313] {strides = array<i32>} : memref<16x512xf32, #tpu.memory_space<vmem>>, vector<16xf32>,
        %sub3A_315 = arith.subf %get3A_311, %get3A_314 : vector<16xf32>
        %mul3A_316 = arith.mulf %gather3A, %sub3A_315 : vector<16xf32>
        %add3A_317 = arith.addf %get3A_314, %mul3A_316 : vector<16xf32>
        %swap3A_318 = arith.index_cast %scan3A_223 : i32 to index
        %swap3A_319 = arith.constant 112 : index
        %swap3A_320 = tpu.vector_load %arg18[%swap3A_318, %swap3A_319] {strides = array<i32>} : memref<16x512xf32, #tpu.memory_space<vmem>>, vector<16xf32>,
        tpu.vector_store %arg18[%swap3A_318, %swap3A_319], %add3A_317 {strides = array<i32>} : memref<16x512xf32, #tpu.memory_space<vmem>>, vector<16xf32>,
        %get3A_321 = arith.index_cast %scan3A_223 : i32 to index
        %get3A_322 = arith.constant 128 : index
        %get3A_323 = tpu.vector_load %arg10[%get3A_321, %get3A_322] {strides = array<i32>} : memref<16x512xf32, #tpu.memory_space<vmem>>, vector<16xf32>,
        %get3A_324 = arith.index_cast %scan3A_223 : i32 to index
        %get3A_325 = arith.constant 128 : index
        %get3A_326 = tpu.vector_load %arg14[%get3A_324, %get3A_325] {strides = array<i32>} : memref<16x512xf32, #tpu.memory_space<vmem>>, vector<16xf32>,
        %sub3A_327 = arith.subf %get3A_323, %get3A_326 : vector<16xf32>
        %mul3A_328 = arith.mulf %gather3A, %sub3A_327 : vector<16xf32>
        %add3A_329 = arith.addf %get3A_326, %mul3A_328 : vector<16xf32>
        %swap3A_330 = arith.index_cast %scan3A_223 : i32 to index
        %swap3A_331 = arith.constant 128 : index
        %swap3A_332 = tpu.vector_load %arg18[%swap3A_330, %swap3A_331] {strides = array<i32>} : memref<16x512xf32, #tpu.memory_space<vmem>>, vector<16xf32>,
        tpu.vector_store %arg18[%swap3A_330, %swap3A_331], %add3A_329 {strides = array<i32>} : memref<16x512xf32, #tpu.memory_space<vmem>>, vector<16xf32>,
        %get3A_333 = arith.index_cast %scan3A_223 : i32 to index
        %get3A_334 = arith.constant 144 : index
        %get3A_335 = tpu.vector_load %arg10[%get3A_333, %get3A_334] {strides = array<i32>} : memref<16x512xf32, #tpu.memory_space<vmem>>, vector<16xf32>,
        %get3A_336 = arith.index_cast %scan3A_223 : i32 to index
        %get3A_337 = arith.constant 144 : index
        %get3A_338 = tpu.vector_load %arg14[%get3A_336, %get3A_337] {strides = array<i32>} : memref<16x512xf32, #tpu.memory_space<vmem>>, vector<16xf32>,
        %sub3A_339 = arith.subf %get3A_335, %get3A_338 : vector<16xf32>
        %mul3A_340 = arith.mulf %gather3A, %sub3A_339 : vector<16xf32>
        %add3A_341 = arith.addf %get3A_338, %mul3A_340 : vector<16xf32>
        %swap3A_342 = arith.index_cast %scan3A_223 : i32 to index
        %swap3A_343 = arith.constant 144 : index
        %swap3A_344 = tpu.vector_load %arg18[%swap3A_342, %swap3A_343] {strides = array<i32>} : memref<16x512xf32, #tpu.memory_space<vmem>>, vector<16xf32>,
        tpu.vector_store %arg18[%swap3A_342, %swap3A_343], %add3A_341 {strides = array<i32>} : memref<16x512xf32, #tpu.memory_space<vmem>>, vector<16xf32>,
        %get3A_345 = arith.index_cast %scan3A_223 : i32 to index
        %get3A_346 = arith.constant 160 : index
        %get3A_347 = tpu.vector_load %arg10[%get3A_345, %get3A_346] {strides = array<i32>} : memref<16x512xf32, #tpu.memory_space<vmem>>, vector<16xf32>,
        %get3A_348 = arith.index_cast %scan3A_223 : i32 to index
        %get3A_349 = arith.constant 160 : index
        %get3A_350 = tpu.vector_load %arg14[%get3A_348, %get3A_349] {strides = array<i32>} : memref<16x512xf32, #tpu.memory_space<vmem>>, vector<16xf32>,
        %sub3A_351 = arith.subf %get3A_347, %get3A_350 : vector<16xf32>
        %mul3A_352 = arith.mulf %gather3A, %sub3A_351 : vector<16xf32>
        %add3A_353 = arith.addf %get3A_350, %mul3A_352 : vector<16xf32>
        %swap3A_354 = arith.index_cast %scan3A_223 : i32 to index
        %swap3A_355 = arith.constant 160 : index
        %swap3A_356 = tpu.vector_load %arg18[%swap3A_354, %swap3A_355] {strides = array<i32>} : memref<16x512xf32, #tpu.memory_space<vmem>>, vector<16xf32>,
        tpu.vector_store %arg18[%swap3A_354, %swap3A_355], %add3A_353 {strides = array<i32>} : memref<16x512xf32, #tpu.memory_space<vmem>>, vector<16xf32>,
        %get3A_357 = arith.index_cast %scan3A_223 : i32 to index
        %get3A_358 = arith.constant 176 : index
        %get3A_359 = tpu.vector_load %arg10[%get3A_357, %get3A_358] {strides = array<i32>} : memref<16x512xf32, #tpu.memory_space<vmem>>, vector<16xf32>,
        %get3A_360 = arith.index_cast %scan3A_223 : i32 to index
        %get3A_361 = arith.constant 176 : index
        %get3A_362 = tpu.vector_load %arg14[%get3A_360, %get3A_361] {strides = array<i32>} : memref<16x512xf32, #tpu.memory_space<vmem>>, vector<16xf32>,
        %sub3A_363 = arith.subf %get3A_359, %get3A_362 : vector<16xf32>
        %mul3A_364 = arith.mulf %gather3A, %sub3A_363 : vector<16xf32>
        %add3A_365 = arith.addf %get3A_362, %mul3A_364 : vector<16xf32>
        %swap3A_366 = arith.index_cast %scan3A_223 : i32 to index
        %swap3A_367 = arith.constant 176 : index
        %swap3A_368 = tpu.vector_load %arg18[%swap3A_366, %swap3A_367] {strides = array<i32>} : memref<16x512xf32, #tpu.memory_space<vmem>>, vector<16xf32>,
        tpu.vector_store %arg18[%swap3A_366, %swap3A_367], %add3A_365 {strides = array<i32>} : memref<16x512xf32, #tpu.memory_space<vmem>>, vector<16xf32>,
        %get3A_369 = arith.index_cast %scan3A_223 : i32 to index
        %get3A_370 = arith.constant 192 : index
        %get3A_371 = tpu.vector_load %arg10[%get3A_369, %get3A_370] {strides = array<i32>} : memref<16x512xf32, #tpu.memory_space<vmem>>, vector<16xf32>,
        %get3A_372 = arith.index_cast %scan3A_223 : i32 to index
        %get3A_373 = arith.constant 192 : index
        %get3A_374 = tpu.vector_load %arg14[%get3A_372, %get3A_373] {strides = array<i32>} : memref<16x512xf32, #tpu.memory_space<vmem>>, vector<16xf32>,
        %sub3A_375 = arith.subf %get3A_371, %get3A_374 : vector<16xf32>
        %mul3A_376 = arith.mulf %gather3A, %sub3A_375 : vector<16xf32>
        %add3A_377 = arith.addf %get3A_374, %mul3A_376 : vector<16xf32>
        %swap3A_378 = arith.index_cast %scan3A_223 : i32 to index
        %swap3A_379 = arith.constant 192 : index
        %swap3A_380 = tpu.vector_load %arg18[%swap3A_378, %swap3A_379] {strides = array<i32>} : memref<16x512xf32, #tpu.memory_space<vmem>>, vector<16xf32>,
        tpu.vector_store %arg18[%swap3A_378, %swap3A_379], %add3A_377 {strides = array<i32>} : memref<16x512xf32, #tpu.memory_space<vmem>>, vector<16xf32>,
        %get3A_381 = arith.index_cast %scan3A_223 : i32 to index
        %get3A_382 = arith.constant 208 : index
        %get3A_383 = tpu.vector_load %arg10[%get3A_381, %get3A_382] {strides = array<i32>} : memref<16x512xf32, #tpu.memory_space<vmem>>, vector<16xf32>,
        %get3A_384 = arith.index_cast %scan3A_223 : i32 to index
        %get3A_385 = arith.constant 208 : index
        %get3A_386 = tpu.vector_load %arg14[%get3A_384, %get3A_385] {strides = array<i32>} : memref<16x512xf32, #tpu.memory_space<vmem>>, vector<16xf32>,
        %sub3A_387 = arith.subf %get3A_383, %get3A_386 : vector<16xf32>
        %mul3A_388 = arith.mulf %gather3A, %sub3A_387 : vector<16xf32>
        %add3A_389 = arith.addf %get3A_386, %mul3A_388 : vector<16xf32>
        %swap3A_390 = arith.index_cast %scan3A_223 : i32 to index
        %swap3A_391 = arith.constant 208 : index
        %swap3A_392 = tpu.vector_load %arg18[%swap3A_390, %swap3A_391] {strides = array<i32>} : memref<16x512xf32, #tpu.memory_space<vmem>>, vector<16xf32>,
        tpu.vector_store %arg18[%swap3A_390, %swap3A_391], %add3A_389 {strides = array<i32>} : memref<16x512xf32, #tpu.memory_space<vmem>>, vector<16xf32>,
        %get3A_393 = arith.index_cast %scan3A_223 : i32 to index
        %get3A_394 = arith.constant 224 : index
        %get3A_395 = tpu.vector_load %arg10[%get3A_393, %get3A_394] {strides = array<i32>} : memref<16x512xf32, #tpu.memory_space<vmem>>, vector<16xf32>,
        %get3A_396 = arith.index_cast %scan3A_223 : i32 to index
        %get3A_397 = arith.constant 224 : index
        %get3A_398 = tpu.vector_load %arg14[%get3A_396, %get3A_397] {strides = array<i32>} : memref<16x512xf32, #tpu.memory_space<vmem>>, vector<16xf32>,
        %sub3A_399 = arith.subf %get3A_395, %get3A_398 : vector<16xf32>
        %mul3A_400 = arith.mulf %gather3A, %sub3A_399 : vector<16xf32>
        %add3A_401 = arith.addf %get3A_398, %mul3A_400 : vector<16xf32>
        %swap3A_402 = arith.index_cast %scan3A_223 : i32 to index
        %swap3A_403 = arith.constant 224 : index
        %swap3A_404 = tpu.vector_load %arg18[%swap3A_402, %swap3A_403] {strides = array<i32>} : memref<16x512xf32, #tpu.memory_space<vmem>>, vector<16xf32>,
        tpu.vector_store %arg18[%swap3A_402, %swap3A_403], %add3A_401 {strides = array<i32>} : memref<16x512xf32, #tpu.memory_space<vmem>>, vector<16xf32>,
        %get3A_405 = arith.index_cast %scan3A_223 : i32 to index
        %get3A_406 = arith.constant 240 : index
        %get3A_407 = tpu.vector_load %arg10[%get3A_405, %get3A_406] {strides = array<i32>} : memref<16x512xf32, #tpu.memory_space<vmem>>, vector<16xf32>,
        %get3A_408 = arith.index_cast %scan3A_223 : i32 to index
        %get3A_409 = arith.constant 240 : index
        %get3A_410 = tpu.vector_load %arg14[%get3A_408, %get3A_409] {strides = array<i32>} : memref<16x512xf32, #tpu.memory_space<vmem>>, vector<16xf32>,
        %sub3A_411 = arith.subf %get3A_407, %get3A_410 : vector<16xf32>
        %mul3A_412 = arith.mulf %gather3A, %sub3A_411 : vector<16xf32>
        %add3A_413 = arith.addf %get3A_410, %mul3A_412 : vector<16xf32>
        %swap3A_414 = arith.index_cast %scan3A_223 : i32 to index
        %swap3A_415 = arith.constant 240 : index
        %swap3A_416 = tpu.vector_load %arg18[%swap3A_414, %swap3A_415] {strides = array<i32>} : memref<16x512xf32, #tpu.memory_space<vmem>>, vector<16xf32>,
        tpu.vector_store %arg18[%swap3A_414, %swap3A_415], %add3A_413 {strides = array<i32>} : memref<16x512xf32, #tpu.memory_space<vmem>>, vector<16xf32>,
        %get3A_417 = arith.index_cast %scan3A_223 : i32 to index
        %get3A_418 = arith.constant 256 : index
        %get3A_419 = tpu.vector_load %arg10[%get3A_417, %get3A_418] {strides = array<i32>} : memref<16x512xf32, #tpu.memory_space<vmem>>, vector<16xf32>,
        %get3A_420 = arith.index_cast %scan3A_223 : i32 to index
        %get3A_421 = arith.constant 256 : index
        %get3A_422 = tpu.vector_load %arg14[%get3A_420, %get3A_421] {strides = array<i32>} : memref<16x512xf32, #tpu.memory_space<vmem>>, vector<16xf32>,
        %sub3A_423 = arith.subf %get3A_419, %get3A_422 : vector<16xf32>
        %mul3A_424 = arith.mulf %gather3A, %sub3A_423 : vector<16xf32>
        %add3A_425 = arith.addf %get3A_422, %mul3A_424 : vector<16xf32>
        %swap3A_426 = arith.index_cast %scan3A_223 : i32 to index
        %swap3A_427 = arith.constant 256 : index
        %swap3A_428 = tpu.vector_load %arg18[%swap3A_426, %swap3A_427] {strides = array<i32>} : memref<16x512xf32, #tpu.memory_space<vmem>>, vector<16xf32>,
        tpu.vector_store %arg18[%swap3A_426, %swap3A_427], %add3A_425 {strides = array<i32>} : memref<16x512xf32, #tpu.memory_space<vmem>>, vector<16xf32>,
        %get3A_429 = arith.index_cast %scan3A_223 : i32 to index
        %get3A_430 = arith.constant 272 : index
        %get3A_431 = tpu.vector_load %arg10[%get3A_429, %get3A_430] {strides = array<i32>} : memref<16x512xf32, #tpu.memory_space<vmem>>, vector<16xf32>,
        %get3A_432 = arith.index_cast %scan3A_223 : i32 to index
        %get3A_433 = arith.constant 272 : index
        %get3A_434 = tpu.vector_load %arg14[%get3A_432, %get3A_433] {strides = array<i32>} : memref<16x512xf32, #tpu.memory_space<vmem>>, vector<16xf32>,
        %sub3A_435 = arith.subf %get3A_431, %get3A_434 : vector<16xf32>
        %mul3A_436 = arith.mulf %gather3A, %sub3A_435 : vector<16xf32>
        %add3A_437 = arith.addf %get3A_434, %mul3A_436 : vector<16xf32>
        %swap3A_438 = arith.index_cast %scan3A_223 : i32 to index
        %swap3A_439 = arith.constant 272 : index
        %swap3A_440 = tpu.vector_load %arg18[%swap3A_438, %swap3A_439] {strides = array<i32>} : memref<16x512xf32, #tpu.memory_space<vmem>>, vector<16xf32>,
        tpu.vector_store %arg18[%swap3A_438, %swap3A_439], %add3A_437 {strides = array<i32>} : memref<16x512xf32, #tpu.memory_space<vmem>>, vector<16xf32>,
        %get3A_441 = arith.index_cast %scan3A_223 : i32 to index
        %get3A_442 = arith.constant 288 : index
        %get3A_443 = tpu.vector_load %arg10[%get3A_441, %get3A_442] {strides = array<i32>} : memref<16x512xf32, #tpu.memory_space<vmem>>, vector<16xf32>,
        %get3A_444 = arith.index_cast %scan3A_223 : i32 to index
        %get3A_445 = arith.constant 288 : index
        %get3A_446 = tpu.vector_load %arg14[%get3A_444, %get3A_445] {strides = array<i32>} : memref<16x512xf32, #tpu.memory_space<vmem>>, vector<16xf32>,
        %sub3A_447 = arith.subf %get3A_443, %get3A_446 : vector<16xf32>
        %mul3A_448 = arith.mulf %gather3A, %sub3A_447 : vector<16xf32>
        %add3A_449 = arith.addf %get3A_446, %mul3A_448 : vector<16xf32>
        %swap3A_450 = arith.index_cast %scan3A_223 : i32 to index
        %swap3A_451 = arith.constant 288 : index
        %swap3A_452 = tpu.vector_load %arg18[%swap3A_450, %swap3A_451] {strides = array<i32>} : memref<16x512xf32, #tpu.memory_space<vmem>>, vector<16xf32>,
        tpu.vector_store %arg18[%swap3A_450, %swap3A_451], %add3A_449 {strides = array<i32>} : memref<16x512xf32, #tpu.memory_space<vmem>>, vector<16xf32>,
        %get3A_453 = arith.index_cast %scan3A_223 : i32 to index
        %get3A_454 = arith.constant 304 : index
        %get3A_455 = tpu.vector_load %arg10[%get3A_453, %get3A_454] {strides = array<i32>} : memref<16x512xf32, #tpu.memory_space<vmem>>, vector<16xf32>,
        %get3A_456 = arith.index_cast %scan3A_223 : i32 to index
        %get3A_457 = arith.constant 304 : index
        %get3A_458 = tpu.vector_load %arg14[%get3A_456, %get3A_457] {strides = array<i32>} : memref<16x512xf32, #tpu.memory_space<vmem>>, vector<16xf32>,
        %sub3A_459 = arith.subf %get3A_455, %get3A_458 : vector<16xf32>
        %mul3A_460 = arith.mulf %gather3A, %sub3A_459 : vector<16xf32>
        %add3A_461 = arith.addf %get3A_458, %mul3A_460 : vector<16xf32>
        %swap3A_462 = arith.index_cast %scan3A_223 : i32 to index
        %swap3A_463 = arith.constant 304 : index
        %swap3A_464 = tpu.vector_load %arg18[%swap3A_462, %swap3A_463] {strides = array<i32>} : memref<16x512xf32, #tpu.memory_space<vmem>>, vector<16xf32>,
        tpu.vector_store %arg18[%swap3A_462, %swap3A_463], %add3A_461 {strides = array<i32>} : memref<16x512xf32, #tpu.memory_space<vmem>>, vector<16xf32>,
        %get3A_465 = arith.index_cast %scan3A_223 : i32 to index
        %get3A_466 = arith.constant 320 : index
        %get3A_467 = tpu.vector_load %arg10[%get3A_465, %get3A_466] {strides = array<i32>} : memref<16x512xf32, #tpu.memory_space<vmem>>, vector<16xf32>,
        %get3A_468 = arith.index_cast %scan3A_223 : i32 to index
        %get3A_469 = arith.constant 320 : index
        %get3A_470 = tpu.vector_load %arg14[%get3A_468, %get3A_469] {strides = array<i32>} : memref<16x512xf32, #tpu.memory_space<vmem>>, vector<16xf32>,
        %sub3A_471 = arith.subf %get3A_467, %get3A_470 : vector<16xf32>
        %mul3A_472 = arith.mulf %gather3A, %sub3A_471 : vector<16xf32>
        %add3A_473 = arith.addf %get3A_470, %mul3A_472 : vector<16xf32>
        %swap3A_474 = arith.index_cast %scan3A_223 : i32 to index
        %swap3A_475 = arith.constant 320 : index
        %swap3A_476 = tpu.vector_load %arg18[%swap3A_474, %swap3A_475] {strides = array<i32>} : memref<16x512xf32, #tpu.memory_space<vmem>>, vector<16xf32>,
        tpu.vector_store %arg18[%swap3A_474, %swap3A_475], %add3A_473 {strides = array<i32>} : memref<16x512xf32, #tpu.memory_space<vmem>>, vector<16xf32>,
        %get3A_477 = arith.index_cast %scan3A_223 : i32 to index
        %get3A_478 = arith.constant 336 : index
        %get3A_479 = tpu.vector_load %arg10[%get3A_477, %get3A_478] {strides = array<i32>} : memref<16x512xf32, #tpu.memory_space<vmem>>, vector<16xf32>,
        %get3A_480 = arith.index_cast %scan3A_223 : i32 to index
        %get3A_481 = arith.constant 336 : index
        %get3A_482 = tpu.vector_load %arg14[%get3A_480, %get3A_481] {strides = array<i32>} : memref<16x512xf32, #tpu.memory_space<vmem>>, vector<16xf32>,
        %sub3A_483 = arith.subf %get3A_479, %get3A_482 : vector<16xf32>
        %mul3A_484 = arith.mulf %gather3A, %sub3A_483 : vector<16xf32>
        %add3A_485 = arith.addf %get3A_482, %mul3A_484 : vector<16xf32>
        %swap3A_486 = arith.index_cast %scan3A_223 : i32 to index
        %swap3A_487 = arith.constant 336 : index
        %swap3A_488 = tpu.vector_load %arg18[%swap3A_486, %swap3A_487] {strides = array<i32>} : memref<16x512xf32, #tpu.memory_space<vmem>>, vector<16xf32>,
        tpu.vector_store %arg18[%swap3A_486, %swap3A_487], %add3A_485 {strides = array<i32>} : memref<16x512xf32, #tpu.memory_space<vmem>>, vector<16xf32>,
        %get3A_489 = arith.index_cast %scan3A_223 : i32 to index
        %get3A_490 = arith.constant 352 : index
        %get3A_491 = tpu.vector_load %arg10[%get3A_489, %get3A_490] {strides = array<i32>} : memref<16x512xf32, #tpu.memory_space<vmem>>, vector<16xf32>,
        %get3A_492 = arith.index_cast %scan3A_223 : i32 to index
        %get3A_493 = arith.constant 352 : index
        %get3A_494 = tpu.vector_load %arg14[%get3A_492, %get3A_493] {strides = array<i32>} : memref<16x512xf32, #tpu.memory_space<vmem>>, vector<16xf32>,
        %sub3A_495 = arith.subf %get3A_491, %get3A_494 : vector<16xf32>
        %mul3A_496 = arith.mulf %gather3A, %sub3A_495 : vector<16xf32>
        %add3A_497 = arith.addf %get3A_494, %mul3A_496 : vector<16xf32>
        %swap3A_498 = arith.index_cast %scan3A_223 : i32 to index
        %swap3A_499 = arith.constant 352 : index
        %swap3A_500 = tpu.vector_load %arg18[%swap3A_498, %swap3A_499] {strides = array<i32>} : memref<16x512xf32, #tpu.memory_space<vmem>>, vector<16xf32>,
        tpu.vector_store %arg18[%swap3A_498, %swap3A_499], %add3A_497 {strides = array<i32>} : memref<16x512xf32, #tpu.memory_space<vmem>>, vector<16xf32>,
        %get3A_501 = arith.index_cast %scan3A_223 : i32 to index
        %get3A_502 = arith.constant 368 : index
        %get3A_503 = tpu.vector_load %arg10[%get3A_501, %get3A_502] {strides = array<i32>} : memref<16x512xf32, #tpu.memory_space<vmem>>, vector<16xf32>,
        %get3A_504 = arith.index_cast %scan3A_223 : i32 to index
        %get3A_505 = arith.constant 368 : index
        %get3A_506 = tpu.vector_load %arg14[%get3A_504, %get3A_505] {strides = array<i32>} : memref<16x512xf32, #tpu.memory_space<vmem>>, vector<16xf32>,
        %sub3A_507 = arith.subf %get3A_503, %get3A_506 : vector<16xf32>
        %mul3A_508 = arith.mulf %gather3A, %sub3A_507 : vector<16xf32>
        %add3A_509 = arith.addf %get3A_506, %mul3A_508 : vector<16xf32>
        %swap3A_510 = arith.index_cast %scan3A_223 : i32 to index
        %swap3A_511 = arith.constant 368 : index
        %swap3A_512 = tpu.vector_load %arg18[%swap3A_510, %swap3A_511] {strides = array<i32>} : memref<16x512xf32, #tpu.memory_space<vmem>>, vector<16xf32>,
        tpu.vector_store %arg18[%swap3A_510, %swap3A_511], %add3A_509 {strides = array<i32>} : memref<16x512xf32, #tpu.memory_space<vmem>>, vector<16xf32>,
        %get3A_513 = arith.index_cast %scan3A_223 : i32 to index
        %get3A_514 = arith.constant 384 : index
        %get3A_515 = tpu.vector_load %arg10[%get3A_513, %get3A_514] {strides = array<i32>} : memref<16x512xf32, #tpu.memory_space<vmem>>, vector<16xf32>,
        %get3A_516 = arith.index_cast %scan3A_223 : i32 to index
        %get3A_517 = arith.constant 384 : index
        %get3A_518 = tpu.vector_load %arg14[%get3A_516, %get3A_517] {strides = array<i32>} : memref<16x512xf32, #tpu.memory_space<vmem>>, vector<16xf32>,
        %sub3A_519 = arith.subf %get3A_515, %get3A_518 : vector<16xf32>
        %mul3A_520 = arith.mulf %gather3A, %sub3A_519 : vector<16xf32>
        %add3A_521 = arith.addf %get3A_518, %mul3A_520 : vector<16xf32>
        %swap3A_522 = arith.index_cast %scan3A_223 : i32 to index
        %swap3A_523 = arith.constant 384 : index
        %swap3A_524 = tpu.vector_load %arg18[%swap3A_522, %swap3A_523] {strides = array<i32>} : memref<16x512xf32, #tpu.memory_space<vmem>>, vector<16xf32>,
        tpu.vector_store %arg18[%swap3A_522, %swap3A_523], %add3A_521 {strides = array<i32>} : memref<16x512xf32, #tpu.memory_space<vmem>>, vector<16xf32>,
        %get3A_525 = arith.index_cast %scan3A_223 : i32 to index
        %get3A_526 = arith.constant 400 : index
        %get3A_527 = tpu.vector_load %arg10[%get3A_525, %get3A_526] {strides = array<i32>} : memref<16x512xf32, #tpu.memory_space<vmem>>, vector<16xf32>,
        %get3A_528 = arith.index_cast %scan3A_223 : i32 to index
        %get3A_529 = arith.constant 400 : index
        %get3A_530 = tpu.vector_load %arg14[%get3A_528, %get3A_529] {strides = array<i32>} : memref<16x512xf32, #tpu.memory_space<vmem>>, vector<16xf32>,
        %sub3A_531 = arith.subf %get3A_527, %get3A_530 : vector<16xf32>
        %mul3A_532 = arith.mulf %gather3A, %sub3A_531 : vector<16xf32>
        %add3A_533 = arith.addf %get3A_530, %mul3A_532 : vector<16xf32>
        %swap3A_534 = arith.index_cast %scan3A_223 : i32 to index
        %swap3A_535 = arith.constant 400 : index
        %swap3A_536 = tpu.vector_load %arg18[%swap3A_534, %swap3A_535] {strides = array<i32>} : memref<16x512xf32, #tpu.memory_space<vmem>>, vector<16xf32>,
        tpu.vector_store %arg18[%swap3A_534, %swap3A_535], %add3A_533 {strides = array<i32>} : memref<16x512xf32, #tpu.memory_space<vmem>>, vector<16xf32>,
        %get3A_537 = arith.index_cast %scan3A_223 : i32 to index
        %get3A_538 = arith.constant 416 : index
        %get3A_539 = tpu.vector_load %arg10[%get3A_537, %get3A_538] {strides = array<i32>} : memref<16x512xf32, #tpu.memory_space<vmem>>, vector<16xf32>,
        %get3A_540 = arith.index_cast %scan3A_223 : i32 to index
        %get3A_541 = arith.constant 416 : index
        %get3A_542 = tpu.vector_load %arg14[%get3A_540, %get3A_541] {strides = array<i32>} : memref<16x512xf32, #tpu.memory_space<vmem>>, vector<16xf32>,
        %sub3A_543 = arith.subf %get3A_539, %get3A_542 : vector<16xf32>
        %mul3A_544 = arith.mulf %gather3A, %sub3A_543 : vector<16xf32>
        %add3A_545 = arith.addf %get3A_542, %mul3A_544 : vector<16xf32>
        %swap3A_546 = arith.index_cast %scan3A_223 : i32 to index
        %swap3A_547 = arith.constant 416 : index
        %swap3A_548 = tpu.vector_load %arg18[%swap3A_546, %swap3A_547] {strides = array<i32>} : memref<16x512xf32, #tpu.memory_space<vmem>>, vector<16xf32>,
        tpu.vector_store %arg18[%swap3A_546, %swap3A_547], %add3A_545 {strides = array<i32>} : memref<16x512xf32, #tpu.memory_space<vmem>>, vector<16xf32>,
        %get3A_549 = arith.index_cast %scan3A_223 : i32 to index
        %get3A_550 = arith.constant 432 : index
        %get3A_551 = tpu.vector_load %arg10[%get3A_549, %get3A_550] {strides = array<i32>} : memref<16x512xf32, #tpu.memory_space<vmem>>, vector<16xf32>,
        %get3A_552 = arith.index_cast %scan3A_223 : i32 to index
        %get3A_553 = arith.constant 432 : index
        %get3A_554 = tpu.vector_load %arg14[%get3A_552, %get3A_553] {strides = array<i32>} : memref<16x512xf32, #tpu.memory_space<vmem>>, vector<16xf32>,
        %sub3A_555 = arith.subf %get3A_551, %get3A_554 : vector<16xf32>
        %mul3A_556 = arith.mulf %gather3A, %sub3A_555 : vector<16xf32>
        %add3A_557 = arith.addf %get3A_554, %mul3A_556 : vector<16xf32>
        %swap3A_558 = arith.index_cast %scan3A_223 : i32 to index
        %swap3A_559 = arith.constant 432 : index
        %swap3A_560 = tpu.vector_load %arg18[%swap3A_558, %swap3A_559] {strides = array<i32>} : memref<16x512xf32, #tpu.memory_space<vmem>>, vector<16xf32>,
        tpu.vector_store %arg18[%swap3A_558, %swap3A_559], %add3A_557 {strides = array<i32>} : memref<16x512xf32, #tpu.memory_space<vmem>>, vector<16xf32>,
        %get3A_561 = arith.index_cast %scan3A_223 : i32 to index
        %get3A_562 = arith.constant 448 : index
        %get3A_563 = tpu.vector_load %arg10[%get3A_561, %get3A_562] {strides = array<i32>} : memref<16x512xf32, #tpu.memory_space<vmem>>, vector<16xf32>,
        %get3A_564 = arith.index_cast %scan3A_223 : i32 to index
        %get3A_565 = arith.constant 448 : index
        %get3A_566 = tpu.vector_load %arg14[%get3A_564, %get3A_565] {strides = array<i32>} : memref<16x512xf32, #tpu.memory_space<vmem>>, vector<16xf32>,
        %sub3A_567 = arith.subf %get3A_563, %get3A_566 : vector<16xf32>
        %mul3A_568 = arith.mulf %gather3A, %sub3A_567 : vector<16xf32>
        %add3A_569 = arith.addf %get3A_566, %mul3A_568 : vector<16xf32>
        %swap3A_570 = arith.index_cast %scan3A_223 : i32 to index
        %swap3A_571 = arith.constant 448 : index
        %swap3A_572 = tpu.vector_load %arg18[%swap3A_570, %swap3A_571] {strides = array<i32>} : memref<16x512xf32, #tpu.memory_space<vmem>>, vector<16xf32>,
        tpu.vector_store %arg18[%swap3A_570, %swap3A_571], %add3A_569 {strides = array<i32>} : memref<16x512xf32, #tpu.memory_space<vmem>>, vector<16xf32>,
        %get3A_573 = arith.index_cast %scan3A_223 : i32 to index
        %get3A_574 = arith.constant 464 : index
        %get3A_575 = tpu.vector_load %arg10[%get3A_573, %get3A_574] {strides = array<i32>} : memref<16x512xf32, #tpu.memory_space<vmem>>, vector<16xf32>,
        %get3A_576 = arith.index_cast %scan3A_223 : i32 to index
        %get3A_577 = arith.constant 464 : index
        %get3A_578 = tpu.vector_load %arg14[%get3A_576, %get3A_577] {strides = array<i32>} : memref<16x512xf32, #tpu.memory_space<vmem>>, vector<16xf32>,
        %sub3A_579 = arith.subf %get3A_575, %get3A_578 : vector<16xf32>
        %mul3A_580 = arith.mulf %gather3A, %sub3A_579 : vector<16xf32>
        %add3A_581 = arith.addf %get3A_578, %mul3A_580 : vector<16xf32>
        %swap3A_582 = arith.index_cast %scan3A_223 : i32 to index
        %swap3A_583 = arith.constant 464 : index
        %swap3A_584 = tpu.vector_load %arg18[%swap3A_582, %swap3A_583] {strides = array<i32>} : memref<16x512xf32, #tpu.memory_space<vmem>>, vector<16xf32>,
        tpu.vector_store %arg18[%swap3A_582, %swap3A_583], %add3A_581 {strides = array<i32>} : memref<16x512xf32, #tpu.memory_space<vmem>>, vector<16xf32>,
        %get3A_585 = arith.index_cast %scan3A_223 : i32 to index
        %get3A_586 = arith.constant 480 : index
        %get3A_587 = tpu.vector_load %arg10[%get3A_585, %get3A_586] {strides = array<i32>} : memref<16x512xf32, #tpu.memory_space<vmem>>, vector<16xf32>,
        %get3A_588 = arith.index_cast %scan3A_223 : i32 to index
        %get3A_589 = arith.constant 480 : index
        %get3A_590 = tpu.vector_load %arg14[%get3A_588, %get3A_589] {strides = array<i32>} : memref<16x512xf32, #tpu.memory_space<vmem>>, vector<16xf32>,
        %sub3A_591 = arith.subf %get3A_587, %get3A_590 : vector<16xf32>
        %mul3A_592 = arith.mulf %gather3A, %sub3A_591 : vector<16xf32>
        %add3A_593 = arith.addf %get3A_590, %mul3A_592 : vector<16xf32>
        %swap3A_594 = arith.index_cast %scan3A_223 : i32 to index
        %swap3A_595 = arith.constant 480 : index
        %swap3A_596 = tpu.vector_load %arg18[%swap3A_594, %swap3A_595] {strides = array<i32>} : memref<16x512xf32, #tpu.memory_space<vmem>>, vector<16xf32>,
        tpu.vector_store %arg18[%swap3A_594, %swap3A_595], %add3A_593 {strides = array<i32>} : memref<16x512xf32, #tpu.memory_space<vmem>>, vector<16xf32>,
        %get3A_597 = arith.index_cast %scan3A_223 : i32 to index
        %get3A_598 = arith.constant 496 : index
        %get3A_599 = tpu.vector_load %arg10[%get3A_597, %get3A_598] {strides = array<i32>} : memref<16x512xf32, #tpu.memory_space<vmem>>, vector<16xf32>,
        %get3A_600 = arith.index_cast %scan3A_223 : i32 to index
        %get3A_601 = arith.constant 496 : index
        %get3A_602 = tpu.vector_load %arg14[%get3A_600, %get3A_601] {strides = array<i32>} : memref<16x512xf32, #tpu.memory_space<vmem>>, vector<16xf32>,
        %sub3A_603 = arith.subf %get3A_599, %get3A_602 : vector<16xf32>
        %mul3A_604 = arith.mulf %gather3A, %sub3A_603 : vector<16xf32>
        %add3A_605 = arith.addf %get3A_602, %mul3A_604 : vector<16xf32>
        %swap3A_606 = arith.index_cast %scan3A_223 : i32 to index
        %swap3A_607 = arith.constant 496 : index
        %swap3A_608 = tpu.vector_load %arg18[%swap3A_606, %swap3A_607] {strides = array<i32>} : memref<16x512xf32, #tpu.memory_space<vmem>>, vector<16xf32>,
        tpu.vector_store %arg18[%swap3A_606, %swap3A_607], %add3A_605 {strides = array<i32>} : memref<16x512xf32, #tpu.memory_space<vmem>>, vector<16xf32>,
      }
      %scan3A_82 = arith.constant 16 : i32
      %mul3A_83 = arith.constant 16 : i32
      %mul3A_84 = arith.muli %add3A_63, %mul3A_83 : i32
      %add3A_85 = arith.addi %mul3A_2, %mul3A_84 : i32
      %dma_start3A_86 = arith.constant 0 : i32
      %dma_start3A_87 = tpu.memref_slice %arg6[%add3A_85, %dma_start3A_86] : memref<65536x512xf32, #tpu.memory_space<hbm>> -> memref<16x512xf32, #tpu.memory_space<hbm>>
      %dma_start3A_88 = arith.constant 0 : i32
      %dma_start3A_89 = tpu.memref_slice %arg6[%add3A_85, %dma_start3A_88] : memref<65536x512xf32, #tpu.memory_space<hbm>> -> memref<16x512xf32, #tpu.memory_space<hbm>>
      tpu.enqueue_dma source(%arg18 : memref<16x512xf32, #tpu.memory_space<vmem>>) target(%dma_start3A_89 : memref<16x512xf32, #tpu.memory_space<hbm>>) target_semaphore(%arg30 : memref<!tpu.dma_semaphore, #tpu.memory_space<semaphore_mem>>)
      %add3A_90 = arith.constant 4 : i32
      %add3A_91 = arith.addi %add3A_63, %add3A_90 : i32
      %sub3A = arith.constant 1 : i32
      %sub3A_92 = arith.subi %add3A_91, %sub3A : i32
      %lt3A = arith.constant 128 : i32
      %lt3A_93 = arith.cmpi slt, %sub3A_92, %lt3A : i32
      %convert_element_type3A_94 = arith.extui %lt3A_93 : i1 to i32
      %cond3A_95 = arith.constant 0 : i32
      %cond3A_96 = arith.cmpi ne, %convert_element_type3A_94, %cond3A_95 : i32
      scf.if %cond3A_96 {
        %add3A_223 = arith.constant 4 : i32
        %add3A_224 = arith.addi %add3A_63, %add3A_223 : i32
        %sub3A_225 = arith.constant 1 : i32
        %sub3A_226 = arith.subi %add3A_224, %sub3A_225 : i32
        %mul3A_227 = arith.constant 16 : i32
        %mul3A_228 = arith.muli %sub3A_226, %mul3A_227 : i32
        %dma_start3A_229 = tpu.memref_slice %arg7[%mul3A_228] : memref<2048xi32, #tpu.memory_space<vmem>> -> memref<16xi32, #tpu.memory_space<vmem>>
        %dma_start3A_230 = arith.constant 0 : i32
        %dma_start3A_231 = arith.constant 0 : i32
        %dma_start3A_232 = tpu.memref_slice %arg2[%dma_start3A_230, %dma_start3A_231] : memref<16384x512xf32, #tpu.memory_space<hbm>> -> memref<16384x512xf32, #tpu.memory_space<hbm>>
        tpu.enqueue_indirect_dma source(%dma_start3A_232 : memref<16384x512xf32, #tpu.memory_space<hbm>>) target(%arg13 : memref<16x512xf32, #tpu.memory_space<vmem>>) offsets(%dma_start3A_229 : memref<16xi32, #tpu.memory_space<vmem>>) semaphore(%arg25 : memref<!tpu.dma_semaphore, #tpu.memory_space<semaphore_mem>>)
        %mul3A_233 = arith.constant 16 : i32
        %mul3A_234 = arith.muli %sub3A_226, %mul3A_233 : i32
        %dma_start3A_235 = tpu.memref_slice %arg8[%mul3A_234] : memref<2048xi32, #tpu.memory_space<vmem>> -> memref<16xi32, #tpu.memory_space<vmem>>
        %dma_start3A_236 = arith.constant 0 : i32
        %dma_start3A_237 = arith.constant 0 : i32
        %dma_start3A_238 = tpu.memref_slice %arg2[%dma_start3A_236, %dma_start3A_237] : memref<16384x512xf32, #tpu.memory_space<hbm>> -> memref<16384x512xf32, #tpu.memory_space<hbm>>
        tpu.enqueue_indirect_dma source(%dma_start3A_238 : memref<16384x512xf32, #tpu.memory_space<hbm>>) target(%arg17 : memref<16x512xf32, #tpu.memory_space<vmem>>) offsets(%dma_start3A_235 : memref<16xi32, #tpu.memory_space<vmem>>) semaphore(%arg29 : memref<!tpu.dma_semaphore, #tpu.memory_space<semaphore_mem>>)
      } else {
      }
      %mul3A_97 = arith.constant 4 : i32
      %mul3A_98 = arith.muli %mul3A_97, %scan3A_59 : i32
      %add3A_99 = arith.constant 1 : i32
      %add3A_100 = arith.addi %mul3A_98, %add3A_99 : i32
      %mul3A_101 = arith.constant 16 : i32
      %mul3A_102 = arith.muli %add3A_100, %mul3A_101 : i32
      %dma_wait3A_103 = tpu.memref_slice %arg7[%mul3A_102] : memref<2048xi32, #tpu.memory_space<vmem>> -> memref<16xi32, #tpu.memory_space<vmem>>
      %dma_wait3A_104 = arith.constant 0 : i32
      %dma_wait3A_105 = arith.constant 0 : i32
      %dma_wait3A_106 = tpu.memref_slice %arg2[%dma_wait3A_104, %dma_wait3A_105] : memref<16384x512xf32, #tpu.memory_space<hbm>> -> memref<16384x512xf32, #tpu.memory_space<hbm>>
      tpu.wait_indirect_dma semaphore(%arg23 : memref<!tpu.dma_semaphore, #tpu.memory_space<semaphore_mem>>) src(%dma_wait3A_106 : memref<16384x512xf32, #tpu.memory_space<hbm>>) dst(%arg11 : memref<16x512xf32, #tpu.memory_space<vmem>>)
      %mul3A_107 = arith.constant 16 : i32
      %mul3A_108 = arith.muli %add3A_100, %mul3A_107 : i32
      %dma_wait3A_109 = tpu.memref_slice %arg8[%mul3A_108] : memref<2048xi32, #tpu.memory_space<vmem>> -> memref<16xi32, #tpu.memory_space<vmem>>
      %dma_wait3A_110 = arith.constant 0 : i32
      %dma_wait3A_111 = arith.constant 0 : i32
      %dma_wait3A_112 = tpu.memref_slice %arg2[%dma_wait3A_110, %dma_wait3A_111] : memref<16384x512xf32, #tpu.memory_space<hbm>> -> memref<16384x512xf32, #tpu.memory_space<hbm>>
      tpu.wait_indirect_dma semaphore(%arg27 : memref<!tpu.dma_semaphore, #tpu.memory_space<semaphore_mem>>) src(%dma_wait3A_112 : memref<16384x512xf32, #tpu.memory_space<hbm>>) dst(%arg15 : memref<16x512xf32, #tpu.memory_space<vmem>>)
      %gt3A_113 = arith.constant 0 : i32
      %gt3A_114 = arith.cmpi sgt, %scan3A_59, %gt3A_113 : i32
      %convert_element_type3A_115 = arith.extui %gt3A_114 : i1 to i32
      %cond3A_116 = arith.constant 0 : i32
      %cond3A_117 = arith.cmpi ne, %convert_element_type3A_115, %cond3A_116 : i32
      scf.if %cond3A_117 {
        %dma_wait3A_223 = arith.constant 0 : i32
        %dma_wait3A_224 = tpu.memref_slice %arg6[%mul3A_2, %dma_wait3A_223] : memref<65536x512xf32, #tpu.memory_space<hbm>> -> memref<16x512xf32, #tpu.memory_space<hbm>>
        %dma_wait3A_225 = arith.constant 0 : i32
        %dma_wait3A_226 = tpu.memref_slice %arg6[%mul3A_2, %dma_wait3A_225] : memref<65536x512xf32, #tpu.memory_space<hbm>> -> memref<16x512xf32, #tpu.memory_space<hbm>>
        tpu.wait_dma2 semaphore(%arg31 : memref<!tpu.dma_semaphore, #tpu.memory_space<semaphore_mem>>) src(%arg19 : memref<16x512xf32, #tpu.memory_space<vmem>>) dst(%dma_wait3A_226 : memref<16x512xf32, #tpu.memory_space<hbm>>)
      } else {
      }
      %scan3A_118 = arith.constant 0 : i32
      %scan3A_119 = arith.constant 16 : i32
      %scan3A_120 = arith.addi %scan3A_118, %scan3A_119 : i32
      %scan3A_121 = arith.constant 1 : i32
      scf.for %scan3A_223 = %scan3A_118 to %scan3A_120 step %scan3A_121  : i32 {
        %mul3A_224 = arith.constant 16 : i32
        %mul3A_225 = arith.muli %add3A_100, %mul3A_224 : i32
        %add3A_226 = arith.addi %mul3A_225, %scan3A_223 : i32
        %broadcast_in_dim3A = vector.broadcast %add3A_226 : i32 to vector<16xi32>
        %gather3A = tpu.vector_load_idx %arg9[%broadcast_in_dim3A] : memref<2048xf32, #tpu.memory_space<vmem>>[vector<16xi32>], vector<16xf32>,
        %get3A = arith.index_cast %scan3A_223 : i32 to index
        %get3A_227 = arith.constant 0 : index
        %get3A_228 = tpu.vector_load %arg11[%get3A, %get3A_227] {strides = array<i32>} : memref<16x512xf32, #tpu.memory_space<vmem>>, vector<16xf32>,
        %get3A_229 = arith.index_cast %scan3A_223 : i32 to index
        %get3A_230 = arith.constant 0 : index
        %get3A_231 = tpu.vector_load %arg15[%get3A_229, %get3A_230] {strides = array<i32>} : memref<16x512xf32, #tpu.memory_space<vmem>>, vector<16xf32>,
        %sub3A_232 = arith.subf %get3A_228, %get3A_231 : vector<16xf32>
        %mul3A_233 = arith.mulf %gather3A, %sub3A_232 : vector<16xf32>
        %add3A_234 = arith.addf %get3A_231, %mul3A_233 : vector<16xf32>
        %swap3A = arith.index_cast %scan3A_223 : i32 to index
        %swap3A_235 = arith.constant 0 : index
        %swap3A_236 = tpu.vector_load %arg19[%swap3A, %swap3A_235] {strides = array<i32>} : memref<16x512xf32, #tpu.memory_space<vmem>>, vector<16xf32>,
        tpu.vector_store %arg19[%swap3A, %swap3A_235], %add3A_234 {strides = array<i32>} : memref<16x512xf32, #tpu.memory_space<vmem>>, vector<16xf32>,
        %get3A_237 = arith.index_cast %scan3A_223 : i32 to index
        %get3A_238 = arith.constant 16 : index
        %get3A_239 = tpu.vector_load %arg11[%get3A_237, %get3A_238] {strides = array<i32>} : memref<16x512xf32, #tpu.memory_space<vmem>>, vector<16xf32>,
        %get3A_240 = arith.index_cast %scan3A_223 : i32 to index
        %get3A_241 = arith.constant 16 : index
        %get3A_242 = tpu.vector_load %arg15[%get3A_240, %get3A_241] {strides = array<i32>} : memref<16x512xf32, #tpu.memory_space<vmem>>, vector<16xf32>,
        %sub3A_243 = arith.subf %get3A_239, %get3A_242 : vector<16xf32>
        %mul3A_244 = arith.mulf %gather3A, %sub3A_243 : vector<16xf32>
        %add3A_245 = arith.addf %get3A_242, %mul3A_244 : vector<16xf32>
        %swap3A_246 = arith.index_cast %scan3A_223 : i32 to index
        %swap3A_247 = arith.constant 16 : index
        %swap3A_248 = tpu.vector_load %arg19[%swap3A_246, %swap3A_247] {strides = array<i32>} : memref<16x512xf32, #tpu.memory_space<vmem>>, vector<16xf32>,
        tpu.vector_store %arg19[%swap3A_246, %swap3A_247], %add3A_245 {strides = array<i32>} : memref<16x512xf32, #tpu.memory_space<vmem>>, vector<16xf32>,
        %get3A_249 = arith.index_cast %scan3A_223 : i32 to index
        %get3A_250 = arith.constant 32 : index
        %get3A_251 = tpu.vector_load %arg11[%get3A_249, %get3A_250] {strides = array<i32>} : memref<16x512xf32, #tpu.memory_space<vmem>>, vector<16xf32>,
        %get3A_252 = arith.index_cast %scan3A_223 : i32 to index
        %get3A_253 = arith.constant 32 : index
        %get3A_254 = tpu.vector_load %arg15[%get3A_252, %get3A_253] {strides = array<i32>} : memref<16x512xf32, #tpu.memory_space<vmem>>, vector<16xf32>,
        %sub3A_255 = arith.subf %get3A_251, %get3A_254 : vector<16xf32>
        %mul3A_256 = arith.mulf %gather3A, %sub3A_255 : vector<16xf32>
        %add3A_257 = arith.addf %get3A_254, %mul3A_256 : vector<16xf32>
        %swap3A_258 = arith.index_cast %scan3A_223 : i32 to index
        %swap3A_259 = arith.constant 32 : index
        %swap3A_260 = tpu.vector_load %arg19[%swap3A_258, %swap3A_259] {strides = array<i32>} : memref<16x512xf32, #tpu.memory_space<vmem>>, vector<16xf32>,
        tpu.vector_store %arg19[%swap3A_258, %swap3A_259], %add3A_257 {strides = array<i32>} : memref<16x512xf32, #tpu.memory_space<vmem>>, vector<16xf32>,
        %get3A_261 = arith.index_cast %scan3A_223 : i32 to index
        %get3A_262 = arith.constant 48 : index
        %get3A_263 = tpu.vector_load %arg11[%get3A_261, %get3A_262] {strides = array<i32>} : memref<16x512xf32, #tpu.memory_space<vmem>>, vector<16xf32>,
        %get3A_264 = arith.index_cast %scan3A_223 : i32 to index
        %get3A_265 = arith.constant 48 : index
        %get3A_266 = tpu.vector_load %arg15[%get3A_264, %get3A_265] {strides = array<i32>} : memref<16x512xf32, #tpu.memory_space<vmem>>, vector<16xf32>,
        %sub3A_267 = arith.subf %get3A_263, %get3A_266 : vector<16xf32>
        %mul3A_268 = arith.mulf %gather3A, %sub3A_267 : vector<16xf32>
        %add3A_269 = arith.addf %get3A_266, %mul3A_268 : vector<16xf32>
        %swap3A_270 = arith.index_cast %scan3A_223 : i32 to index
        %swap3A_271 = arith.constant 48 : index
        %swap3A_272 = tpu.vector_load %arg19[%swap3A_270, %swap3A_271] {strides = array<i32>} : memref<16x512xf32, #tpu.memory_space<vmem>>, vector<16xf32>,
        tpu.vector_store %arg19[%swap3A_270, %swap3A_271], %add3A_269 {strides = array<i32>} : memref<16x512xf32, #tpu.memory_space<vmem>>, vector<16xf32>,
        %get3A_273 = arith.index_cast %scan3A_223 : i32 to index
        %get3A_274 = arith.constant 64 : index
        %get3A_275 = tpu.vector_load %arg11[%get3A_273, %get3A_274] {strides = array<i32>} : memref<16x512xf32, #tpu.memory_space<vmem>>, vector<16xf32>,
        %get3A_276 = arith.index_cast %scan3A_223 : i32 to index
        %get3A_277 = arith.constant 64 : index
        %get3A_278 = tpu.vector_load %arg15[%get3A_276, %get3A_277] {strides = array<i32>} : memref<16x512xf32, #tpu.memory_space<vmem>>, vector<16xf32>,
        %sub3A_279 = arith.subf %get3A_275, %get3A_278 : vector<16xf32>
        %mul3A_280 = arith.mulf %gather3A, %sub3A_279 : vector<16xf32>
        %add3A_281 = arith.addf %get3A_278, %mul3A_280 : vector<16xf32>
        %swap3A_282 = arith.index_cast %scan3A_223 : i32 to index
        %swap3A_283 = arith.constant 64 : index
        %swap3A_284 = tpu.vector_load %arg19[%swap3A_282, %swap3A_283] {strides = array<i32>} : memref<16x512xf32, #tpu.memory_space<vmem>>, vector<16xf32>,
        tpu.vector_store %arg19[%swap3A_282, %swap3A_283], %add3A_281 {strides = array<i32>} : memref<16x512xf32, #tpu.memory_space<vmem>>, vector<16xf32>,
        %get3A_285 = arith.index_cast %scan3A_223 : i32 to index
        %get3A_286 = arith.constant 80 : index
        %get3A_287 = tpu.vector_load %arg11[%get3A_285, %get3A_286] {strides = array<i32>} : memref<16x512xf32, #tpu.memory_space<vmem>>, vector<16xf32>,
        %get3A_288 = arith.index_cast %scan3A_223 : i32 to index
        %get3A_289 = arith.constant 80 : index
        %get3A_290 = tpu.vector_load %arg15[%get3A_288, %get3A_289] {strides = array<i32>} : memref<16x512xf32, #tpu.memory_space<vmem>>, vector<16xf32>,
        %sub3A_291 = arith.subf %get3A_287, %get3A_290 : vector<16xf32>
        %mul3A_292 = arith.mulf %gather3A, %sub3A_291 : vector<16xf32>
        %add3A_293 = arith.addf %get3A_290, %mul3A_292 : vector<16xf32>
        %swap3A_294 = arith.index_cast %scan3A_223 : i32 to index
        %swap3A_295 = arith.constant 80 : index
        %swap3A_296 = tpu.vector_load %arg19[%swap3A_294, %swap3A_295] {strides = array<i32>} : memref<16x512xf32, #tpu.memory_space<vmem>>, vector<16xf32>,
        tpu.vector_store %arg19[%swap3A_294, %swap3A_295], %add3A_293 {strides = array<i32>} : memref<16x512xf32, #tpu.memory_space<vmem>>, vector<16xf32>,
        %get3A_297 = arith.index_cast %scan3A_223 : i32 to index
        %get3A_298 = arith.constant 96 : index
        %get3A_299 = tpu.vector_load %arg11[%get3A_297, %get3A_298] {strides = array<i32>} : memref<16x512xf32, #tpu.memory_space<vmem>>, vector<16xf32>,
        %get3A_300 = arith.index_cast %scan3A_223 : i32 to index
        %get3A_301 = arith.constant 96 : index
        %get3A_302 = tpu.vector_load %arg15[%get3A_300, %get3A_301] {strides = array<i32>} : memref<16x512xf32, #tpu.memory_space<vmem>>, vector<16xf32>,
        %sub3A_303 = arith.subf %get3A_299, %get3A_302 : vector<16xf32>
        %mul3A_304 = arith.mulf %gather3A, %sub3A_303 : vector<16xf32>
        %add3A_305 = arith.addf %get3A_302, %mul3A_304 : vector<16xf32>
        %swap3A_306 = arith.index_cast %scan3A_223 : i32 to index
        %swap3A_307 = arith.constant 96 : index
        %swap3A_308 = tpu.vector_load %arg19[%swap3A_306, %swap3A_307] {strides = array<i32>} : memref<16x512xf32, #tpu.memory_space<vmem>>, vector<16xf32>,
        tpu.vector_store %arg19[%swap3A_306, %swap3A_307], %add3A_305 {strides = array<i32>} : memref<16x512xf32, #tpu.memory_space<vmem>>, vector<16xf32>,
        %get3A_309 = arith.index_cast %scan3A_223 : i32 to index
        %get3A_310 = arith.constant 112 : index
        %get3A_311 = tpu.vector_load %arg11[%get3A_309, %get3A_310] {strides = array<i32>} : memref<16x512xf32, #tpu.memory_space<vmem>>, vector<16xf32>,
        %get3A_312 = arith.index_cast %scan3A_223 : i32 to index
        %get3A_313 = arith.constant 112 : index
        %get3A_314 = tpu.vector_load %arg15[%get3A_312, %get3A_313] {strides = array<i32>} : memref<16x512xf32, #tpu.memory_space<vmem>>, vector<16xf32>,
        %sub3A_315 = arith.subf %get3A_311, %get3A_314 : vector<16xf32>
        %mul3A_316 = arith.mulf %gather3A, %sub3A_315 : vector<16xf32>
        %add3A_317 = arith.addf %get3A_314, %mul3A_316 : vector<16xf32>
        %swap3A_318 = arith.index_cast %scan3A_223 : i32 to index
        %swap3A_319 = arith.constant 112 : index
        %swap3A_320 = tpu.vector_load %arg19[%swap3A_318, %swap3A_319] {strides = array<i32>} : memref<16x512xf32, #tpu.memory_space<vmem>>, vector<16xf32>,
        tpu.vector_store %arg19[%swap3A_318, %swap3A_319], %add3A_317 {strides = array<i32>} : memref<16x512xf32, #tpu.memory_space<vmem>>, vector<16xf32>,
        %get3A_321 = arith.index_cast %scan3A_223 : i32 to index
        %get3A_322 = arith.constant 128 : index
        %get3A_323 = tpu.vector_load %arg11[%get3A_321, %get3A_322] {strides = array<i32>} : memref<16x512xf32, #tpu.memory_space<vmem>>, vector<16xf32>,
        %get3A_324 = arith.index_cast %scan3A_223 : i32 to index
        %get3A_325 = arith.constant 128 : index
        %get3A_326 = tpu.vector_load %arg15[%get3A_324, %get3A_325] {strides = array<i32>} : memref<16x512xf32, #tpu.memory_space<vmem>>, vector<16xf32>,
        %sub3A_327 = arith.subf %get3A_323, %get3A_326 : vector<16xf32>
        %mul3A_328 = arith.mulf %gather3A, %sub3A_327 : vector<16xf32>
        %add3A_329 = arith.addf %get3A_326, %mul3A_328 : vector<16xf32>
        %swap3A_330 = arith.index_cast %scan3A_223 : i32 to index
        %swap3A_331 = arith.constant 128 : index
        %swap3A_332 = tpu.vector_load %arg19[%swap3A_330, %swap3A_331] {strides = array<i32>} : memref<16x512xf32, #tpu.memory_space<vmem>>, vector<16xf32>,
        tpu.vector_store %arg19[%swap3A_330, %swap3A_331], %add3A_329 {strides = array<i32>} : memref<16x512xf32, #tpu.memory_space<vmem>>, vector<16xf32>,
        %get3A_333 = arith.index_cast %scan3A_223 : i32 to index
        %get3A_334 = arith.constant 144 : index
        %get3A_335 = tpu.vector_load %arg11[%get3A_333, %get3A_334] {strides = array<i32>} : memref<16x512xf32, #tpu.memory_space<vmem>>, vector<16xf32>,
        %get3A_336 = arith.index_cast %scan3A_223 : i32 to index
        %get3A_337 = arith.constant 144 : index
        %get3A_338 = tpu.vector_load %arg15[%get3A_336, %get3A_337] {strides = array<i32>} : memref<16x512xf32, #tpu.memory_space<vmem>>, vector<16xf32>,
        %sub3A_339 = arith.subf %get3A_335, %get3A_338 : vector<16xf32>
        %mul3A_340 = arith.mulf %gather3A, %sub3A_339 : vector<16xf32>
        %add3A_341 = arith.addf %get3A_338, %mul3A_340 : vector<16xf32>
        %swap3A_342 = arith.index_cast %scan3A_223 : i32 to index
        %swap3A_343 = arith.constant 144 : index
        %swap3A_344 = tpu.vector_load %arg19[%swap3A_342, %swap3A_343] {strides = array<i32>} : memref<16x512xf32, #tpu.memory_space<vmem>>, vector<16xf32>,
        tpu.vector_store %arg19[%swap3A_342, %swap3A_343], %add3A_341 {strides = array<i32>} : memref<16x512xf32, #tpu.memory_space<vmem>>, vector<16xf32>,
        %get3A_345 = arith.index_cast %scan3A_223 : i32 to index
        %get3A_346 = arith.constant 160 : index
        %get3A_347 = tpu.vector_load %arg11[%get3A_345, %get3A_346] {strides = array<i32>} : memref<16x512xf32, #tpu.memory_space<vmem>>, vector<16xf32>,
        %get3A_348 = arith.index_cast %scan3A_223 : i32 to index
        %get3A_349 = arith.constant 160 : index
        %get3A_350 = tpu.vector_load %arg15[%get3A_348, %get3A_349] {strides = array<i32>} : memref<16x512xf32, #tpu.memory_space<vmem>>, vector<16xf32>,
        %sub3A_351 = arith.subf %get3A_347, %get3A_350 : vector<16xf32>
        %mul3A_352 = arith.mulf %gather3A, %sub3A_351 : vector<16xf32>
        %add3A_353 = arith.addf %get3A_350, %mul3A_352 : vector<16xf32>
        %swap3A_354 = arith.index_cast %scan3A_223 : i32 to index
        %swap3A_355 = arith.constant 160 : index
        %swap3A_356 = tpu.vector_load %arg19[%swap3A_354, %swap3A_355] {strides = array<i32>} : memref<16x512xf32, #tpu.memory_space<vmem>>, vector<16xf32>,
        tpu.vector_store %arg19[%swap3A_354, %swap3A_355], %add3A_353 {strides = array<i32>} : memref<16x512xf32, #tpu.memory_space<vmem>>, vector<16xf32>,
        %get3A_357 = arith.index_cast %scan3A_223 : i32 to index
        %get3A_358 = arith.constant 176 : index
        %get3A_359 = tpu.vector_load %arg11[%get3A_357, %get3A_358] {strides = array<i32>} : memref<16x512xf32, #tpu.memory_space<vmem>>, vector<16xf32>,
        %get3A_360 = arith.index_cast %scan3A_223 : i32 to index
        %get3A_361 = arith.constant 176 : index
        %get3A_362 = tpu.vector_load %arg15[%get3A_360, %get3A_361] {strides = array<i32>} : memref<16x512xf32, #tpu.memory_space<vmem>>, vector<16xf32>,
        %sub3A_363 = arith.subf %get3A_359, %get3A_362 : vector<16xf32>
        %mul3A_364 = arith.mulf %gather3A, %sub3A_363 : vector<16xf32>
        %add3A_365 = arith.addf %get3A_362, %mul3A_364 : vector<16xf32>
        %swap3A_366 = arith.index_cast %scan3A_223 : i32 to index
        %swap3A_367 = arith.constant 176 : index
        %swap3A_368 = tpu.vector_load %arg19[%swap3A_366, %swap3A_367] {strides = array<i32>} : memref<16x512xf32, #tpu.memory_space<vmem>>, vector<16xf32>,
        tpu.vector_store %arg19[%swap3A_366, %swap3A_367], %add3A_365 {strides = array<i32>} : memref<16x512xf32, #tpu.memory_space<vmem>>, vector<16xf32>,
        %get3A_369 = arith.index_cast %scan3A_223 : i32 to index
        %get3A_370 = arith.constant 192 : index
        %get3A_371 = tpu.vector_load %arg11[%get3A_369, %get3A_370] {strides = array<i32>} : memref<16x512xf32, #tpu.memory_space<vmem>>, vector<16xf32>,
        %get3A_372 = arith.index_cast %scan3A_223 : i32 to index
        %get3A_373 = arith.constant 192 : index
        %get3A_374 = tpu.vector_load %arg15[%get3A_372, %get3A_373] {strides = array<i32>} : memref<16x512xf32, #tpu.memory_space<vmem>>, vector<16xf32>,
        %sub3A_375 = arith.subf %get3A_371, %get3A_374 : vector<16xf32>
        %mul3A_376 = arith.mulf %gather3A, %sub3A_375 : vector<16xf32>
        %add3A_377 = arith.addf %get3A_374, %mul3A_376 : vector<16xf32>
        %swap3A_378 = arith.index_cast %scan3A_223 : i32 to index
        %swap3A_379 = arith.constant 192 : index
        %swap3A_380 = tpu.vector_load %arg19[%swap3A_378, %swap3A_379] {strides = array<i32>} : memref<16x512xf32, #tpu.memory_space<vmem>>, vector<16xf32>,
        tpu.vector_store %arg19[%swap3A_378, %swap3A_379], %add3A_377 {strides = array<i32>} : memref<16x512xf32, #tpu.memory_space<vmem>>, vector<16xf32>,
        %get3A_381 = arith.index_cast %scan3A_223 : i32 to index
        %get3A_382 = arith.constant 208 : index
        %get3A_383 = tpu.vector_load %arg11[%get3A_381, %get3A_382] {strides = array<i32>} : memref<16x512xf32, #tpu.memory_space<vmem>>, vector<16xf32>,
        %get3A_384 = arith.index_cast %scan3A_223 : i32 to index
        %get3A_385 = arith.constant 208 : index
        %get3A_386 = tpu.vector_load %arg15[%get3A_384, %get3A_385] {strides = array<i32>} : memref<16x512xf32, #tpu.memory_space<vmem>>, vector<16xf32>,
        %sub3A_387 = arith.subf %get3A_383, %get3A_386 : vector<16xf32>
        %mul3A_388 = arith.mulf %gather3A, %sub3A_387 : vector<16xf32>
        %add3A_389 = arith.addf %get3A_386, %mul3A_388 : vector<16xf32>
        %swap3A_390 = arith.index_cast %scan3A_223 : i32 to index
        %swap3A_391 = arith.constant 208 : index
        %swap3A_392 = tpu.vector_load %arg19[%swap3A_390, %swap3A_391] {strides = array<i32>} : memref<16x512xf32, #tpu.memory_space<vmem>>, vector<16xf32>,
        tpu.vector_store %arg19[%swap3A_390, %swap3A_391], %add3A_389 {strides = array<i32>} : memref<16x512xf32, #tpu.memory_space<vmem>>, vector<16xf32>,
        %get3A_393 = arith.index_cast %scan3A_223 : i32 to index
        %get3A_394 = arith.constant 224 : index
        %get3A_395 = tpu.vector_load %arg11[%get3A_393, %get3A_394] {strides = array<i32>} : memref<16x512xf32, #tpu.memory_space<vmem>>, vector<16xf32>,
        %get3A_396 = arith.index_cast %scan3A_223 : i32 to index
        %get3A_397 = arith.constant 224 : index
        %get3A_398 = tpu.vector_load %arg15[%get3A_396, %get3A_397] {strides = array<i32>} : memref<16x512xf32, #tpu.memory_space<vmem>>, vector<16xf32>,
        %sub3A_399 = arith.subf %get3A_395, %get3A_398 : vector<16xf32>
        %mul3A_400 = arith.mulf %gather3A, %sub3A_399 : vector<16xf32>
        %add3A_401 = arith.addf %get3A_398, %mul3A_400 : vector<16xf32>
        %swap3A_402 = arith.index_cast %scan3A_223 : i32 to index
        %swap3A_403 = arith.constant 224 : index
        %swap3A_404 = tpu.vector_load %arg19[%swap3A_402, %swap3A_403] {strides = array<i32>} : memref<16x512xf32, #tpu.memory_space<vmem>>, vector<16xf32>,
        tpu.vector_store %arg19[%swap3A_402, %swap3A_403], %add3A_401 {strides = array<i32>} : memref<16x512xf32, #tpu.memory_space<vmem>>, vector<16xf32>,
        %get3A_405 = arith.index_cast %scan3A_223 : i32 to index
        %get3A_406 = arith.constant 240 : index
        %get3A_407 = tpu.vector_load %arg11[%get3A_405, %get3A_406] {strides = array<i32>} : memref<16x512xf32, #tpu.memory_space<vmem>>, vector<16xf32>,
        %get3A_408 = arith.index_cast %scan3A_223 : i32 to index
        %get3A_409 = arith.constant 240 : index
        %get3A_410 = tpu.vector_load %arg15[%get3A_408, %get3A_409] {strides = array<i32>} : memref<16x512xf32, #tpu.memory_space<vmem>>, vector<16xf32>,
        %sub3A_411 = arith.subf %get3A_407, %get3A_410 : vector<16xf32>
        %mul3A_412 = arith.mulf %gather3A, %sub3A_411 : vector<16xf32>
        %add3A_413 = arith.addf %get3A_410, %mul3A_412 : vector<16xf32>
        %swap3A_414 = arith.index_cast %scan3A_223 : i32 to index
        %swap3A_415 = arith.constant 240 : index
        %swap3A_416 = tpu.vector_load %arg19[%swap3A_414, %swap3A_415] {strides = array<i32>} : memref<16x512xf32, #tpu.memory_space<vmem>>, vector<16xf32>,
        tpu.vector_store %arg19[%swap3A_414, %swap3A_415], %add3A_413 {strides = array<i32>} : memref<16x512xf32, #tpu.memory_space<vmem>>, vector<16xf32>,
        %get3A_417 = arith.index_cast %scan3A_223 : i32 to index
        %get3A_418 = arith.constant 256 : index
        %get3A_419 = tpu.vector_load %arg11[%get3A_417, %get3A_418] {strides = array<i32>} : memref<16x512xf32, #tpu.memory_space<vmem>>, vector<16xf32>,
        %get3A_420 = arith.index_cast %scan3A_223 : i32 to index
        %get3A_421 = arith.constant 256 : index
        %get3A_422 = tpu.vector_load %arg15[%get3A_420, %get3A_421] {strides = array<i32>} : memref<16x512xf32, #tpu.memory_space<vmem>>, vector<16xf32>,
        %sub3A_423 = arith.subf %get3A_419, %get3A_422 : vector<16xf32>
        %mul3A_424 = arith.mulf %gather3A, %sub3A_423 : vector<16xf32>
        %add3A_425 = arith.addf %get3A_422, %mul3A_424 : vector<16xf32>
        %swap3A_426 = arith.index_cast %scan3A_223 : i32 to index
        %swap3A_427 = arith.constant 256 : index
        %swap3A_428 = tpu.vector_load %arg19[%swap3A_426, %swap3A_427] {strides = array<i32>} : memref<16x512xf32, #tpu.memory_space<vmem>>, vector<16xf32>,
        tpu.vector_store %arg19[%swap3A_426, %swap3A_427], %add3A_425 {strides = array<i32>} : memref<16x512xf32, #tpu.memory_space<vmem>>, vector<16xf32>,
        %get3A_429 = arith.index_cast %scan3A_223 : i32 to index
        %get3A_430 = arith.constant 272 : index
        %get3A_431 = tpu.vector_load %arg11[%get3A_429, %get3A_430] {strides = array<i32>} : memref<16x512xf32, #tpu.memory_space<vmem>>, vector<16xf32>,
        %get3A_432 = arith.index_cast %scan3A_223 : i32 to index
        %get3A_433 = arith.constant 272 : index
        %get3A_434 = tpu.vector_load %arg15[%get3A_432, %get3A_433] {strides = array<i32>} : memref<16x512xf32, #tpu.memory_space<vmem>>, vector<16xf32>,
        %sub3A_435 = arith.subf %get3A_431, %get3A_434 : vector<16xf32>
        %mul3A_436 = arith.mulf %gather3A, %sub3A_435 : vector<16xf32>
        %add3A_437 = arith.addf %get3A_434, %mul3A_436 : vector<16xf32>
        %swap3A_438 = arith.index_cast %scan3A_223 : i32 to index
        %swap3A_439 = arith.constant 272 : index
        %swap3A_440 = tpu.vector_load %arg19[%swap3A_438, %swap3A_439] {strides = array<i32>} : memref<16x512xf32, #tpu.memory_space<vmem>>, vector<16xf32>,
        tpu.vector_store %arg19[%swap3A_438, %swap3A_439], %add3A_437 {strides = array<i32>} : memref<16x512xf32, #tpu.memory_space<vmem>>, vector<16xf32>,
        %get3A_441 = arith.index_cast %scan3A_223 : i32 to index
        %get3A_442 = arith.constant 288 : index
        %get3A_443 = tpu.vector_load %arg11[%get3A_441, %get3A_442] {strides = array<i32>} : memref<16x512xf32, #tpu.memory_space<vmem>>, vector<16xf32>,
        %get3A_444 = arith.index_cast %scan3A_223 : i32 to index
        %get3A_445 = arith.constant 288 : index
        %get3A_446 = tpu.vector_load %arg15[%get3A_444, %get3A_445] {strides = array<i32>} : memref<16x512xf32, #tpu.memory_space<vmem>>, vector<16xf32>,
        %sub3A_447 = arith.subf %get3A_443, %get3A_446 : vector<16xf32>
        %mul3A_448 = arith.mulf %gather3A, %sub3A_447 : vector<16xf32>
        %add3A_449 = arith.addf %get3A_446, %mul3A_448 : vector<16xf32>
        %swap3A_450 = arith.index_cast %scan3A_223 : i32 to index
        %swap3A_451 = arith.constant 288 : index
        %swap3A_452 = tpu.vector_load %arg19[%swap3A_450, %swap3A_451] {strides = array<i32>} : memref<16x512xf32, #tpu.memory_space<vmem>>, vector<16xf32>,
        tpu.vector_store %arg19[%swap3A_450, %swap3A_451], %add3A_449 {strides = array<i32>} : memref<16x512xf32, #tpu.memory_space<vmem>>, vector<16xf32>,
        %get3A_453 = arith.index_cast %scan3A_223 : i32 to index
        %get3A_454 = arith.constant 304 : index
        %get3A_455 = tpu.vector_load %arg11[%get3A_453, %get3A_454] {strides = array<i32>} : memref<16x512xf32, #tpu.memory_space<vmem>>, vector<16xf32>,
        %get3A_456 = arith.index_cast %scan3A_223 : i32 to index
        %get3A_457 = arith.constant 304 : index
        %get3A_458 = tpu.vector_load %arg15[%get3A_456, %get3A_457] {strides = array<i32>} : memref<16x512xf32, #tpu.memory_space<vmem>>, vector<16xf32>,
        %sub3A_459 = arith.subf %get3A_455, %get3A_458 : vector<16xf32>
        %mul3A_460 = arith.mulf %gather3A, %sub3A_459 : vector<16xf32>
        %add3A_461 = arith.addf %get3A_458, %mul3A_460 : vector<16xf32>
        %swap3A_462 = arith.index_cast %scan3A_223 : i32 to index
        %swap3A_463 = arith.constant 304 : index
        %swap3A_464 = tpu.vector_load %arg19[%swap3A_462, %swap3A_463] {strides = array<i32>} : memref<16x512xf32, #tpu.memory_space<vmem>>, vector<16xf32>,
        tpu.vector_store %arg19[%swap3A_462, %swap3A_463], %add3A_461 {strides = array<i32>} : memref<16x512xf32, #tpu.memory_space<vmem>>, vector<16xf32>,
        %get3A_465 = arith.index_cast %scan3A_223 : i32 to index
        %get3A_466 = arith.constant 320 : index
        %get3A_467 = tpu.vector_load %arg11[%get3A_465, %get3A_466] {strides = array<i32>} : memref<16x512xf32, #tpu.memory_space<vmem>>, vector<16xf32>,
        %get3A_468 = arith.index_cast %scan3A_223 : i32 to index
        %get3A_469 = arith.constant 320 : index
        %get3A_470 = tpu.vector_load %arg15[%get3A_468, %get3A_469] {strides = array<i32>} : memref<16x512xf32, #tpu.memory_space<vmem>>, vector<16xf32>,
        %sub3A_471 = arith.subf %get3A_467, %get3A_470 : vector<16xf32>
        %mul3A_472 = arith.mulf %gather3A, %sub3A_471 : vector<16xf32>
        %add3A_473 = arith.addf %get3A_470, %mul3A_472 : vector<16xf32>
        %swap3A_474 = arith.index_cast %scan3A_223 : i32 to index
        %swap3A_475 = arith.constant 320 : index
        %swap3A_476 = tpu.vector_load %arg19[%swap3A_474, %swap3A_475] {strides = array<i32>} : memref<16x512xf32, #tpu.memory_space<vmem>>, vector<16xf32>,
        tpu.vector_store %arg19[%swap3A_474, %swap3A_475], %add3A_473 {strides = array<i32>} : memref<16x512xf32, #tpu.memory_space<vmem>>, vector<16xf32>,
        %get3A_477 = arith.index_cast %scan3A_223 : i32 to index
        %get3A_478 = arith.constant 336 : index
        %get3A_479 = tpu.vector_load %arg11[%get3A_477, %get3A_478] {strides = array<i32>} : memref<16x512xf32, #tpu.memory_space<vmem>>, vector<16xf32>,
        %get3A_480 = arith.index_cast %scan3A_223 : i32 to index
        %get3A_481 = arith.constant 336 : index
        %get3A_482 = tpu.vector_load %arg15[%get3A_480, %get3A_481] {strides = array<i32>} : memref<16x512xf32, #tpu.memory_space<vmem>>, vector<16xf32>,
        %sub3A_483 = arith.subf %get3A_479, %get3A_482 : vector<16xf32>
        %mul3A_484 = arith.mulf %gather3A, %sub3A_483 : vector<16xf32>
        %add3A_485 = arith.addf %get3A_482, %mul3A_484 : vector<16xf32>
        %swap3A_486 = arith.index_cast %scan3A_223 : i32 to index
        %swap3A_487 = arith.constant 336 : index
        %swap3A_488 = tpu.vector_load %arg19[%swap3A_486, %swap3A_487] {strides = array<i32>} : memref<16x512xf32, #tpu.memory_space<vmem>>, vector<16xf32>,
        tpu.vector_store %arg19[%swap3A_486, %swap3A_487], %add3A_485 {strides = array<i32>} : memref<16x512xf32, #tpu.memory_space<vmem>>, vector<16xf32>,
        %get3A_489 = arith.index_cast %scan3A_223 : i32 to index
        %get3A_490 = arith.constant 352 : index
        %get3A_491 = tpu.vector_load %arg11[%get3A_489, %get3A_490] {strides = array<i32>} : memref<16x512xf32, #tpu.memory_space<vmem>>, vector<16xf32>,
        %get3A_492 = arith.index_cast %scan3A_223 : i32 to index
        %get3A_493 = arith.constant 352 : index
        %get3A_494 = tpu.vector_load %arg15[%get3A_492, %get3A_493] {strides = array<i32>} : memref<16x512xf32, #tpu.memory_space<vmem>>, vector<16xf32>,
        %sub3A_495 = arith.subf %get3A_491, %get3A_494 : vector<16xf32>
        %mul3A_496 = arith.mulf %gather3A, %sub3A_495 : vector<16xf32>
        %add3A_497 = arith.addf %get3A_494, %mul3A_496 : vector<16xf32>
        %swap3A_498 = arith.index_cast %scan3A_223 : i32 to index
        %swap3A_499 = arith.constant 352 : index
        %swap3A_500 = tpu.vector_load %arg19[%swap3A_498, %swap3A_499] {strides = array<i32>} : memref<16x512xf32, #tpu.memory_space<vmem>>, vector<16xf32>,
        tpu.vector_store %arg19[%swap3A_498, %swap3A_499], %add3A_497 {strides = array<i32>} : memref<16x512xf32, #tpu.memory_space<vmem>>, vector<16xf32>,
        %get3A_501 = arith.index_cast %scan3A_223 : i32 to index
        %get3A_502 = arith.constant 368 : index
        %get3A_503 = tpu.vector_load %arg11[%get3A_501, %get3A_502] {strides = array<i32>} : memref<16x512xf32, #tpu.memory_space<vmem>>, vector<16xf32>,
        %get3A_504 = arith.index_cast %scan3A_223 : i32 to index
        %get3A_505 = arith.constant 368 : index
        %get3A_506 = tpu.vector_load %arg15[%get3A_504, %get3A_505] {strides = array<i32>} : memref<16x512xf32, #tpu.memory_space<vmem>>, vector<16xf32>,
        %sub3A_507 = arith.subf %get3A_503, %get3A_506 : vector<16xf32>
        %mul3A_508 = arith.mulf %gather3A, %sub3A_507 : vector<16xf32>
        %add3A_509 = arith.addf %get3A_506, %mul3A_508 : vector<16xf32>
        %swap3A_510 = arith.index_cast %scan3A_223 : i32 to index
        %swap3A_511 = arith.constant 368 : index
        %swap3A_512 = tpu.vector_load %arg19[%swap3A_510, %swap3A_511] {strides = array<i32>} : memref<16x512xf32, #tpu.memory_space<vmem>>, vector<16xf32>,
        tpu.vector_store %arg19[%swap3A_510, %swap3A_511], %add3A_509 {strides = array<i32>} : memref<16x512xf32, #tpu.memory_space<vmem>>, vector<16xf32>,
        %get3A_513 = arith.index_cast %scan3A_223 : i32 to index
        %get3A_514 = arith.constant 384 : index
        %get3A_515 = tpu.vector_load %arg11[%get3A_513, %get3A_514] {strides = array<i32>} : memref<16x512xf32, #tpu.memory_space<vmem>>, vector<16xf32>,
        %get3A_516 = arith.index_cast %scan3A_223 : i32 to index
        %get3A_517 = arith.constant 384 : index
        %get3A_518 = tpu.vector_load %arg15[%get3A_516, %get3A_517] {strides = array<i32>} : memref<16x512xf32, #tpu.memory_space<vmem>>, vector<16xf32>,
        %sub3A_519 = arith.subf %get3A_515, %get3A_518 : vector<16xf32>
        %mul3A_520 = arith.mulf %gather3A, %sub3A_519 : vector<16xf32>
        %add3A_521 = arith.addf %get3A_518, %mul3A_520 : vector<16xf32>
        %swap3A_522 = arith.index_cast %scan3A_223 : i32 to index
        %swap3A_523 = arith.constant 384 : index
        %swap3A_524 = tpu.vector_load %arg19[%swap3A_522, %swap3A_523] {strides = array<i32>} : memref<16x512xf32, #tpu.memory_space<vmem>>, vector<16xf32>,
        tpu.vector_store %arg19[%swap3A_522, %swap3A_523], %add3A_521 {strides = array<i32>} : memref<16x512xf32, #tpu.memory_space<vmem>>, vector<16xf32>,
        %get3A_525 = arith.index_cast %scan3A_223 : i32 to index
        %get3A_526 = arith.constant 400 : index
        %get3A_527 = tpu.vector_load %arg11[%get3A_525, %get3A_526] {strides = array<i32>} : memref<16x512xf32, #tpu.memory_space<vmem>>, vector<16xf32>,
        %get3A_528 = arith.index_cast %scan3A_223 : i32 to index
        %get3A_529 = arith.constant 400 : index
        %get3A_530 = tpu.vector_load %arg15[%get3A_528, %get3A_529] {strides = array<i32>} : memref<16x512xf32, #tpu.memory_space<vmem>>, vector<16xf32>,
        %sub3A_531 = arith.subf %get3A_527, %get3A_530 : vector<16xf32>
        %mul3A_532 = arith.mulf %gather3A, %sub3A_531 : vector<16xf32>
        %add3A_533 = arith.addf %get3A_530, %mul3A_532 : vector<16xf32>
        %swap3A_534 = arith.index_cast %scan3A_223 : i32 to index
        %swap3A_535 = arith.constant 400 : index
        %swap3A_536 = tpu.vector_load %arg19[%swap3A_534, %swap3A_535] {strides = array<i32>} : memref<16x512xf32, #tpu.memory_space<vmem>>, vector<16xf32>,
        tpu.vector_store %arg19[%swap3A_534, %swap3A_535], %add3A_533 {strides = array<i32>} : memref<16x512xf32, #tpu.memory_space<vmem>>, vector<16xf32>,
        %get3A_537 = arith.index_cast %scan3A_223 : i32 to index
        %get3A_538 = arith.constant 416 : index
        %get3A_539 = tpu.vector_load %arg11[%get3A_537, %get3A_538] {strides = array<i32>} : memref<16x512xf32, #tpu.memory_space<vmem>>, vector<16xf32>,
        %get3A_540 = arith.index_cast %scan3A_223 : i32 to index
        %get3A_541 = arith.constant 416 : index
        %get3A_542 = tpu.vector_load %arg15[%get3A_540, %get3A_541] {strides = array<i32>} : memref<16x512xf32, #tpu.memory_space<vmem>>, vector<16xf32>,
        %sub3A_543 = arith.subf %get3A_539, %get3A_542 : vector<16xf32>
        %mul3A_544 = arith.mulf %gather3A, %sub3A_543 : vector<16xf32>
        %add3A_545 = arith.addf %get3A_542, %mul3A_544 : vector<16xf32>
        %swap3A_546 = arith.index_cast %scan3A_223 : i32 to index
        %swap3A_547 = arith.constant 416 : index
        %swap3A_548 = tpu.vector_load %arg19[%swap3A_546, %swap3A_547] {strides = array<i32>} : memref<16x512xf32, #tpu.memory_space<vmem>>, vector<16xf32>,
        tpu.vector_store %arg19[%swap3A_546, %swap3A_547], %add3A_545 {strides = array<i32>} : memref<16x512xf32, #tpu.memory_space<vmem>>, vector<16xf32>,
        %get3A_549 = arith.index_cast %scan3A_223 : i32 to index
        %get3A_550 = arith.constant 432 : index
        %get3A_551 = tpu.vector_load %arg11[%get3A_549, %get3A_550] {strides = array<i32>} : memref<16x512xf32, #tpu.memory_space<vmem>>, vector<16xf32>,
        %get3A_552 = arith.index_cast %scan3A_223 : i32 to index
        %get3A_553 = arith.constant 432 : index
        %get3A_554 = tpu.vector_load %arg15[%get3A_552, %get3A_553] {strides = array<i32>} : memref<16x512xf32, #tpu.memory_space<vmem>>, vector<16xf32>,
        %sub3A_555 = arith.subf %get3A_551, %get3A_554 : vector<16xf32>
        %mul3A_556 = arith.mulf %gather3A, %sub3A_555 : vector<16xf32>
        %add3A_557 = arith.addf %get3A_554, %mul3A_556 : vector<16xf32>
        %swap3A_558 = arith.index_cast %scan3A_223 : i32 to index
        %swap3A_559 = arith.constant 432 : index
        %swap3A_560 = tpu.vector_load %arg19[%swap3A_558, %swap3A_559] {strides = array<i32>} : memref<16x512xf32, #tpu.memory_space<vmem>>, vector<16xf32>,
        tpu.vector_store %arg19[%swap3A_558, %swap3A_559], %add3A_557 {strides = array<i32>} : memref<16x512xf32, #tpu.memory_space<vmem>>, vector<16xf32>,
        %get3A_561 = arith.index_cast %scan3A_223 : i32 to index
        %get3A_562 = arith.constant 448 : index
        %get3A_563 = tpu.vector_load %arg11[%get3A_561, %get3A_562] {strides = array<i32>} : memref<16x512xf32, #tpu.memory_space<vmem>>, vector<16xf32>,
        %get3A_564 = arith.index_cast %scan3A_223 : i32 to index
        %get3A_565 = arith.constant 448 : index
        %get3A_566 = tpu.vector_load %arg15[%get3A_564, %get3A_565] {strides = array<i32>} : memref<16x512xf32, #tpu.memory_space<vmem>>, vector<16xf32>,
        %sub3A_567 = arith.subf %get3A_563, %get3A_566 : vector<16xf32>
        %mul3A_568 = arith.mulf %gather3A, %sub3A_567 : vector<16xf32>
        %add3A_569 = arith.addf %get3A_566, %mul3A_568 : vector<16xf32>
        %swap3A_570 = arith.index_cast %scan3A_223 : i32 to index
        %swap3A_571 = arith.constant 448 : index
        %swap3A_572 = tpu.vector_load %arg19[%swap3A_570, %swap3A_571] {strides = array<i32>} : memref<16x512xf32, #tpu.memory_space<vmem>>, vector<16xf32>,
        tpu.vector_store %arg19[%swap3A_570, %swap3A_571], %add3A_569 {strides = array<i32>} : memref<16x512xf32, #tpu.memory_space<vmem>>, vector<16xf32>,
        %get3A_573 = arith.index_cast %scan3A_223 : i32 to index
        %get3A_574 = arith.constant 464 : index
        %get3A_575 = tpu.vector_load %arg11[%get3A_573, %get3A_574] {strides = array<i32>} : memref<16x512xf32, #tpu.memory_space<vmem>>, vector<16xf32>,
        %get3A_576 = arith.index_cast %scan3A_223 : i32 to index
        %get3A_577 = arith.constant 464 : index
        %get3A_578 = tpu.vector_load %arg15[%get3A_576, %get3A_577] {strides = array<i32>} : memref<16x512xf32, #tpu.memory_space<vmem>>, vector<16xf32>,
        %sub3A_579 = arith.subf %get3A_575, %get3A_578 : vector<16xf32>
        %mul3A_580 = arith.mulf %gather3A, %sub3A_579 : vector<16xf32>
        %add3A_581 = arith.addf %get3A_578, %mul3A_580 : vector<16xf32>
        %swap3A_582 = arith.index_cast %scan3A_223 : i32 to index
        %swap3A_583 = arith.constant 464 : index
        %swap3A_584 = tpu.vector_load %arg19[%swap3A_582, %swap3A_583] {strides = array<i32>} : memref<16x512xf32, #tpu.memory_space<vmem>>, vector<16xf32>,
        tpu.vector_store %arg19[%swap3A_582, %swap3A_583], %add3A_581 {strides = array<i32>} : memref<16x512xf32, #tpu.memory_space<vmem>>, vector<16xf32>,
        %get3A_585 = arith.index_cast %scan3A_223 : i32 to index
        %get3A_586 = arith.constant 480 : index
        %get3A_587 = tpu.vector_load %arg11[%get3A_585, %get3A_586] {strides = array<i32>} : memref<16x512xf32, #tpu.memory_space<vmem>>, vector<16xf32>,
        %get3A_588 = arith.index_cast %scan3A_223 : i32 to index
        %get3A_589 = arith.constant 480 : index
        %get3A_590 = tpu.vector_load %arg15[%get3A_588, %get3A_589] {strides = array<i32>} : memref<16x512xf32, #tpu.memory_space<vmem>>, vector<16xf32>,
        %sub3A_591 = arith.subf %get3A_587, %get3A_590 : vector<16xf32>
        %mul3A_592 = arith.mulf %gather3A, %sub3A_591 : vector<16xf32>
        %add3A_593 = arith.addf %get3A_590, %mul3A_592 : vector<16xf32>
        %swap3A_594 = arith.index_cast %scan3A_223 : i32 to index
        %swap3A_595 = arith.constant 480 : index
        %swap3A_596 = tpu.vector_load %arg19[%swap3A_594, %swap3A_595] {strides = array<i32>} : memref<16x512xf32, #tpu.memory_space<vmem>>, vector<16xf32>,
        tpu.vector_store %arg19[%swap3A_594, %swap3A_595], %add3A_593 {strides = array<i32>} : memref<16x512xf32, #tpu.memory_space<vmem>>, vector<16xf32>,
        %get3A_597 = arith.index_cast %scan3A_223 : i32 to index
        %get3A_598 = arith.constant 496 : index
        %get3A_599 = tpu.vector_load %arg11[%get3A_597, %get3A_598] {strides = array<i32>} : memref<16x512xf32, #tpu.memory_space<vmem>>, vector<16xf32>,
        %get3A_600 = arith.index_cast %scan3A_223 : i32 to index
        %get3A_601 = arith.constant 496 : index
        %get3A_602 = tpu.vector_load %arg15[%get3A_600, %get3A_601] {strides = array<i32>} : memref<16x512xf32, #tpu.memory_space<vmem>>, vector<16xf32>,
        %sub3A_603 = arith.subf %get3A_599, %get3A_602 : vector<16xf32>
        %mul3A_604 = arith.mulf %gather3A, %sub3A_603 : vector<16xf32>
        %add3A_605 = arith.addf %get3A_602, %mul3A_604 : vector<16xf32>
        %swap3A_606 = arith.index_cast %scan3A_223 : i32 to index
        %swap3A_607 = arith.constant 496 : index
        %swap3A_608 = tpu.vector_load %arg19[%swap3A_606, %swap3A_607] {strides = array<i32>} : memref<16x512xf32, #tpu.memory_space<vmem>>, vector<16xf32>,
        tpu.vector_store %arg19[%swap3A_606, %swap3A_607], %add3A_605 {strides = array<i32>} : memref<16x512xf32, #tpu.memory_space<vmem>>, vector<16xf32>,
      }
      %scan3A_122 = arith.constant 16 : i32
      %mul3A_123 = arith.constant 16 : i32
      %mul3A_124 = arith.muli %add3A_100, %mul3A_123 : i32
      %add3A_125 = arith.addi %mul3A_2, %mul3A_124 : i32
      %dma_start3A_126 = arith.constant 0 : i32
      %dma_start3A_127 = tpu.memref_slice %arg6[%add3A_125, %dma_start3A_126] : memref<65536x512xf32, #tpu.memory_space<hbm>> -> memref<16x512xf32, #tpu.memory_space<hbm>>
      %dma_start3A_128 = arith.constant 0 : i32
      %dma_start3A_129 = tpu.memref_slice %arg6[%add3A_125, %dma_start3A_128] : memref<65536x512xf32, #tpu.memory_space<hbm>> -> memref<16x512xf32, #tpu.memory_space<hbm>>
      tpu.enqueue_dma source(%arg19 : memref<16x512xf32, #tpu.memory_space<vmem>>) target(%dma_start3A_129 : memref<16x512xf32, #tpu.memory_space<hbm>>) target_semaphore(%arg31 : memref<!tpu.dma_semaphore, #tpu.memory_space<semaphore_mem>>)
      %add3A_130 = arith.constant 4 : i32
      %add3A_131 = arith.addi %add3A_100, %add3A_130 : i32
      %sub3A_132 = arith.constant 1 : i32
      %sub3A_133 = arith.subi %add3A_131, %sub3A_132 : i32
      %lt3A_134 = arith.constant 128 : i32
      %lt3A_135 = arith.cmpi slt, %sub3A_133, %lt3A_134 : i32
      %convert_element_type3A_136 = arith.extui %lt3A_135 : i1 to i32
      %cond3A_137 = arith.constant 0 : i32
      %cond3A_138 = arith.cmpi ne, %convert_element_type3A_136, %cond3A_137 : i32
      scf.if %cond3A_138 {
        %add3A_223 = arith.constant 4 : i32
        %add3A_224 = arith.addi %add3A_100, %add3A_223 : i32
        %sub3A_225 = arith.constant 1 : i32
        %sub3A_226 = arith.subi %add3A_224, %sub3A_225 : i32
        %mul3A_227 = arith.constant 16 : i32
        %mul3A_228 = arith.muli %sub3A_226, %mul3A_227 : i32
        %dma_start3A_229 = tpu.memref_slice %arg7[%mul3A_228] : memref<2048xi32, #tpu.memory_space<vmem>> -> memref<16xi32, #tpu.memory_space<vmem>>
        %dma_start3A_230 = arith.constant 0 : i32
        %dma_start3A_231 = arith.constant 0 : i32
        %dma_start3A_232 = tpu.memref_slice %arg2[%dma_start3A_230, %dma_start3A_231] : memref<16384x512xf32, #tpu.memory_space<hbm>> -> memref<16384x512xf32, #tpu.memory_space<hbm>>
        tpu.enqueue_indirect_dma source(%dma_start3A_232 : memref<16384x512xf32, #tpu.memory_space<hbm>>) target(%arg10 : memref<16x512xf32, #tpu.memory_space<vmem>>) offsets(%dma_start3A_229 : memref<16xi32, #tpu.memory_space<vmem>>) semaphore(%arg22 : memref<!tpu.dma_semaphore, #tpu.memory_space<semaphore_mem>>)
        %mul3A_233 = arith.constant 16 : i32
        %mul3A_234 = arith.muli %sub3A_226, %mul3A_233 : i32
        %dma_start3A_235 = tpu.memref_slice %arg8[%mul3A_234] : memref<2048xi32, #tpu.memory_space<vmem>> -> memref<16xi32, #tpu.memory_space<vmem>>
        %dma_start3A_236 = arith.constant 0 : i32
        %dma_start3A_237 = arith.constant 0 : i32
        %dma_start3A_238 = tpu.memref_slice %arg2[%dma_start3A_236, %dma_start3A_237] : memref<16384x512xf32, #tpu.memory_space<hbm>> -> memref<16384x512xf32, #tpu.memory_space<hbm>>
        tpu.enqueue_indirect_dma source(%dma_start3A_238 : memref<16384x512xf32, #tpu.memory_space<hbm>>) target(%arg14 : memref<16x512xf32, #tpu.memory_space<vmem>>) offsets(%dma_start3A_235 : memref<16xi32, #tpu.memory_space<vmem>>) semaphore(%arg26 : memref<!tpu.dma_semaphore, #tpu.memory_space<semaphore_mem>>)
      } else {
      }
      %mul3A_139 = arith.constant 4 : i32
      %mul3A_140 = arith.muli %mul3A_139, %scan3A_59 : i32
      %add3A_141 = arith.constant 2 : i32
      %add3A_142 = arith.addi %mul3A_140, %add3A_141 : i32
      %mul3A_143 = arith.constant 16 : i32
      %mul3A_144 = arith.muli %add3A_142, %mul3A_143 : i32
      %dma_wait3A_145 = tpu.memref_slice %arg7[%mul3A_144] : memref<2048xi32, #tpu.memory_space<vmem>> -> memref<16xi32, #tpu.memory_space<vmem>>
      %dma_wait3A_146 = arith.constant 0 : i32
      %dma_wait3A_147 = arith.constant 0 : i32
      %dma_wait3A_148 = tpu.memref_slice %arg2[%dma_wait3A_146, %dma_wait3A_147] : memref<16384x512xf32, #tpu.memory_space<hbm>> -> memref<16384x512xf32, #tpu.memory_space<hbm>>
      tpu.wait_indirect_dma semaphore(%arg24 : memref<!tpu.dma_semaphore, #tpu.memory_space<semaphore_mem>>) src(%dma_wait3A_148 : memref<16384x512xf32, #tpu.memory_space<hbm>>) dst(%arg12 : memref<16x512xf32, #tpu.memory_space<vmem>>)
      %mul3A_149 = arith.constant 16 : i32
      %mul3A_150 = arith.muli %add3A_142, %mul3A_149 : i32
      %dma_wait3A_151 = tpu.memref_slice %arg8[%mul3A_150] : memref<2048xi32, #tpu.memory_space<vmem>> -> memref<16xi32, #tpu.memory_space<vmem>>
      %dma_wait3A_152 = arith.constant 0 : i32
      %dma_wait3A_153 = arith.constant 0 : i32
      %dma_wait3A_154 = tpu.memref_slice %arg2[%dma_wait3A_152, %dma_wait3A_153] : memref<16384x512xf32, #tpu.memory_space<hbm>> -> memref<16384x512xf32, #tpu.memory_space<hbm>>
      tpu.wait_indirect_dma semaphore(%arg28 : memref<!tpu.dma_semaphore, #tpu.memory_space<semaphore_mem>>) src(%dma_wait3A_154 : memref<16384x512xf32, #tpu.memory_space<hbm>>) dst(%arg16 : memref<16x512xf32, #tpu.memory_space<vmem>>)
      %gt3A_155 = arith.constant 0 : i32
      %gt3A_156 = arith.cmpi sgt, %scan3A_59, %gt3A_155 : i32
      %convert_element_type3A_157 = arith.extui %gt3A_156 : i1 to i32
      %cond3A_158 = arith.constant 0 : i32
      %cond3A_159 = arith.cmpi ne, %convert_element_type3A_157, %cond3A_158 : i32
      scf.if %cond3A_159 {
        %dma_wait3A_223 = arith.constant 0 : i32
        %dma_wait3A_224 = tpu.memref_slice %arg6[%mul3A_2, %dma_wait3A_223] : memref<65536x512xf32, #tpu.memory_space<hbm>> -> memref<16x512xf32, #tpu.memory_space<hbm>>
        %dma_wait3A_225 = arith.constant 0 : i32
        %dma_wait3A_226 = tpu.memref_slice %arg6[%mul3A_2, %dma_wait3A_225] : memref<65536x512xf32, #tpu.memory_space<hbm>> -> memref<16x512xf32, #tpu.memory_space<hbm>>
        tpu.wait_dma2 semaphore(%arg32 : memref<!tpu.dma_semaphore, #tpu.memory_space<semaphore_mem>>) src(%arg20 : memref<16x512xf32, #tpu.memory_space<vmem>>) dst(%dma_wait3A_226 : memref<16x512xf32, #tpu.memory_space<hbm>>)
      } else {
      }
      %scan3A_160 = arith.constant 0 : i32
      %scan3A_161 = arith.constant 16 : i32
      %scan3A_162 = arith.addi %scan3A_160, %scan3A_161 : i32
      %scan3A_163 = arith.constant 1 : i32
      scf.for %scan3A_223 = %scan3A_160 to %scan3A_162 step %scan3A_163  : i32 {
        %mul3A_224 = arith.constant 16 : i32
        %mul3A_225 = arith.muli %add3A_142, %mul3A_224 : i32
        %add3A_226 = arith.addi %mul3A_225, %scan3A_223 : i32
        %broadcast_in_dim3A = vector.broadcast %add3A_226 : i32 to vector<16xi32>
        %gather3A = tpu.vector_load_idx %arg9[%broadcast_in_dim3A] : memref<2048xf32, #tpu.memory_space<vmem>>[vector<16xi32>], vector<16xf32>,
        %get3A = arith.index_cast %scan3A_223 : i32 to index
        %get3A_227 = arith.constant 0 : index
        %get3A_228 = tpu.vector_load %arg12[%get3A, %get3A_227] {strides = array<i32>} : memref<16x512xf32, #tpu.memory_space<vmem>>, vector<16xf32>,
        %get3A_229 = arith.index_cast %scan3A_223 : i32 to index
        %get3A_230 = arith.constant 0 : index
        %get3A_231 = tpu.vector_load %arg16[%get3A_229, %get3A_230] {strides = array<i32>} : memref<16x512xf32, #tpu.memory_space<vmem>>, vector<16xf32>,
        %sub3A_232 = arith.subf %get3A_228, %get3A_231 : vector<16xf32>
        %mul3A_233 = arith.mulf %gather3A, %sub3A_232 : vector<16xf32>
        %add3A_234 = arith.addf %get3A_231, %mul3A_233 : vector<16xf32>
        %swap3A = arith.index_cast %scan3A_223 : i32 to index
        %swap3A_235 = arith.constant 0 : index
        %swap3A_236 = tpu.vector_load %arg20[%swap3A, %swap3A_235] {strides = array<i32>} : memref<16x512xf32, #tpu.memory_space<vmem>>, vector<16xf32>,
        tpu.vector_store %arg20[%swap3A, %swap3A_235], %add3A_234 {strides = array<i32>} : memref<16x512xf32, #tpu.memory_space<vmem>>, vector<16xf32>,
        %get3A_237 = arith.index_cast %scan3A_223 : i32 to index
        %get3A_238 = arith.constant 16 : index
        %get3A_239 = tpu.vector_load %arg12[%get3A_237, %get3A_238] {strides = array<i32>} : memref<16x512xf32, #tpu.memory_space<vmem>>, vector<16xf32>,
        %get3A_240 = arith.index_cast %scan3A_223 : i32 to index
        %get3A_241 = arith.constant 16 : index
        %get3A_242 = tpu.vector_load %arg16[%get3A_240, %get3A_241] {strides = array<i32>} : memref<16x512xf32, #tpu.memory_space<vmem>>, vector<16xf32>,
        %sub3A_243 = arith.subf %get3A_239, %get3A_242 : vector<16xf32>
        %mul3A_244 = arith.mulf %gather3A, %sub3A_243 : vector<16xf32>
        %add3A_245 = arith.addf %get3A_242, %mul3A_244 : vector<16xf32>
        %swap3A_246 = arith.index_cast %scan3A_223 : i32 to index
        %swap3A_247 = arith.constant 16 : index
        %swap3A_248 = tpu.vector_load %arg20[%swap3A_246, %swap3A_247] {strides = array<i32>} : memref<16x512xf32, #tpu.memory_space<vmem>>, vector<16xf32>,
        tpu.vector_store %arg20[%swap3A_246, %swap3A_247], %add3A_245 {strides = array<i32>} : memref<16x512xf32, #tpu.memory_space<vmem>>, vector<16xf32>,
        %get3A_249 = arith.index_cast %scan3A_223 : i32 to index
        %get3A_250 = arith.constant 32 : index
        %get3A_251 = tpu.vector_load %arg12[%get3A_249, %get3A_250] {strides = array<i32>} : memref<16x512xf32, #tpu.memory_space<vmem>>, vector<16xf32>,
        %get3A_252 = arith.index_cast %scan3A_223 : i32 to index
        %get3A_253 = arith.constant 32 : index
        %get3A_254 = tpu.vector_load %arg16[%get3A_252, %get3A_253] {strides = array<i32>} : memref<16x512xf32, #tpu.memory_space<vmem>>, vector<16xf32>,
        %sub3A_255 = arith.subf %get3A_251, %get3A_254 : vector<16xf32>
        %mul3A_256 = arith.mulf %gather3A, %sub3A_255 : vector<16xf32>
        %add3A_257 = arith.addf %get3A_254, %mul3A_256 : vector<16xf32>
        %swap3A_258 = arith.index_cast %scan3A_223 : i32 to index
        %swap3A_259 = arith.constant 32 : index
        %swap3A_260 = tpu.vector_load %arg20[%swap3A_258, %swap3A_259] {strides = array<i32>} : memref<16x512xf32, #tpu.memory_space<vmem>>, vector<16xf32>,
        tpu.vector_store %arg20[%swap3A_258, %swap3A_259], %add3A_257 {strides = array<i32>} : memref<16x512xf32, #tpu.memory_space<vmem>>, vector<16xf32>,
        %get3A_261 = arith.index_cast %scan3A_223 : i32 to index
        %get3A_262 = arith.constant 48 : index
        %get3A_263 = tpu.vector_load %arg12[%get3A_261, %get3A_262] {strides = array<i32>} : memref<16x512xf32, #tpu.memory_space<vmem>>, vector<16xf32>,
        %get3A_264 = arith.index_cast %scan3A_223 : i32 to index
        %get3A_265 = arith.constant 48 : index
        %get3A_266 = tpu.vector_load %arg16[%get3A_264, %get3A_265] {strides = array<i32>} : memref<16x512xf32, #tpu.memory_space<vmem>>, vector<16xf32>,
        %sub3A_267 = arith.subf %get3A_263, %get3A_266 : vector<16xf32>
        %mul3A_268 = arith.mulf %gather3A, %sub3A_267 : vector<16xf32>
        %add3A_269 = arith.addf %get3A_266, %mul3A_268 : vector<16xf32>
        %swap3A_270 = arith.index_cast %scan3A_223 : i32 to index
        %swap3A_271 = arith.constant 48 : index
        %swap3A_272 = tpu.vector_load %arg20[%swap3A_270, %swap3A_271] {strides = array<i32>} : memref<16x512xf32, #tpu.memory_space<vmem>>, vector<16xf32>,
        tpu.vector_store %arg20[%swap3A_270, %swap3A_271], %add3A_269 {strides = array<i32>} : memref<16x512xf32, #tpu.memory_space<vmem>>, vector<16xf32>,
        %get3A_273 = arith.index_cast %scan3A_223 : i32 to index
        %get3A_274 = arith.constant 64 : index
        %get3A_275 = tpu.vector_load %arg12[%get3A_273, %get3A_274] {strides = array<i32>} : memref<16x512xf32, #tpu.memory_space<vmem>>, vector<16xf32>,
        %get3A_276 = arith.index_cast %scan3A_223 : i32 to index
        %get3A_277 = arith.constant 64 : index
        %get3A_278 = tpu.vector_load %arg16[%get3A_276, %get3A_277] {strides = array<i32>} : memref<16x512xf32, #tpu.memory_space<vmem>>, vector<16xf32>,
        %sub3A_279 = arith.subf %get3A_275, %get3A_278 : vector<16xf32>
        %mul3A_280 = arith.mulf %gather3A, %sub3A_279 : vector<16xf32>
        %add3A_281 = arith.addf %get3A_278, %mul3A_280 : vector<16xf32>
        %swap3A_282 = arith.index_cast %scan3A_223 : i32 to index
        %swap3A_283 = arith.constant 64 : index
        %swap3A_284 = tpu.vector_load %arg20[%swap3A_282, %swap3A_283] {strides = array<i32>} : memref<16x512xf32, #tpu.memory_space<vmem>>, vector<16xf32>,
        tpu.vector_store %arg20[%swap3A_282, %swap3A_283], %add3A_281 {strides = array<i32>} : memref<16x512xf32, #tpu.memory_space<vmem>>, vector<16xf32>,
        %get3A_285 = arith.index_cast %scan3A_223 : i32 to index
        %get3A_286 = arith.constant 80 : index
        %get3A_287 = tpu.vector_load %arg12[%get3A_285, %get3A_286] {strides = array<i32>} : memref<16x512xf32, #tpu.memory_space<vmem>>, vector<16xf32>,
        %get3A_288 = arith.index_cast %scan3A_223 : i32 to index
        %get3A_289 = arith.constant 80 : index
        %get3A_290 = tpu.vector_load %arg16[%get3A_288, %get3A_289] {strides = array<i32>} : memref<16x512xf32, #tpu.memory_space<vmem>>, vector<16xf32>,
        %sub3A_291 = arith.subf %get3A_287, %get3A_290 : vector<16xf32>
        %mul3A_292 = arith.mulf %gather3A, %sub3A_291 : vector<16xf32>
        %add3A_293 = arith.addf %get3A_290, %mul3A_292 : vector<16xf32>
        %swap3A_294 = arith.index_cast %scan3A_223 : i32 to index
        %swap3A_295 = arith.constant 80 : index
        %swap3A_296 = tpu.vector_load %arg20[%swap3A_294, %swap3A_295] {strides = array<i32>} : memref<16x512xf32, #tpu.memory_space<vmem>>, vector<16xf32>,
        tpu.vector_store %arg20[%swap3A_294, %swap3A_295], %add3A_293 {strides = array<i32>} : memref<16x512xf32, #tpu.memory_space<vmem>>, vector<16xf32>,
        %get3A_297 = arith.index_cast %scan3A_223 : i32 to index
        %get3A_298 = arith.constant 96 : index
        %get3A_299 = tpu.vector_load %arg12[%get3A_297, %get3A_298] {strides = array<i32>} : memref<16x512xf32, #tpu.memory_space<vmem>>, vector<16xf32>,
        %get3A_300 = arith.index_cast %scan3A_223 : i32 to index
        %get3A_301 = arith.constant 96 : index
        %get3A_302 = tpu.vector_load %arg16[%get3A_300, %get3A_301] {strides = array<i32>} : memref<16x512xf32, #tpu.memory_space<vmem>>, vector<16xf32>,
        %sub3A_303 = arith.subf %get3A_299, %get3A_302 : vector<16xf32>
        %mul3A_304 = arith.mulf %gather3A, %sub3A_303 : vector<16xf32>
        %add3A_305 = arith.addf %get3A_302, %mul3A_304 : vector<16xf32>
        %swap3A_306 = arith.index_cast %scan3A_223 : i32 to index
        %swap3A_307 = arith.constant 96 : index
        %swap3A_308 = tpu.vector_load %arg20[%swap3A_306, %swap3A_307] {strides = array<i32>} : memref<16x512xf32, #tpu.memory_space<vmem>>, vector<16xf32>,
        tpu.vector_store %arg20[%swap3A_306, %swap3A_307], %add3A_305 {strides = array<i32>} : memref<16x512xf32, #tpu.memory_space<vmem>>, vector<16xf32>,
        %get3A_309 = arith.index_cast %scan3A_223 : i32 to index
        %get3A_310 = arith.constant 112 : index
        %get3A_311 = tpu.vector_load %arg12[%get3A_309, %get3A_310] {strides = array<i32>} : memref<16x512xf32, #tpu.memory_space<vmem>>, vector<16xf32>,
        %get3A_312 = arith.index_cast %scan3A_223 : i32 to index
        %get3A_313 = arith.constant 112 : index
        %get3A_314 = tpu.vector_load %arg16[%get3A_312, %get3A_313] {strides = array<i32>} : memref<16x512xf32, #tpu.memory_space<vmem>>, vector<16xf32>,
        %sub3A_315 = arith.subf %get3A_311, %get3A_314 : vector<16xf32>
        %mul3A_316 = arith.mulf %gather3A, %sub3A_315 : vector<16xf32>
        %add3A_317 = arith.addf %get3A_314, %mul3A_316 : vector<16xf32>
        %swap3A_318 = arith.index_cast %scan3A_223 : i32 to index
        %swap3A_319 = arith.constant 112 : index
        %swap3A_320 = tpu.vector_load %arg20[%swap3A_318, %swap3A_319] {strides = array<i32>} : memref<16x512xf32, #tpu.memory_space<vmem>>, vector<16xf32>,
        tpu.vector_store %arg20[%swap3A_318, %swap3A_319], %add3A_317 {strides = array<i32>} : memref<16x512xf32, #tpu.memory_space<vmem>>, vector<16xf32>,
        %get3A_321 = arith.index_cast %scan3A_223 : i32 to index
        %get3A_322 = arith.constant 128 : index
        %get3A_323 = tpu.vector_load %arg12[%get3A_321, %get3A_322] {strides = array<i32>} : memref<16x512xf32, #tpu.memory_space<vmem>>, vector<16xf32>,
        %get3A_324 = arith.index_cast %scan3A_223 : i32 to index
        %get3A_325 = arith.constant 128 : index
        %get3A_326 = tpu.vector_load %arg16[%get3A_324, %get3A_325] {strides = array<i32>} : memref<16x512xf32, #tpu.memory_space<vmem>>, vector<16xf32>,
        %sub3A_327 = arith.subf %get3A_323, %get3A_326 : vector<16xf32>
        %mul3A_328 = arith.mulf %gather3A, %sub3A_327 : vector<16xf32>
        %add3A_329 = arith.addf %get3A_326, %mul3A_328 : vector<16xf32>
        %swap3A_330 = arith.index_cast %scan3A_223 : i32 to index
        %swap3A_331 = arith.constant 128 : index
        %swap3A_332 = tpu.vector_load %arg20[%swap3A_330, %swap3A_331] {strides = array<i32>} : memref<16x512xf32, #tpu.memory_space<vmem>>, vector<16xf32>,
        tpu.vector_store %arg20[%swap3A_330, %swap3A_331], %add3A_329 {strides = array<i32>} : memref<16x512xf32, #tpu.memory_space<vmem>>, vector<16xf32>,
        %get3A_333 = arith.index_cast %scan3A_223 : i32 to index
        %get3A_334 = arith.constant 144 : index
        %get3A_335 = tpu.vector_load %arg12[%get3A_333, %get3A_334] {strides = array<i32>} : memref<16x512xf32, #tpu.memory_space<vmem>>, vector<16xf32>,
        %get3A_336 = arith.index_cast %scan3A_223 : i32 to index
        %get3A_337 = arith.constant 144 : index
        %get3A_338 = tpu.vector_load %arg16[%get3A_336, %get3A_337] {strides = array<i32>} : memref<16x512xf32, #tpu.memory_space<vmem>>, vector<16xf32>,
        %sub3A_339 = arith.subf %get3A_335, %get3A_338 : vector<16xf32>
        %mul3A_340 = arith.mulf %gather3A, %sub3A_339 : vector<16xf32>
        %add3A_341 = arith.addf %get3A_338, %mul3A_340 : vector<16xf32>
        %swap3A_342 = arith.index_cast %scan3A_223 : i32 to index
        %swap3A_343 = arith.constant 144 : index
        %swap3A_344 = tpu.vector_load %arg20[%swap3A_342, %swap3A_343] {strides = array<i32>} : memref<16x512xf32, #tpu.memory_space<vmem>>, vector<16xf32>,
        tpu.vector_store %arg20[%swap3A_342, %swap3A_343], %add3A_341 {strides = array<i32>} : memref<16x512xf32, #tpu.memory_space<vmem>>, vector<16xf32>,
        %get3A_345 = arith.index_cast %scan3A_223 : i32 to index
        %get3A_346 = arith.constant 160 : index
        %get3A_347 = tpu.vector_load %arg12[%get3A_345, %get3A_346] {strides = array<i32>} : memref<16x512xf32, #tpu.memory_space<vmem>>, vector<16xf32>,
        %get3A_348 = arith.index_cast %scan3A_223 : i32 to index
        %get3A_349 = arith.constant 160 : index
        %get3A_350 = tpu.vector_load %arg16[%get3A_348, %get3A_349] {strides = array<i32>} : memref<16x512xf32, #tpu.memory_space<vmem>>, vector<16xf32>,
        %sub3A_351 = arith.subf %get3A_347, %get3A_350 : vector<16xf32>
        %mul3A_352 = arith.mulf %gather3A, %sub3A_351 : vector<16xf32>
        %add3A_353 = arith.addf %get3A_350, %mul3A_352 : vector<16xf32>
        %swap3A_354 = arith.index_cast %scan3A_223 : i32 to index
        %swap3A_355 = arith.constant 160 : index
        %swap3A_356 = tpu.vector_load %arg20[%swap3A_354, %swap3A_355] {strides = array<i32>} : memref<16x512xf32, #tpu.memory_space<vmem>>, vector<16xf32>,
        tpu.vector_store %arg20[%swap3A_354, %swap3A_355], %add3A_353 {strides = array<i32>} : memref<16x512xf32, #tpu.memory_space<vmem>>, vector<16xf32>,
        %get3A_357 = arith.index_cast %scan3A_223 : i32 to index
        %get3A_358 = arith.constant 176 : index
        %get3A_359 = tpu.vector_load %arg12[%get3A_357, %get3A_358] {strides = array<i32>} : memref<16x512xf32, #tpu.memory_space<vmem>>, vector<16xf32>,
        %get3A_360 = arith.index_cast %scan3A_223 : i32 to index
        %get3A_361 = arith.constant 176 : index
        %get3A_362 = tpu.vector_load %arg16[%get3A_360, %get3A_361] {strides = array<i32>} : memref<16x512xf32, #tpu.memory_space<vmem>>, vector<16xf32>,
        %sub3A_363 = arith.subf %get3A_359, %get3A_362 : vector<16xf32>
        %mul3A_364 = arith.mulf %gather3A, %sub3A_363 : vector<16xf32>
        %add3A_365 = arith.addf %get3A_362, %mul3A_364 : vector<16xf32>
        %swap3A_366 = arith.index_cast %scan3A_223 : i32 to index
        %swap3A_367 = arith.constant 176 : index
        %swap3A_368 = tpu.vector_load %arg20[%swap3A_366, %swap3A_367] {strides = array<i32>} : memref<16x512xf32, #tpu.memory_space<vmem>>, vector<16xf32>,
        tpu.vector_store %arg20[%swap3A_366, %swap3A_367], %add3A_365 {strides = array<i32>} : memref<16x512xf32, #tpu.memory_space<vmem>>, vector<16xf32>,
        %get3A_369 = arith.index_cast %scan3A_223 : i32 to index
        %get3A_370 = arith.constant 192 : index
        %get3A_371 = tpu.vector_load %arg12[%get3A_369, %get3A_370] {strides = array<i32>} : memref<16x512xf32, #tpu.memory_space<vmem>>, vector<16xf32>,
        %get3A_372 = arith.index_cast %scan3A_223 : i32 to index
        %get3A_373 = arith.constant 192 : index
        %get3A_374 = tpu.vector_load %arg16[%get3A_372, %get3A_373] {strides = array<i32>} : memref<16x512xf32, #tpu.memory_space<vmem>>, vector<16xf32>,
        %sub3A_375 = arith.subf %get3A_371, %get3A_374 : vector<16xf32>
        %mul3A_376 = arith.mulf %gather3A, %sub3A_375 : vector<16xf32>
        %add3A_377 = arith.addf %get3A_374, %mul3A_376 : vector<16xf32>
        %swap3A_378 = arith.index_cast %scan3A_223 : i32 to index
        %swap3A_379 = arith.constant 192 : index
        %swap3A_380 = tpu.vector_load %arg20[%swap3A_378, %swap3A_379] {strides = array<i32>} : memref<16x512xf32, #tpu.memory_space<vmem>>, vector<16xf32>,
        tpu.vector_store %arg20[%swap3A_378, %swap3A_379], %add3A_377 {strides = array<i32>} : memref<16x512xf32, #tpu.memory_space<vmem>>, vector<16xf32>,
        %get3A_381 = arith.index_cast %scan3A_223 : i32 to index
        %get3A_382 = arith.constant 208 : index
        %get3A_383 = tpu.vector_load %arg12[%get3A_381, %get3A_382] {strides = array<i32>} : memref<16x512xf32, #tpu.memory_space<vmem>>, vector<16xf32>,
        %get3A_384 = arith.index_cast %scan3A_223 : i32 to index
        %get3A_385 = arith.constant 208 : index
        %get3A_386 = tpu.vector_load %arg16[%get3A_384, %get3A_385] {strides = array<i32>} : memref<16x512xf32, #tpu.memory_space<vmem>>, vector<16xf32>,
        %sub3A_387 = arith.subf %get3A_383, %get3A_386 : vector<16xf32>
        %mul3A_388 = arith.mulf %gather3A, %sub3A_387 : vector<16xf32>
        %add3A_389 = arith.addf %get3A_386, %mul3A_388 : vector<16xf32>
        %swap3A_390 = arith.index_cast %scan3A_223 : i32 to index
        %swap3A_391 = arith.constant 208 : index
        %swap3A_392 = tpu.vector_load %arg20[%swap3A_390, %swap3A_391] {strides = array<i32>} : memref<16x512xf32, #tpu.memory_space<vmem>>, vector<16xf32>,
        tpu.vector_store %arg20[%swap3A_390, %swap3A_391], %add3A_389 {strides = array<i32>} : memref<16x512xf32, #tpu.memory_space<vmem>>, vector<16xf32>,
        %get3A_393 = arith.index_cast %scan3A_223 : i32 to index
        %get3A_394 = arith.constant 224 : index
        %get3A_395 = tpu.vector_load %arg12[%get3A_393, %get3A_394] {strides = array<i32>} : memref<16x512xf32, #tpu.memory_space<vmem>>, vector<16xf32>,
        %get3A_396 = arith.index_cast %scan3A_223 : i32 to index
        %get3A_397 = arith.constant 224 : index
        %get3A_398 = tpu.vector_load %arg16[%get3A_396, %get3A_397] {strides = array<i32>} : memref<16x512xf32, #tpu.memory_space<vmem>>, vector<16xf32>,
        %sub3A_399 = arith.subf %get3A_395, %get3A_398 : vector<16xf32>
        %mul3A_400 = arith.mulf %gather3A, %sub3A_399 : vector<16xf32>
        %add3A_401 = arith.addf %get3A_398, %mul3A_400 : vector<16xf32>
        %swap3A_402 = arith.index_cast %scan3A_223 : i32 to index
        %swap3A_403 = arith.constant 224 : index
        %swap3A_404 = tpu.vector_load %arg20[%swap3A_402, %swap3A_403] {strides = array<i32>} : memref<16x512xf32, #tpu.memory_space<vmem>>, vector<16xf32>,
        tpu.vector_store %arg20[%swap3A_402, %swap3A_403], %add3A_401 {strides = array<i32>} : memref<16x512xf32, #tpu.memory_space<vmem>>, vector<16xf32>,
        %get3A_405 = arith.index_cast %scan3A_223 : i32 to index
        %get3A_406 = arith.constant 240 : index
        %get3A_407 = tpu.vector_load %arg12[%get3A_405, %get3A_406] {strides = array<i32>} : memref<16x512xf32, #tpu.memory_space<vmem>>, vector<16xf32>,
        %get3A_408 = arith.index_cast %scan3A_223 : i32 to index
        %get3A_409 = arith.constant 240 : index
        %get3A_410 = tpu.vector_load %arg16[%get3A_408, %get3A_409] {strides = array<i32>} : memref<16x512xf32, #tpu.memory_space<vmem>>, vector<16xf32>,
        %sub3A_411 = arith.subf %get3A_407, %get3A_410 : vector<16xf32>
        %mul3A_412 = arith.mulf %gather3A, %sub3A_411 : vector<16xf32>
        %add3A_413 = arith.addf %get3A_410, %mul3A_412 : vector<16xf32>
        %swap3A_414 = arith.index_cast %scan3A_223 : i32 to index
        %swap3A_415 = arith.constant 240 : index
        %swap3A_416 = tpu.vector_load %arg20[%swap3A_414, %swap3A_415] {strides = array<i32>} : memref<16x512xf32, #tpu.memory_space<vmem>>, vector<16xf32>,
        tpu.vector_store %arg20[%swap3A_414, %swap3A_415], %add3A_413 {strides = array<i32>} : memref<16x512xf32, #tpu.memory_space<vmem>>, vector<16xf32>,
        %get3A_417 = arith.index_cast %scan3A_223 : i32 to index
        %get3A_418 = arith.constant 256 : index
        %get3A_419 = tpu.vector_load %arg12[%get3A_417, %get3A_418] {strides = array<i32>} : memref<16x512xf32, #tpu.memory_space<vmem>>, vector<16xf32>,
        %get3A_420 = arith.index_cast %scan3A_223 : i32 to index
        %get3A_421 = arith.constant 256 : index
        %get3A_422 = tpu.vector_load %arg16[%get3A_420, %get3A_421] {strides = array<i32>} : memref<16x512xf32, #tpu.memory_space<vmem>>, vector<16xf32>,
        %sub3A_423 = arith.subf %get3A_419, %get3A_422 : vector<16xf32>
        %mul3A_424 = arith.mulf %gather3A, %sub3A_423 : vector<16xf32>
        %add3A_425 = arith.addf %get3A_422, %mul3A_424 : vector<16xf32>
        %swap3A_426 = arith.index_cast %scan3A_223 : i32 to index
        %swap3A_427 = arith.constant 256 : index
        %swap3A_428 = tpu.vector_load %arg20[%swap3A_426, %swap3A_427] {strides = array<i32>} : memref<16x512xf32, #tpu.memory_space<vmem>>, vector<16xf32>,
        tpu.vector_store %arg20[%swap3A_426, %swap3A_427], %add3A_425 {strides = array<i32>} : memref<16x512xf32, #tpu.memory_space<vmem>>, vector<16xf32>,
        %get3A_429 = arith.index_cast %scan3A_223 : i32 to index
        %get3A_430 = arith.constant 272 : index
        %get3A_431 = tpu.vector_load %arg12[%get3A_429, %get3A_430] {strides = array<i32>} : memref<16x512xf32, #tpu.memory_space<vmem>>, vector<16xf32>,
        %get3A_432 = arith.index_cast %scan3A_223 : i32 to index
        %get3A_433 = arith.constant 272 : index
        %get3A_434 = tpu.vector_load %arg16[%get3A_432, %get3A_433] {strides = array<i32>} : memref<16x512xf32, #tpu.memory_space<vmem>>, vector<16xf32>,
        %sub3A_435 = arith.subf %get3A_431, %get3A_434 : vector<16xf32>
        %mul3A_436 = arith.mulf %gather3A, %sub3A_435 : vector<16xf32>
        %add3A_437 = arith.addf %get3A_434, %mul3A_436 : vector<16xf32>
        %swap3A_438 = arith.index_cast %scan3A_223 : i32 to index
        %swap3A_439 = arith.constant 272 : index
        %swap3A_440 = tpu.vector_load %arg20[%swap3A_438, %swap3A_439] {strides = array<i32>} : memref<16x512xf32, #tpu.memory_space<vmem>>, vector<16xf32>,
        tpu.vector_store %arg20[%swap3A_438, %swap3A_439], %add3A_437 {strides = array<i32>} : memref<16x512xf32, #tpu.memory_space<vmem>>, vector<16xf32>,
        %get3A_441 = arith.index_cast %scan3A_223 : i32 to index
        %get3A_442 = arith.constant 288 : index
        %get3A_443 = tpu.vector_load %arg12[%get3A_441, %get3A_442] {strides = array<i32>} : memref<16x512xf32, #tpu.memory_space<vmem>>, vector<16xf32>,
        %get3A_444 = arith.index_cast %scan3A_223 : i32 to index
        %get3A_445 = arith.constant 288 : index
        %get3A_446 = tpu.vector_load %arg16[%get3A_444, %get3A_445] {strides = array<i32>} : memref<16x512xf32, #tpu.memory_space<vmem>>, vector<16xf32>,
        %sub3A_447 = arith.subf %get3A_443, %get3A_446 : vector<16xf32>
        %mul3A_448 = arith.mulf %gather3A, %sub3A_447 : vector<16xf32>
        %add3A_449 = arith.addf %get3A_446, %mul3A_448 : vector<16xf32>
        %swap3A_450 = arith.index_cast %scan3A_223 : i32 to index
        %swap3A_451 = arith.constant 288 : index
        %swap3A_452 = tpu.vector_load %arg20[%swap3A_450, %swap3A_451] {strides = array<i32>} : memref<16x512xf32, #tpu.memory_space<vmem>>, vector<16xf32>,
        tpu.vector_store %arg20[%swap3A_450, %swap3A_451], %add3A_449 {strides = array<i32>} : memref<16x512xf32, #tpu.memory_space<vmem>>, vector<16xf32>,
        %get3A_453 = arith.index_cast %scan3A_223 : i32 to index
        %get3A_454 = arith.constant 304 : index
        %get3A_455 = tpu.vector_load %arg12[%get3A_453, %get3A_454] {strides = array<i32>} : memref<16x512xf32, #tpu.memory_space<vmem>>, vector<16xf32>,
        %get3A_456 = arith.index_cast %scan3A_223 : i32 to index
        %get3A_457 = arith.constant 304 : index
        %get3A_458 = tpu.vector_load %arg16[%get3A_456, %get3A_457] {strides = array<i32>} : memref<16x512xf32, #tpu.memory_space<vmem>>, vector<16xf32>,
        %sub3A_459 = arith.subf %get3A_455, %get3A_458 : vector<16xf32>
        %mul3A_460 = arith.mulf %gather3A, %sub3A_459 : vector<16xf32>
        %add3A_461 = arith.addf %get3A_458, %mul3A_460 : vector<16xf32>
        %swap3A_462 = arith.index_cast %scan3A_223 : i32 to index
        %swap3A_463 = arith.constant 304 : index
        %swap3A_464 = tpu.vector_load %arg20[%swap3A_462, %swap3A_463] {strides = array<i32>} : memref<16x512xf32, #tpu.memory_space<vmem>>, vector<16xf32>,
        tpu.vector_store %arg20[%swap3A_462, %swap3A_463], %add3A_461 {strides = array<i32>} : memref<16x512xf32, #tpu.memory_space<vmem>>, vector<16xf32>,
        %get3A_465 = arith.index_cast %scan3A_223 : i32 to index
        %get3A_466 = arith.constant 320 : index
        %get3A_467 = tpu.vector_load %arg12[%get3A_465, %get3A_466] {strides = array<i32>} : memref<16x512xf32, #tpu.memory_space<vmem>>, vector<16xf32>,
        %get3A_468 = arith.index_cast %scan3A_223 : i32 to index
        %get3A_469 = arith.constant 320 : index
        %get3A_470 = tpu.vector_load %arg16[%get3A_468, %get3A_469] {strides = array<i32>} : memref<16x512xf32, #tpu.memory_space<vmem>>, vector<16xf32>,
        %sub3A_471 = arith.subf %get3A_467, %get3A_470 : vector<16xf32>
        %mul3A_472 = arith.mulf %gather3A, %sub3A_471 : vector<16xf32>
        %add3A_473 = arith.addf %get3A_470, %mul3A_472 : vector<16xf32>
        %swap3A_474 = arith.index_cast %scan3A_223 : i32 to index
        %swap3A_475 = arith.constant 320 : index
        %swap3A_476 = tpu.vector_load %arg20[%swap3A_474, %swap3A_475] {strides = array<i32>} : memref<16x512xf32, #tpu.memory_space<vmem>>, vector<16xf32>,
        tpu.vector_store %arg20[%swap3A_474, %swap3A_475], %add3A_473 {strides = array<i32>} : memref<16x512xf32, #tpu.memory_space<vmem>>, vector<16xf32>,
        %get3A_477 = arith.index_cast %scan3A_223 : i32 to index
        %get3A_478 = arith.constant 336 : index
        %get3A_479 = tpu.vector_load %arg12[%get3A_477, %get3A_478] {strides = array<i32>} : memref<16x512xf32, #tpu.memory_space<vmem>>, vector<16xf32>,
        %get3A_480 = arith.index_cast %scan3A_223 : i32 to index
        %get3A_481 = arith.constant 336 : index
        %get3A_482 = tpu.vector_load %arg16[%get3A_480, %get3A_481] {strides = array<i32>} : memref<16x512xf32, #tpu.memory_space<vmem>>, vector<16xf32>,
        %sub3A_483 = arith.subf %get3A_479, %get3A_482 : vector<16xf32>
        %mul3A_484 = arith.mulf %gather3A, %sub3A_483 : vector<16xf32>
        %add3A_485 = arith.addf %get3A_482, %mul3A_484 : vector<16xf32>
        %swap3A_486 = arith.index_cast %scan3A_223 : i32 to index
        %swap3A_487 = arith.constant 336 : index
        %swap3A_488 = tpu.vector_load %arg20[%swap3A_486, %swap3A_487] {strides = array<i32>} : memref<16x512xf32, #tpu.memory_space<vmem>>, vector<16xf32>,
        tpu.vector_store %arg20[%swap3A_486, %swap3A_487], %add3A_485 {strides = array<i32>} : memref<16x512xf32, #tpu.memory_space<vmem>>, vector<16xf32>,
        %get3A_489 = arith.index_cast %scan3A_223 : i32 to index
        %get3A_490 = arith.constant 352 : index
        %get3A_491 = tpu.vector_load %arg12[%get3A_489, %get3A_490] {strides = array<i32>} : memref<16x512xf32, #tpu.memory_space<vmem>>, vector<16xf32>,
        %get3A_492 = arith.index_cast %scan3A_223 : i32 to index
        %get3A_493 = arith.constant 352 : index
        %get3A_494 = tpu.vector_load %arg16[%get3A_492, %get3A_493] {strides = array<i32>} : memref<16x512xf32, #tpu.memory_space<vmem>>, vector<16xf32>,
        %sub3A_495 = arith.subf %get3A_491, %get3A_494 : vector<16xf32>
        %mul3A_496 = arith.mulf %gather3A, %sub3A_495 : vector<16xf32>
        %add3A_497 = arith.addf %get3A_494, %mul3A_496 : vector<16xf32>
        %swap3A_498 = arith.index_cast %scan3A_223 : i32 to index
        %swap3A_499 = arith.constant 352 : index
        %swap3A_500 = tpu.vector_load %arg20[%swap3A_498, %swap3A_499] {strides = array<i32>} : memref<16x512xf32, #tpu.memory_space<vmem>>, vector<16xf32>,
        tpu.vector_store %arg20[%swap3A_498, %swap3A_499], %add3A_497 {strides = array<i32>} : memref<16x512xf32, #tpu.memory_space<vmem>>, vector<16xf32>,
        %get3A_501 = arith.index_cast %scan3A_223 : i32 to index
        %get3A_502 = arith.constant 368 : index
        %get3A_503 = tpu.vector_load %arg12[%get3A_501, %get3A_502] {strides = array<i32>} : memref<16x512xf32, #tpu.memory_space<vmem>>, vector<16xf32>,
        %get3A_504 = arith.index_cast %scan3A_223 : i32 to index
        %get3A_505 = arith.constant 368 : index
        %get3A_506 = tpu.vector_load %arg16[%get3A_504, %get3A_505] {strides = array<i32>} : memref<16x512xf32, #tpu.memory_space<vmem>>, vector<16xf32>,
        %sub3A_507 = arith.subf %get3A_503, %get3A_506 : vector<16xf32>
        %mul3A_508 = arith.mulf %gather3A, %sub3A_507 : vector<16xf32>
        %add3A_509 = arith.addf %get3A_506, %mul3A_508 : vector<16xf32>
        %swap3A_510 = arith.index_cast %scan3A_223 : i32 to index
        %swap3A_511 = arith.constant 368 : index
        %swap3A_512 = tpu.vector_load %arg20[%swap3A_510, %swap3A_511] {strides = array<i32>} : memref<16x512xf32, #tpu.memory_space<vmem>>, vector<16xf32>,
        tpu.vector_store %arg20[%swap3A_510, %swap3A_511], %add3A_509 {strides = array<i32>} : memref<16x512xf32, #tpu.memory_space<vmem>>, vector<16xf32>,
        %get3A_513 = arith.index_cast %scan3A_223 : i32 to index
        %get3A_514 = arith.constant 384 : index
        %get3A_515 = tpu.vector_load %arg12[%get3A_513, %get3A_514] {strides = array<i32>} : memref<16x512xf32, #tpu.memory_space<vmem>>, vector<16xf32>,
        %get3A_516 = arith.index_cast %scan3A_223 : i32 to index
        %get3A_517 = arith.constant 384 : index
        %get3A_518 = tpu.vector_load %arg16[%get3A_516, %get3A_517] {strides = array<i32>} : memref<16x512xf32, #tpu.memory_space<vmem>>, vector<16xf32>,
        %sub3A_519 = arith.subf %get3A_515, %get3A_518 : vector<16xf32>
        %mul3A_520 = arith.mulf %gather3A, %sub3A_519 : vector<16xf32>
        %add3A_521 = arith.addf %get3A_518, %mul3A_520 : vector<16xf32>
        %swap3A_522 = arith.index_cast %scan3A_223 : i32 to index
        %swap3A_523 = arith.constant 384 : index
        %swap3A_524 = tpu.vector_load %arg20[%swap3A_522, %swap3A_523] {strides = array<i32>} : memref<16x512xf32, #tpu.memory_space<vmem>>, vector<16xf32>,
        tpu.vector_store %arg20[%swap3A_522, %swap3A_523], %add3A_521 {strides = array<i32>} : memref<16x512xf32, #tpu.memory_space<vmem>>, vector<16xf32>,
        %get3A_525 = arith.index_cast %scan3A_223 : i32 to index
        %get3A_526 = arith.constant 400 : index
        %get3A_527 = tpu.vector_load %arg12[%get3A_525, %get3A_526] {strides = array<i32>} : memref<16x512xf32, #tpu.memory_space<vmem>>, vector<16xf32>,
        %get3A_528 = arith.index_cast %scan3A_223 : i32 to index
        %get3A_529 = arith.constant 400 : index
        %get3A_530 = tpu.vector_load %arg16[%get3A_528, %get3A_529] {strides = array<i32>} : memref<16x512xf32, #tpu.memory_space<vmem>>, vector<16xf32>,
        %sub3A_531 = arith.subf %get3A_527, %get3A_530 : vector<16xf32>
        %mul3A_532 = arith.mulf %gather3A, %sub3A_531 : vector<16xf32>
        %add3A_533 = arith.addf %get3A_530, %mul3A_532 : vector<16xf32>
        %swap3A_534 = arith.index_cast %scan3A_223 : i32 to index
        %swap3A_535 = arith.constant 400 : index
        %swap3A_536 = tpu.vector_load %arg20[%swap3A_534, %swap3A_535] {strides = array<i32>} : memref<16x512xf32, #tpu.memory_space<vmem>>, vector<16xf32>,
        tpu.vector_store %arg20[%swap3A_534, %swap3A_535], %add3A_533 {strides = array<i32>} : memref<16x512xf32, #tpu.memory_space<vmem>>, vector<16xf32>,
        %get3A_537 = arith.index_cast %scan3A_223 : i32 to index
        %get3A_538 = arith.constant 416 : index
        %get3A_539 = tpu.vector_load %arg12[%get3A_537, %get3A_538] {strides = array<i32>} : memref<16x512xf32, #tpu.memory_space<vmem>>, vector<16xf32>,
        %get3A_540 = arith.index_cast %scan3A_223 : i32 to index
        %get3A_541 = arith.constant 416 : index
        %get3A_542 = tpu.vector_load %arg16[%get3A_540, %get3A_541] {strides = array<i32>} : memref<16x512xf32, #tpu.memory_space<vmem>>, vector<16xf32>,
        %sub3A_543 = arith.subf %get3A_539, %get3A_542 : vector<16xf32>
        %mul3A_544 = arith.mulf %gather3A, %sub3A_543 : vector<16xf32>
        %add3A_545 = arith.addf %get3A_542, %mul3A_544 : vector<16xf32>
        %swap3A_546 = arith.index_cast %scan3A_223 : i32 to index
        %swap3A_547 = arith.constant 416 : index
        %swap3A_548 = tpu.vector_load %arg20[%swap3A_546, %swap3A_547] {strides = array<i32>} : memref<16x512xf32, #tpu.memory_space<vmem>>, vector<16xf32>,
        tpu.vector_store %arg20[%swap3A_546, %swap3A_547], %add3A_545 {strides = array<i32>} : memref<16x512xf32, #tpu.memory_space<vmem>>, vector<16xf32>,
        %get3A_549 = arith.index_cast %scan3A_223 : i32 to index
        %get3A_550 = arith.constant 432 : index
        %get3A_551 = tpu.vector_load %arg12[%get3A_549, %get3A_550] {strides = array<i32>} : memref<16x512xf32, #tpu.memory_space<vmem>>, vector<16xf32>,
        %get3A_552 = arith.index_cast %scan3A_223 : i32 to index
        %get3A_553 = arith.constant 432 : index
        %get3A_554 = tpu.vector_load %arg16[%get3A_552, %get3A_553] {strides = array<i32>} : memref<16x512xf32, #tpu.memory_space<vmem>>, vector<16xf32>,
        %sub3A_555 = arith.subf %get3A_551, %get3A_554 : vector<16xf32>
        %mul3A_556 = arith.mulf %gather3A, %sub3A_555 : vector<16xf32>
        %add3A_557 = arith.addf %get3A_554, %mul3A_556 : vector<16xf32>
        %swap3A_558 = arith.index_cast %scan3A_223 : i32 to index
        %swap3A_559 = arith.constant 432 : index
        %swap3A_560 = tpu.vector_load %arg20[%swap3A_558, %swap3A_559] {strides = array<i32>} : memref<16x512xf32, #tpu.memory_space<vmem>>, vector<16xf32>,
        tpu.vector_store %arg20[%swap3A_558, %swap3A_559], %add3A_557 {strides = array<i32>} : memref<16x512xf32, #tpu.memory_space<vmem>>, vector<16xf32>,
        %get3A_561 = arith.index_cast %scan3A_223 : i32 to index
        %get3A_562 = arith.constant 448 : index
        %get3A_563 = tpu.vector_load %arg12[%get3A_561, %get3A_562] {strides = array<i32>} : memref<16x512xf32, #tpu.memory_space<vmem>>, vector<16xf32>,
        %get3A_564 = arith.index_cast %scan3A_223 : i32 to index
        %get3A_565 = arith.constant 448 : index
        %get3A_566 = tpu.vector_load %arg16[%get3A_564, %get3A_565] {strides = array<i32>} : memref<16x512xf32, #tpu.memory_space<vmem>>, vector<16xf32>,
        %sub3A_567 = arith.subf %get3A_563, %get3A_566 : vector<16xf32>
        %mul3A_568 = arith.mulf %gather3A, %sub3A_567 : vector<16xf32>
        %add3A_569 = arith.addf %get3A_566, %mul3A_568 : vector<16xf32>
        %swap3A_570 = arith.index_cast %scan3A_223 : i32 to index
        %swap3A_571 = arith.constant 448 : index
        %swap3A_572 = tpu.vector_load %arg20[%swap3A_570, %swap3A_571] {strides = array<i32>} : memref<16x512xf32, #tpu.memory_space<vmem>>, vector<16xf32>,
        tpu.vector_store %arg20[%swap3A_570, %swap3A_571], %add3A_569 {strides = array<i32>} : memref<16x512xf32, #tpu.memory_space<vmem>>, vector<16xf32>,
        %get3A_573 = arith.index_cast %scan3A_223 : i32 to index
        %get3A_574 = arith.constant 464 : index
        %get3A_575 = tpu.vector_load %arg12[%get3A_573, %get3A_574] {strides = array<i32>} : memref<16x512xf32, #tpu.memory_space<vmem>>, vector<16xf32>,
        %get3A_576 = arith.index_cast %scan3A_223 : i32 to index
        %get3A_577 = arith.constant 464 : index
        %get3A_578 = tpu.vector_load %arg16[%get3A_576, %get3A_577] {strides = array<i32>} : memref<16x512xf32, #tpu.memory_space<vmem>>, vector<16xf32>,
        %sub3A_579 = arith.subf %get3A_575, %get3A_578 : vector<16xf32>
        %mul3A_580 = arith.mulf %gather3A, %sub3A_579 : vector<16xf32>
        %add3A_581 = arith.addf %get3A_578, %mul3A_580 : vector<16xf32>
        %swap3A_582 = arith.index_cast %scan3A_223 : i32 to index
        %swap3A_583 = arith.constant 464 : index
        %swap3A_584 = tpu.vector_load %arg20[%swap3A_582, %swap3A_583] {strides = array<i32>} : memref<16x512xf32, #tpu.memory_space<vmem>>, vector<16xf32>,
        tpu.vector_store %arg20[%swap3A_582, %swap3A_583], %add3A_581 {strides = array<i32>} : memref<16x512xf32, #tpu.memory_space<vmem>>, vector<16xf32>,
        %get3A_585 = arith.index_cast %scan3A_223 : i32 to index
        %get3A_586 = arith.constant 480 : index
        %get3A_587 = tpu.vector_load %arg12[%get3A_585, %get3A_586] {strides = array<i32>} : memref<16x512xf32, #tpu.memory_space<vmem>>, vector<16xf32>,
        %get3A_588 = arith.index_cast %scan3A_223 : i32 to index
        %get3A_589 = arith.constant 480 : index
        %get3A_590 = tpu.vector_load %arg16[%get3A_588, %get3A_589] {strides = array<i32>} : memref<16x512xf32, #tpu.memory_space<vmem>>, vector<16xf32>,
        %sub3A_591 = arith.subf %get3A_587, %get3A_590 : vector<16xf32>
        %mul3A_592 = arith.mulf %gather3A, %sub3A_591 : vector<16xf32>
        %add3A_593 = arith.addf %get3A_590, %mul3A_592 : vector<16xf32>
        %swap3A_594 = arith.index_cast %scan3A_223 : i32 to index
        %swap3A_595 = arith.constant 480 : index
        %swap3A_596 = tpu.vector_load %arg20[%swap3A_594, %swap3A_595] {strides = array<i32>} : memref<16x512xf32, #tpu.memory_space<vmem>>, vector<16xf32>,
        tpu.vector_store %arg20[%swap3A_594, %swap3A_595], %add3A_593 {strides = array<i32>} : memref<16x512xf32, #tpu.memory_space<vmem>>, vector<16xf32>,
        %get3A_597 = arith.index_cast %scan3A_223 : i32 to index
        %get3A_598 = arith.constant 496 : index
        %get3A_599 = tpu.vector_load %arg12[%get3A_597, %get3A_598] {strides = array<i32>} : memref<16x512xf32, #tpu.memory_space<vmem>>, vector<16xf32>,
        %get3A_600 = arith.index_cast %scan3A_223 : i32 to index
        %get3A_601 = arith.constant 496 : index
        %get3A_602 = tpu.vector_load %arg16[%get3A_600, %get3A_601] {strides = array<i32>} : memref<16x512xf32, #tpu.memory_space<vmem>>, vector<16xf32>,
        %sub3A_603 = arith.subf %get3A_599, %get3A_602 : vector<16xf32>
        %mul3A_604 = arith.mulf %gather3A, %sub3A_603 : vector<16xf32>
        %add3A_605 = arith.addf %get3A_602, %mul3A_604 : vector<16xf32>
        %swap3A_606 = arith.index_cast %scan3A_223 : i32 to index
        %swap3A_607 = arith.constant 496 : index
        %swap3A_608 = tpu.vector_load %arg20[%swap3A_606, %swap3A_607] {strides = array<i32>} : memref<16x512xf32, #tpu.memory_space<vmem>>, vector<16xf32>,
        tpu.vector_store %arg20[%swap3A_606, %swap3A_607], %add3A_605 {strides = array<i32>} : memref<16x512xf32, #tpu.memory_space<vmem>>, vector<16xf32>,
      }
      %scan3A_164 = arith.constant 16 : i32
      %mul3A_165 = arith.constant 16 : i32
      %mul3A_166 = arith.muli %add3A_142, %mul3A_165 : i32
      %add3A_167 = arith.addi %mul3A_2, %mul3A_166 : i32
      %dma_start3A_168 = arith.constant 0 : i32
      %dma_start3A_169 = tpu.memref_slice %arg6[%add3A_167, %dma_start3A_168] : memref<65536x512xf32, #tpu.memory_space<hbm>> -> memref<16x512xf32, #tpu.memory_space<hbm>>
      %dma_start3A_170 = arith.constant 0 : i32
      %dma_start3A_171 = tpu.memref_slice %arg6[%add3A_167, %dma_start3A_170] : memref<65536x512xf32, #tpu.memory_space<hbm>> -> memref<16x512xf32, #tpu.memory_space<hbm>>
      tpu.enqueue_dma source(%arg20 : memref<16x512xf32, #tpu.memory_space<vmem>>) target(%dma_start3A_171 : memref<16x512xf32, #tpu.memory_space<hbm>>) target_semaphore(%arg32 : memref<!tpu.dma_semaphore, #tpu.memory_space<semaphore_mem>>)
      %add3A_172 = arith.constant 4 : i32
      %add3A_173 = arith.addi %add3A_142, %add3A_172 : i32
      %sub3A_174 = arith.constant 1 : i32
      %sub3A_175 = arith.subi %add3A_173, %sub3A_174 : i32
      %lt3A_176 = arith.constant 128 : i32
      %lt3A_177 = arith.cmpi slt, %sub3A_175, %lt3A_176 : i32
      %convert_element_type3A_178 = arith.extui %lt3A_177 : i1 to i32
      %cond3A_179 = arith.constant 0 : i32
      %cond3A_180 = arith.cmpi ne, %convert_element_type3A_178, %cond3A_179 : i32
      scf.if %cond3A_180 {
        %add3A_223 = arith.constant 4 : i32
        %add3A_224 = arith.addi %add3A_142, %add3A_223 : i32
        %sub3A_225 = arith.constant 1 : i32
        %sub3A_226 = arith.subi %add3A_224, %sub3A_225 : i32
        %mul3A_227 = arith.constant 16 : i32
        %mul3A_228 = arith.muli %sub3A_226, %mul3A_227 : i32
        %dma_start3A_229 = tpu.memref_slice %arg7[%mul3A_228] : memref<2048xi32, #tpu.memory_space<vmem>> -> memref<16xi32, #tpu.memory_space<vmem>>
        %dma_start3A_230 = arith.constant 0 : i32
        %dma_start3A_231 = arith.constant 0 : i32
        %dma_start3A_232 = tpu.memref_slice %arg2[%dma_start3A_230, %dma_start3A_231] : memref<16384x512xf32, #tpu.memory_space<hbm>> -> memref<16384x512xf32, #tpu.memory_space<hbm>>
        tpu.enqueue_indirect_dma source(%dma_start3A_232 : memref<16384x512xf32, #tpu.memory_space<hbm>>) target(%arg11 : memref<16x512xf32, #tpu.memory_space<vmem>>) offsets(%dma_start3A_229 : memref<16xi32, #tpu.memory_space<vmem>>) semaphore(%arg23 : memref<!tpu.dma_semaphore, #tpu.memory_space<semaphore_mem>>)
        %mul3A_233 = arith.constant 16 : i32
        %mul3A_234 = arith.muli %sub3A_226, %mul3A_233 : i32
        %dma_start3A_235 = tpu.memref_slice %arg8[%mul3A_234] : memref<2048xi32, #tpu.memory_space<vmem>> -> memref<16xi32, #tpu.memory_space<vmem>>
        %dma_start3A_236 = arith.constant 0 : i32
        %dma_start3A_237 = arith.constant 0 : i32
        %dma_start3A_238 = tpu.memref_slice %arg2[%dma_start3A_236, %dma_start3A_237] : memref<16384x512xf32, #tpu.memory_space<hbm>> -> memref<16384x512xf32, #tpu.memory_space<hbm>>
        tpu.enqueue_indirect_dma source(%dma_start3A_238 : memref<16384x512xf32, #tpu.memory_space<hbm>>) target(%arg15 : memref<16x512xf32, #tpu.memory_space<vmem>>) offsets(%dma_start3A_235 : memref<16xi32, #tpu.memory_space<vmem>>) semaphore(%arg27 : memref<!tpu.dma_semaphore, #tpu.memory_space<semaphore_mem>>)
      } else {
      }
      %mul3A_181 = arith.constant 4 : i32
      %mul3A_182 = arith.muli %mul3A_181, %scan3A_59 : i32
      %add3A_183 = arith.constant 3 : i32
      %add3A_184 = arith.addi %mul3A_182, %add3A_183 : i32
      %mul3A_185 = arith.constant 16 : i32
      %mul3A_186 = arith.muli %add3A_184, %mul3A_185 : i32
      %dma_wait3A_187 = tpu.memref_slice %arg7[%mul3A_186] : memref<2048xi32, #tpu.memory_space<vmem>> -> memref<16xi32, #tpu.memory_space<vmem>>
      %dma_wait3A_188 = arith.constant 0 : i32
      %dma_wait3A_189 = arith.constant 0 : i32
      %dma_wait3A_190 = tpu.memref_slice %arg2[%dma_wait3A_188, %dma_wait3A_189] : memref<16384x512xf32, #tpu.memory_space<hbm>> -> memref<16384x512xf32, #tpu.memory_space<hbm>>
      tpu.wait_indirect_dma semaphore(%arg25 : memref<!tpu.dma_semaphore, #tpu.memory_space<semaphore_mem>>) src(%dma_wait3A_190 : memref<16384x512xf32, #tpu.memory_space<hbm>>) dst(%arg13 : memref<16x512xf32, #tpu.memory_space<vmem>>)
      %mul3A_191 = arith.constant 16 : i32
      %mul3A_192 = arith.muli %add3A_184, %mul3A_191 : i32
      %dma_wait3A_193 = tpu.memref_slice %arg8[%mul3A_192] : memref<2048xi32, #tpu.memory_space<vmem>> -> memref<16xi32, #tpu.memory_space<vmem>>
      %dma_wait3A_194 = arith.constant 0 : i32
      %dma_wait3A_195 = arith.constant 0 : i32
      %dma_wait3A_196 = tpu.memref_slice %arg2[%dma_wait3A_194, %dma_wait3A_195] : memref<16384x512xf32, #tpu.memory_space<hbm>> -> memref<16384x512xf32, #tpu.memory_space<hbm>>
      tpu.wait_indirect_dma semaphore(%arg29 : memref<!tpu.dma_semaphore, #tpu.memory_space<semaphore_mem>>) src(%dma_wait3A_196 : memref<16384x512xf32, #tpu.memory_space<hbm>>) dst(%arg17 : memref<16x512xf32, #tpu.memory_space<vmem>>)
      %gt3A_197 = arith.constant 0 : i32
      %gt3A_198 = arith.cmpi sgt, %scan3A_59, %gt3A_197 : i32
      %convert_element_type3A_199 = arith.extui %gt3A_198 : i1 to i32
      %cond3A_200 = arith.constant 0 : i32
      %cond3A_201 = arith.cmpi ne, %convert_element_type3A_199, %cond3A_200 : i32
      scf.if %cond3A_201 {
        %dma_wait3A_223 = arith.constant 0 : i32
        %dma_wait3A_224 = tpu.memref_slice %arg6[%mul3A_2, %dma_wait3A_223] : memref<65536x512xf32, #tpu.memory_space<hbm>> -> memref<16x512xf32, #tpu.memory_space<hbm>>
        %dma_wait3A_225 = arith.constant 0 : i32
        %dma_wait3A_226 = tpu.memref_slice %arg6[%mul3A_2, %dma_wait3A_225] : memref<65536x512xf32, #tpu.memory_space<hbm>> -> memref<16x512xf32, #tpu.memory_space<hbm>>
        tpu.wait_dma2 semaphore(%arg33 : memref<!tpu.dma_semaphore, #tpu.memory_space<semaphore_mem>>) src(%arg21 : memref<16x512xf32, #tpu.memory_space<vmem>>) dst(%dma_wait3A_226 : memref<16x512xf32, #tpu.memory_space<hbm>>)
      } else {
      }
      %scan3A_202 = arith.constant 0 : i32
      %scan3A_203 = arith.constant 16 : i32
      %scan3A_204 = arith.addi %scan3A_202, %scan3A_203 : i32
      %scan3A_205 = arith.constant 1 : i32
      scf.for %scan3A_223 = %scan3A_202 to %scan3A_204 step %scan3A_205  : i32 {
        %mul3A_224 = arith.constant 16 : i32
        %mul3A_225 = arith.muli %add3A_184, %mul3A_224 : i32
        %add3A_226 = arith.addi %mul3A_225, %scan3A_223 : i32
        %broadcast_in_dim3A = vector.broadcast %add3A_226 : i32 to vector<16xi32>
        %gather3A = tpu.vector_load_idx %arg9[%broadcast_in_dim3A] : memref<2048xf32, #tpu.memory_space<vmem>>[vector<16xi32>], vector<16xf32>,
        %get3A = arith.index_cast %scan3A_223 : i32 to index
        %get3A_227 = arith.constant 0 : index
        %get3A_228 = tpu.vector_load %arg13[%get3A, %get3A_227] {strides = array<i32>} : memref<16x512xf32, #tpu.memory_space<vmem>>, vector<16xf32>,
        %get3A_229 = arith.index_cast %scan3A_223 : i32 to index
        %get3A_230 = arith.constant 0 : index
        %get3A_231 = tpu.vector_load %arg17[%get3A_229, %get3A_230] {strides = array<i32>} : memref<16x512xf32, #tpu.memory_space<vmem>>, vector<16xf32>,
        %sub3A_232 = arith.subf %get3A_228, %get3A_231 : vector<16xf32>
        %mul3A_233 = arith.mulf %gather3A, %sub3A_232 : vector<16xf32>
        %add3A_234 = arith.addf %get3A_231, %mul3A_233 : vector<16xf32>
        %swap3A = arith.index_cast %scan3A_223 : i32 to index
        %swap3A_235 = arith.constant 0 : index
        %swap3A_236 = tpu.vector_load %arg21[%swap3A, %swap3A_235] {strides = array<i32>} : memref<16x512xf32, #tpu.memory_space<vmem>>, vector<16xf32>,
        tpu.vector_store %arg21[%swap3A, %swap3A_235], %add3A_234 {strides = array<i32>} : memref<16x512xf32, #tpu.memory_space<vmem>>, vector<16xf32>,
        %get3A_237 = arith.index_cast %scan3A_223 : i32 to index
        %get3A_238 = arith.constant 16 : index
        %get3A_239 = tpu.vector_load %arg13[%get3A_237, %get3A_238] {strides = array<i32>} : memref<16x512xf32, #tpu.memory_space<vmem>>, vector<16xf32>,
        %get3A_240 = arith.index_cast %scan3A_223 : i32 to index
        %get3A_241 = arith.constant 16 : index
        %get3A_242 = tpu.vector_load %arg17[%get3A_240, %get3A_241] {strides = array<i32>} : memref<16x512xf32, #tpu.memory_space<vmem>>, vector<16xf32>,
        %sub3A_243 = arith.subf %get3A_239, %get3A_242 : vector<16xf32>
        %mul3A_244 = arith.mulf %gather3A, %sub3A_243 : vector<16xf32>
        %add3A_245 = arith.addf %get3A_242, %mul3A_244 : vector<16xf32>
        %swap3A_246 = arith.index_cast %scan3A_223 : i32 to index
        %swap3A_247 = arith.constant 16 : index
        %swap3A_248 = tpu.vector_load %arg21[%swap3A_246, %swap3A_247] {strides = array<i32>} : memref<16x512xf32, #tpu.memory_space<vmem>>, vector<16xf32>,
        tpu.vector_store %arg21[%swap3A_246, %swap3A_247], %add3A_245 {strides = array<i32>} : memref<16x512xf32, #tpu.memory_space<vmem>>, vector<16xf32>,
        %get3A_249 = arith.index_cast %scan3A_223 : i32 to index
        %get3A_250 = arith.constant 32 : index
        %get3A_251 = tpu.vector_load %arg13[%get3A_249, %get3A_250] {strides = array<i32>} : memref<16x512xf32, #tpu.memory_space<vmem>>, vector<16xf32>,
        %get3A_252 = arith.index_cast %scan3A_223 : i32 to index
        %get3A_253 = arith.constant 32 : index
        %get3A_254 = tpu.vector_load %arg17[%get3A_252, %get3A_253] {strides = array<i32>} : memref<16x512xf32, #tpu.memory_space<vmem>>, vector<16xf32>,
        %sub3A_255 = arith.subf %get3A_251, %get3A_254 : vector<16xf32>
        %mul3A_256 = arith.mulf %gather3A, %sub3A_255 : vector<16xf32>
        %add3A_257 = arith.addf %get3A_254, %mul3A_256 : vector<16xf32>
        %swap3A_258 = arith.index_cast %scan3A_223 : i32 to index
        %swap3A_259 = arith.constant 32 : index
        %swap3A_260 = tpu.vector_load %arg21[%swap3A_258, %swap3A_259] {strides = array<i32>} : memref<16x512xf32, #tpu.memory_space<vmem>>, vector<16xf32>,
        tpu.vector_store %arg21[%swap3A_258, %swap3A_259], %add3A_257 {strides = array<i32>} : memref<16x512xf32, #tpu.memory_space<vmem>>, vector<16xf32>,
        %get3A_261 = arith.index_cast %scan3A_223 : i32 to index
        %get3A_262 = arith.constant 48 : index
        %get3A_263 = tpu.vector_load %arg13[%get3A_261, %get3A_262] {strides = array<i32>} : memref<16x512xf32, #tpu.memory_space<vmem>>, vector<16xf32>,
        %get3A_264 = arith.index_cast %scan3A_223 : i32 to index
        %get3A_265 = arith.constant 48 : index
        %get3A_266 = tpu.vector_load %arg17[%get3A_264, %get3A_265] {strides = array<i32>} : memref<16x512xf32, #tpu.memory_space<vmem>>, vector<16xf32>,
        %sub3A_267 = arith.subf %get3A_263, %get3A_266 : vector<16xf32>
        %mul3A_268 = arith.mulf %gather3A, %sub3A_267 : vector<16xf32>
        %add3A_269 = arith.addf %get3A_266, %mul3A_268 : vector<16xf32>
        %swap3A_270 = arith.index_cast %scan3A_223 : i32 to index
        %swap3A_271 = arith.constant 48 : index
        %swap3A_272 = tpu.vector_load %arg21[%swap3A_270, %swap3A_271] {strides = array<i32>} : memref<16x512xf32, #tpu.memory_space<vmem>>, vector<16xf32>,
        tpu.vector_store %arg21[%swap3A_270, %swap3A_271], %add3A_269 {strides = array<i32>} : memref<16x512xf32, #tpu.memory_space<vmem>>, vector<16xf32>,
        %get3A_273 = arith.index_cast %scan3A_223 : i32 to index
        %get3A_274 = arith.constant 64 : index
        %get3A_275 = tpu.vector_load %arg13[%get3A_273, %get3A_274] {strides = array<i32>} : memref<16x512xf32, #tpu.memory_space<vmem>>, vector<16xf32>,
        %get3A_276 = arith.index_cast %scan3A_223 : i32 to index
        %get3A_277 = arith.constant 64 : index
        %get3A_278 = tpu.vector_load %arg17[%get3A_276, %get3A_277] {strides = array<i32>} : memref<16x512xf32, #tpu.memory_space<vmem>>, vector<16xf32>,
        %sub3A_279 = arith.subf %get3A_275, %get3A_278 : vector<16xf32>
        %mul3A_280 = arith.mulf %gather3A, %sub3A_279 : vector<16xf32>
        %add3A_281 = arith.addf %get3A_278, %mul3A_280 : vector<16xf32>
        %swap3A_282 = arith.index_cast %scan3A_223 : i32 to index
        %swap3A_283 = arith.constant 64 : index
        %swap3A_284 = tpu.vector_load %arg21[%swap3A_282, %swap3A_283] {strides = array<i32>} : memref<16x512xf32, #tpu.memory_space<vmem>>, vector<16xf32>,
        tpu.vector_store %arg21[%swap3A_282, %swap3A_283], %add3A_281 {strides = array<i32>} : memref<16x512xf32, #tpu.memory_space<vmem>>, vector<16xf32>,
        %get3A_285 = arith.index_cast %scan3A_223 : i32 to index
        %get3A_286 = arith.constant 80 : index
        %get3A_287 = tpu.vector_load %arg13[%get3A_285, %get3A_286] {strides = array<i32>} : memref<16x512xf32, #tpu.memory_space<vmem>>, vector<16xf32>,
        %get3A_288 = arith.index_cast %scan3A_223 : i32 to index
        %get3A_289 = arith.constant 80 : index
        %get3A_290 = tpu.vector_load %arg17[%get3A_288, %get3A_289] {strides = array<i32>} : memref<16x512xf32, #tpu.memory_space<vmem>>, vector<16xf32>,
        %sub3A_291 = arith.subf %get3A_287, %get3A_290 : vector<16xf32>
        %mul3A_292 = arith.mulf %gather3A, %sub3A_291 : vector<16xf32>
        %add3A_293 = arith.addf %get3A_290, %mul3A_292 : vector<16xf32>
        %swap3A_294 = arith.index_cast %scan3A_223 : i32 to index
        %swap3A_295 = arith.constant 80 : index
        %swap3A_296 = tpu.vector_load %arg21[%swap3A_294, %swap3A_295] {strides = array<i32>} : memref<16x512xf32, #tpu.memory_space<vmem>>, vector<16xf32>,
        tpu.vector_store %arg21[%swap3A_294, %swap3A_295], %add3A_293 {strides = array<i32>} : memref<16x512xf32, #tpu.memory_space<vmem>>, vector<16xf32>,
        %get3A_297 = arith.index_cast %scan3A_223 : i32 to index
        %get3A_298 = arith.constant 96 : index
        %get3A_299 = tpu.vector_load %arg13[%get3A_297, %get3A_298] {strides = array<i32>} : memref<16x512xf32, #tpu.memory_space<vmem>>, vector<16xf32>,
        %get3A_300 = arith.index_cast %scan3A_223 : i32 to index
        %get3A_301 = arith.constant 96 : index
        %get3A_302 = tpu.vector_load %arg17[%get3A_300, %get3A_301] {strides = array<i32>} : memref<16x512xf32, #tpu.memory_space<vmem>>, vector<16xf32>,
        %sub3A_303 = arith.subf %get3A_299, %get3A_302 : vector<16xf32>
        %mul3A_304 = arith.mulf %gather3A, %sub3A_303 : vector<16xf32>
        %add3A_305 = arith.addf %get3A_302, %mul3A_304 : vector<16xf32>
        %swap3A_306 = arith.index_cast %scan3A_223 : i32 to index
        %swap3A_307 = arith.constant 96 : index
        %swap3A_308 = tpu.vector_load %arg21[%swap3A_306, %swap3A_307] {strides = array<i32>} : memref<16x512xf32, #tpu.memory_space<vmem>>, vector<16xf32>,
        tpu.vector_store %arg21[%swap3A_306, %swap3A_307], %add3A_305 {strides = array<i32>} : memref<16x512xf32, #tpu.memory_space<vmem>>, vector<16xf32>,
        %get3A_309 = arith.index_cast %scan3A_223 : i32 to index
        %get3A_310 = arith.constant 112 : index
        %get3A_311 = tpu.vector_load %arg13[%get3A_309, %get3A_310] {strides = array<i32>} : memref<16x512xf32, #tpu.memory_space<vmem>>, vector<16xf32>,
        %get3A_312 = arith.index_cast %scan3A_223 : i32 to index
        %get3A_313 = arith.constant 112 : index
        %get3A_314 = tpu.vector_load %arg17[%get3A_312, %get3A_313] {strides = array<i32>} : memref<16x512xf32, #tpu.memory_space<vmem>>, vector<16xf32>,
        %sub3A_315 = arith.subf %get3A_311, %get3A_314 : vector<16xf32>
        %mul3A_316 = arith.mulf %gather3A, %sub3A_315 : vector<16xf32>
        %add3A_317 = arith.addf %get3A_314, %mul3A_316 : vector<16xf32>
        %swap3A_318 = arith.index_cast %scan3A_223 : i32 to index
        %swap3A_319 = arith.constant 112 : index
        %swap3A_320 = tpu.vector_load %arg21[%swap3A_318, %swap3A_319] {strides = array<i32>} : memref<16x512xf32, #tpu.memory_space<vmem>>, vector<16xf32>,
        tpu.vector_store %arg21[%swap3A_318, %swap3A_319], %add3A_317 {strides = array<i32>} : memref<16x512xf32, #tpu.memory_space<vmem>>, vector<16xf32>,
        %get3A_321 = arith.index_cast %scan3A_223 : i32 to index
        %get3A_322 = arith.constant 128 : index
        %get3A_323 = tpu.vector_load %arg13[%get3A_321, %get3A_322] {strides = array<i32>} : memref<16x512xf32, #tpu.memory_space<vmem>>, vector<16xf32>,
        %get3A_324 = arith.index_cast %scan3A_223 : i32 to index
        %get3A_325 = arith.constant 128 : index
        %get3A_326 = tpu.vector_load %arg17[%get3A_324, %get3A_325] {strides = array<i32>} : memref<16x512xf32, #tpu.memory_space<vmem>>, vector<16xf32>,
        %sub3A_327 = arith.subf %get3A_323, %get3A_326 : vector<16xf32>
        %mul3A_328 = arith.mulf %gather3A, %sub3A_327 : vector<16xf32>
        %add3A_329 = arith.addf %get3A_326, %mul3A_328 : vector<16xf32>
        %swap3A_330 = arith.index_cast %scan3A_223 : i32 to index
        %swap3A_331 = arith.constant 128 : index
        %swap3A_332 = tpu.vector_load %arg21[%swap3A_330, %swap3A_331] {strides = array<i32>} : memref<16x512xf32, #tpu.memory_space<vmem>>, vector<16xf32>,
        tpu.vector_store %arg21[%swap3A_330, %swap3A_331], %add3A_329 {strides = array<i32>} : memref<16x512xf32, #tpu.memory_space<vmem>>, vector<16xf32>,
        %get3A_333 = arith.index_cast %scan3A_223 : i32 to index
        %get3A_334 = arith.constant 144 : index
        %get3A_335 = tpu.vector_load %arg13[%get3A_333, %get3A_334] {strides = array<i32>} : memref<16x512xf32, #tpu.memory_space<vmem>>, vector<16xf32>,
        %get3A_336 = arith.index_cast %scan3A_223 : i32 to index
        %get3A_337 = arith.constant 144 : index
        %get3A_338 = tpu.vector_load %arg17[%get3A_336, %get3A_337] {strides = array<i32>} : memref<16x512xf32, #tpu.memory_space<vmem>>, vector<16xf32>,
        %sub3A_339 = arith.subf %get3A_335, %get3A_338 : vector<16xf32>
        %mul3A_340 = arith.mulf %gather3A, %sub3A_339 : vector<16xf32>
        %add3A_341 = arith.addf %get3A_338, %mul3A_340 : vector<16xf32>
        %swap3A_342 = arith.index_cast %scan3A_223 : i32 to index
        %swap3A_343 = arith.constant 144 : index
        %swap3A_344 = tpu.vector_load %arg21[%swap3A_342, %swap3A_343] {strides = array<i32>} : memref<16x512xf32, #tpu.memory_space<vmem>>, vector<16xf32>,
        tpu.vector_store %arg21[%swap3A_342, %swap3A_343], %add3A_341 {strides = array<i32>} : memref<16x512xf32, #tpu.memory_space<vmem>>, vector<16xf32>,
        %get3A_345 = arith.index_cast %scan3A_223 : i32 to index
        %get3A_346 = arith.constant 160 : index
        %get3A_347 = tpu.vector_load %arg13[%get3A_345, %get3A_346] {strides = array<i32>} : memref<16x512xf32, #tpu.memory_space<vmem>>, vector<16xf32>,
        %get3A_348 = arith.index_cast %scan3A_223 : i32 to index
        %get3A_349 = arith.constant 160 : index
        %get3A_350 = tpu.vector_load %arg17[%get3A_348, %get3A_349] {strides = array<i32>} : memref<16x512xf32, #tpu.memory_space<vmem>>, vector<16xf32>,
        %sub3A_351 = arith.subf %get3A_347, %get3A_350 : vector<16xf32>
        %mul3A_352 = arith.mulf %gather3A, %sub3A_351 : vector<16xf32>
        %add3A_353 = arith.addf %get3A_350, %mul3A_352 : vector<16xf32>
        %swap3A_354 = arith.index_cast %scan3A_223 : i32 to index
        %swap3A_355 = arith.constant 160 : index
        %swap3A_356 = tpu.vector_load %arg21[%swap3A_354, %swap3A_355] {strides = array<i32>} : memref<16x512xf32, #tpu.memory_space<vmem>>, vector<16xf32>,
        tpu.vector_store %arg21[%swap3A_354, %swap3A_355], %add3A_353 {strides = array<i32>} : memref<16x512xf32, #tpu.memory_space<vmem>>, vector<16xf32>,
        %get3A_357 = arith.index_cast %scan3A_223 : i32 to index
        %get3A_358 = arith.constant 176 : index
        %get3A_359 = tpu.vector_load %arg13[%get3A_357, %get3A_358] {strides = array<i32>} : memref<16x512xf32, #tpu.memory_space<vmem>>, vector<16xf32>,
        %get3A_360 = arith.index_cast %scan3A_223 : i32 to index
        %get3A_361 = arith.constant 176 : index
        %get3A_362 = tpu.vector_load %arg17[%get3A_360, %get3A_361] {strides = array<i32>} : memref<16x512xf32, #tpu.memory_space<vmem>>, vector<16xf32>,
        %sub3A_363 = arith.subf %get3A_359, %get3A_362 : vector<16xf32>
        %mul3A_364 = arith.mulf %gather3A, %sub3A_363 : vector<16xf32>
        %add3A_365 = arith.addf %get3A_362, %mul3A_364 : vector<16xf32>
        %swap3A_366 = arith.index_cast %scan3A_223 : i32 to index
        %swap3A_367 = arith.constant 176 : index
        %swap3A_368 = tpu.vector_load %arg21[%swap3A_366, %swap3A_367] {strides = array<i32>} : memref<16x512xf32, #tpu.memory_space<vmem>>, vector<16xf32>,
        tpu.vector_store %arg21[%swap3A_366, %swap3A_367], %add3A_365 {strides = array<i32>} : memref<16x512xf32, #tpu.memory_space<vmem>>, vector<16xf32>,
        %get3A_369 = arith.index_cast %scan3A_223 : i32 to index
        %get3A_370 = arith.constant 192 : index
        %get3A_371 = tpu.vector_load %arg13[%get3A_369, %get3A_370] {strides = array<i32>} : memref<16x512xf32, #tpu.memory_space<vmem>>, vector<16xf32>,
        %get3A_372 = arith.index_cast %scan3A_223 : i32 to index
        %get3A_373 = arith.constant 192 : index
        %get3A_374 = tpu.vector_load %arg17[%get3A_372, %get3A_373] {strides = array<i32>} : memref<16x512xf32, #tpu.memory_space<vmem>>, vector<16xf32>,
        %sub3A_375 = arith.subf %get3A_371, %get3A_374 : vector<16xf32>
        %mul3A_376 = arith.mulf %gather3A, %sub3A_375 : vector<16xf32>
        %add3A_377 = arith.addf %get3A_374, %mul3A_376 : vector<16xf32>
        %swap3A_378 = arith.index_cast %scan3A_223 : i32 to index
        %swap3A_379 = arith.constant 192 : index
        %swap3A_380 = tpu.vector_load %arg21[%swap3A_378, %swap3A_379] {strides = array<i32>} : memref<16x512xf32, #tpu.memory_space<vmem>>, vector<16xf32>,
        tpu.vector_store %arg21[%swap3A_378, %swap3A_379], %add3A_377 {strides = array<i32>} : memref<16x512xf32, #tpu.memory_space<vmem>>, vector<16xf32>,
        %get3A_381 = arith.index_cast %scan3A_223 : i32 to index
        %get3A_382 = arith.constant 208 : index
        %get3A_383 = tpu.vector_load %arg13[%get3A_381, %get3A_382] {strides = array<i32>} : memref<16x512xf32, #tpu.memory_space<vmem>>, vector<16xf32>,
        %get3A_384 = arith.index_cast %scan3A_223 : i32 to index
        %get3A_385 = arith.constant 208 : index
        %get3A_386 = tpu.vector_load %arg17[%get3A_384, %get3A_385] {strides = array<i32>} : memref<16x512xf32, #tpu.memory_space<vmem>>, vector<16xf32>,
        %sub3A_387 = arith.subf %get3A_383, %get3A_386 : vector<16xf32>
        %mul3A_388 = arith.mulf %gather3A, %sub3A_387 : vector<16xf32>
        %add3A_389 = arith.addf %get3A_386, %mul3A_388 : vector<16xf32>
        %swap3A_390 = arith.index_cast %scan3A_223 : i32 to index
        %swap3A_391 = arith.constant 208 : index
        %swap3A_392 = tpu.vector_load %arg21[%swap3A_390, %swap3A_391] {strides = array<i32>} : memref<16x512xf32, #tpu.memory_space<vmem>>, vector<16xf32>,
        tpu.vector_store %arg21[%swap3A_390, %swap3A_391], %add3A_389 {strides = array<i32>} : memref<16x512xf32, #tpu.memory_space<vmem>>, vector<16xf32>,
        %get3A_393 = arith.index_cast %scan3A_223 : i32 to index
        %get3A_394 = arith.constant 224 : index
        %get3A_395 = tpu.vector_load %arg13[%get3A_393, %get3A_394] {strides = array<i32>} : memref<16x512xf32, #tpu.memory_space<vmem>>, vector<16xf32>,
        %get3A_396 = arith.index_cast %scan3A_223 : i32 to index
        %get3A_397 = arith.constant 224 : index
        %get3A_398 = tpu.vector_load %arg17[%get3A_396, %get3A_397] {strides = array<i32>} : memref<16x512xf32, #tpu.memory_space<vmem>>, vector<16xf32>,
        %sub3A_399 = arith.subf %get3A_395, %get3A_398 : vector<16xf32>
        %mul3A_400 = arith.mulf %gather3A, %sub3A_399 : vector<16xf32>
        %add3A_401 = arith.addf %get3A_398, %mul3A_400 : vector<16xf32>
        %swap3A_402 = arith.index_cast %scan3A_223 : i32 to index
        %swap3A_403 = arith.constant 224 : index
        %swap3A_404 = tpu.vector_load %arg21[%swap3A_402, %swap3A_403] {strides = array<i32>} : memref<16x512xf32, #tpu.memory_space<vmem>>, vector<16xf32>,
        tpu.vector_store %arg21[%swap3A_402, %swap3A_403], %add3A_401 {strides = array<i32>} : memref<16x512xf32, #tpu.memory_space<vmem>>, vector<16xf32>,
        %get3A_405 = arith.index_cast %scan3A_223 : i32 to index
        %get3A_406 = arith.constant 240 : index
        %get3A_407 = tpu.vector_load %arg13[%get3A_405, %get3A_406] {strides = array<i32>} : memref<16x512xf32, #tpu.memory_space<vmem>>, vector<16xf32>,
        %get3A_408 = arith.index_cast %scan3A_223 : i32 to index
        %get3A_409 = arith.constant 240 : index
        %get3A_410 = tpu.vector_load %arg17[%get3A_408, %get3A_409] {strides = array<i32>} : memref<16x512xf32, #tpu.memory_space<vmem>>, vector<16xf32>,
        %sub3A_411 = arith.subf %get3A_407, %get3A_410 : vector<16xf32>
        %mul3A_412 = arith.mulf %gather3A, %sub3A_411 : vector<16xf32>
        %add3A_413 = arith.addf %get3A_410, %mul3A_412 : vector<16xf32>
        %swap3A_414 = arith.index_cast %scan3A_223 : i32 to index
        %swap3A_415 = arith.constant 240 : index
        %swap3A_416 = tpu.vector_load %arg21[%swap3A_414, %swap3A_415] {strides = array<i32>} : memref<16x512xf32, #tpu.memory_space<vmem>>, vector<16xf32>,
        tpu.vector_store %arg21[%swap3A_414, %swap3A_415], %add3A_413 {strides = array<i32>} : memref<16x512xf32, #tpu.memory_space<vmem>>, vector<16xf32>,
        %get3A_417 = arith.index_cast %scan3A_223 : i32 to index
        %get3A_418 = arith.constant 256 : index
        %get3A_419 = tpu.vector_load %arg13[%get3A_417, %get3A_418] {strides = array<i32>} : memref<16x512xf32, #tpu.memory_space<vmem>>, vector<16xf32>,
        %get3A_420 = arith.index_cast %scan3A_223 : i32 to index
        %get3A_421 = arith.constant 256 : index
        %get3A_422 = tpu.vector_load %arg17[%get3A_420, %get3A_421] {strides = array<i32>} : memref<16x512xf32, #tpu.memory_space<vmem>>, vector<16xf32>,
        %sub3A_423 = arith.subf %get3A_419, %get3A_422 : vector<16xf32>
        %mul3A_424 = arith.mulf %gather3A, %sub3A_423 : vector<16xf32>
        %add3A_425 = arith.addf %get3A_422, %mul3A_424 : vector<16xf32>
        %swap3A_426 = arith.index_cast %scan3A_223 : i32 to index
        %swap3A_427 = arith.constant 256 : index
        %swap3A_428 = tpu.vector_load %arg21[%swap3A_426, %swap3A_427] {strides = array<i32>} : memref<16x512xf32, #tpu.memory_space<vmem>>, vector<16xf32>,
        tpu.vector_store %arg21[%swap3A_426, %swap3A_427], %add3A_425 {strides = array<i32>} : memref<16x512xf32, #tpu.memory_space<vmem>>, vector<16xf32>,
        %get3A_429 = arith.index_cast %scan3A_223 : i32 to index
        %get3A_430 = arith.constant 272 : index
        %get3A_431 = tpu.vector_load %arg13[%get3A_429, %get3A_430] {strides = array<i32>} : memref<16x512xf32, #tpu.memory_space<vmem>>, vector<16xf32>,
        %get3A_432 = arith.index_cast %scan3A_223 : i32 to index
        %get3A_433 = arith.constant 272 : index
        %get3A_434 = tpu.vector_load %arg17[%get3A_432, %get3A_433] {strides = array<i32>} : memref<16x512xf32, #tpu.memory_space<vmem>>, vector<16xf32>,
        %sub3A_435 = arith.subf %get3A_431, %get3A_434 : vector<16xf32>
        %mul3A_436 = arith.mulf %gather3A, %sub3A_435 : vector<16xf32>
        %add3A_437 = arith.addf %get3A_434, %mul3A_436 : vector<16xf32>
        %swap3A_438 = arith.index_cast %scan3A_223 : i32 to index
        %swap3A_439 = arith.constant 272 : index
        %swap3A_440 = tpu.vector_load %arg21[%swap3A_438, %swap3A_439] {strides = array<i32>} : memref<16x512xf32, #tpu.memory_space<vmem>>, vector<16xf32>,
        tpu.vector_store %arg21[%swap3A_438, %swap3A_439], %add3A_437 {strides = array<i32>} : memref<16x512xf32, #tpu.memory_space<vmem>>, vector<16xf32>,
        %get3A_441 = arith.index_cast %scan3A_223 : i32 to index
        %get3A_442 = arith.constant 288 : index
        %get3A_443 = tpu.vector_load %arg13[%get3A_441, %get3A_442] {strides = array<i32>} : memref<16x512xf32, #tpu.memory_space<vmem>>, vector<16xf32>,
        %get3A_444 = arith.index_cast %scan3A_223 : i32 to index
        %get3A_445 = arith.constant 288 : index
        %get3A_446 = tpu.vector_load %arg17[%get3A_444, %get3A_445] {strides = array<i32>} : memref<16x512xf32, #tpu.memory_space<vmem>>, vector<16xf32>,
        %sub3A_447 = arith.subf %get3A_443, %get3A_446 : vector<16xf32>
        %mul3A_448 = arith.mulf %gather3A, %sub3A_447 : vector<16xf32>
        %add3A_449 = arith.addf %get3A_446, %mul3A_448 : vector<16xf32>
        %swap3A_450 = arith.index_cast %scan3A_223 : i32 to index
        %swap3A_451 = arith.constant 288 : index
        %swap3A_452 = tpu.vector_load %arg21[%swap3A_450, %swap3A_451] {strides = array<i32>} : memref<16x512xf32, #tpu.memory_space<vmem>>, vector<16xf32>,
        tpu.vector_store %arg21[%swap3A_450, %swap3A_451], %add3A_449 {strides = array<i32>} : memref<16x512xf32, #tpu.memory_space<vmem>>, vector<16xf32>,
        %get3A_453 = arith.index_cast %scan3A_223 : i32 to index
        %get3A_454 = arith.constant 304 : index
        %get3A_455 = tpu.vector_load %arg13[%get3A_453, %get3A_454] {strides = array<i32>} : memref<16x512xf32, #tpu.memory_space<vmem>>, vector<16xf32>,
        %get3A_456 = arith.index_cast %scan3A_223 : i32 to index
        %get3A_457 = arith.constant 304 : index
        %get3A_458 = tpu.vector_load %arg17[%get3A_456, %get3A_457] {strides = array<i32>} : memref<16x512xf32, #tpu.memory_space<vmem>>, vector<16xf32>,
        %sub3A_459 = arith.subf %get3A_455, %get3A_458 : vector<16xf32>
        %mul3A_460 = arith.mulf %gather3A, %sub3A_459 : vector<16xf32>
        %add3A_461 = arith.addf %get3A_458, %mul3A_460 : vector<16xf32>
        %swap3A_462 = arith.index_cast %scan3A_223 : i32 to index
        %swap3A_463 = arith.constant 304 : index
        %swap3A_464 = tpu.vector_load %arg21[%swap3A_462, %swap3A_463] {strides = array<i32>} : memref<16x512xf32, #tpu.memory_space<vmem>>, vector<16xf32>,
        tpu.vector_store %arg21[%swap3A_462, %swap3A_463], %add3A_461 {strides = array<i32>} : memref<16x512xf32, #tpu.memory_space<vmem>>, vector<16xf32>,
        %get3A_465 = arith.index_cast %scan3A_223 : i32 to index
        %get3A_466 = arith.constant 320 : index
        %get3A_467 = tpu.vector_load %arg13[%get3A_465, %get3A_466] {strides = array<i32>} : memref<16x512xf32, #tpu.memory_space<vmem>>, vector<16xf32>,
        %get3A_468 = arith.index_cast %scan3A_223 : i32 to index
        %get3A_469 = arith.constant 320 : index
        %get3A_470 = tpu.vector_load %arg17[%get3A_468, %get3A_469] {strides = array<i32>} : memref<16x512xf32, #tpu.memory_space<vmem>>, vector<16xf32>,
        %sub3A_471 = arith.subf %get3A_467, %get3A_470 : vector<16xf32>
        %mul3A_472 = arith.mulf %gather3A, %sub3A_471 : vector<16xf32>
        %add3A_473 = arith.addf %get3A_470, %mul3A_472 : vector<16xf32>
        %swap3A_474 = arith.index_cast %scan3A_223 : i32 to index
        %swap3A_475 = arith.constant 320 : index
        %swap3A_476 = tpu.vector_load %arg21[%swap3A_474, %swap3A_475] {strides = array<i32>} : memref<16x512xf32, #tpu.memory_space<vmem>>, vector<16xf32>,
        tpu.vector_store %arg21[%swap3A_474, %swap3A_475], %add3A_473 {strides = array<i32>} : memref<16x512xf32, #tpu.memory_space<vmem>>, vector<16xf32>,
        %get3A_477 = arith.index_cast %scan3A_223 : i32 to index
        %get3A_478 = arith.constant 336 : index
        %get3A_479 = tpu.vector_load %arg13[%get3A_477, %get3A_478] {strides = array<i32>} : memref<16x512xf32, #tpu.memory_space<vmem>>, vector<16xf32>,
        %get3A_480 = arith.index_cast %scan3A_223 : i32 to index
        %get3A_481 = arith.constant 336 : index
        %get3A_482 = tpu.vector_load %arg17[%get3A_480, %get3A_481] {strides = array<i32>} : memref<16x512xf32, #tpu.memory_space<vmem>>, vector<16xf32>,
        %sub3A_483 = arith.subf %get3A_479, %get3A_482 : vector<16xf32>
        %mul3A_484 = arith.mulf %gather3A, %sub3A_483 : vector<16xf32>
        %add3A_485 = arith.addf %get3A_482, %mul3A_484 : vector<16xf32>
        %swap3A_486 = arith.index_cast %scan3A_223 : i32 to index
        %swap3A_487 = arith.constant 336 : index
        %swap3A_488 = tpu.vector_load %arg21[%swap3A_486, %swap3A_487] {strides = array<i32>} : memref<16x512xf32, #tpu.memory_space<vmem>>, vector<16xf32>,
        tpu.vector_store %arg21[%swap3A_486, %swap3A_487], %add3A_485 {strides = array<i32>} : memref<16x512xf32, #tpu.memory_space<vmem>>, vector<16xf32>,
        %get3A_489 = arith.index_cast %scan3A_223 : i32 to index
        %get3A_490 = arith.constant 352 : index
        %get3A_491 = tpu.vector_load %arg13[%get3A_489, %get3A_490] {strides = array<i32>} : memref<16x512xf32, #tpu.memory_space<vmem>>, vector<16xf32>,
        %get3A_492 = arith.index_cast %scan3A_223 : i32 to index
        %get3A_493 = arith.constant 352 : index
        %get3A_494 = tpu.vector_load %arg17[%get3A_492, %get3A_493] {strides = array<i32>} : memref<16x512xf32, #tpu.memory_space<vmem>>, vector<16xf32>,
        %sub3A_495 = arith.subf %get3A_491, %get3A_494 : vector<16xf32>
        %mul3A_496 = arith.mulf %gather3A, %sub3A_495 : vector<16xf32>
        %add3A_497 = arith.addf %get3A_494, %mul3A_496 : vector<16xf32>
        %swap3A_498 = arith.index_cast %scan3A_223 : i32 to index
        %swap3A_499 = arith.constant 352 : index
        %swap3A_500 = tpu.vector_load %arg21[%swap3A_498, %swap3A_499] {strides = array<i32>} : memref<16x512xf32, #tpu.memory_space<vmem>>, vector<16xf32>,
        tpu.vector_store %arg21[%swap3A_498, %swap3A_499], %add3A_497 {strides = array<i32>} : memref<16x512xf32, #tpu.memory_space<vmem>>, vector<16xf32>,
        %get3A_501 = arith.index_cast %scan3A_223 : i32 to index
        %get3A_502 = arith.constant 368 : index
        %get3A_503 = tpu.vector_load %arg13[%get3A_501, %get3A_502] {strides = array<i32>} : memref<16x512xf32, #tpu.memory_space<vmem>>, vector<16xf32>,
        %get3A_504 = arith.index_cast %scan3A_223 : i32 to index
        %get3A_505 = arith.constant 368 : index
        %get3A_506 = tpu.vector_load %arg17[%get3A_504, %get3A_505] {strides = array<i32>} : memref<16x512xf32, #tpu.memory_space<vmem>>, vector<16xf32>,
        %sub3A_507 = arith.subf %get3A_503, %get3A_506 : vector<16xf32>
        %mul3A_508 = arith.mulf %gather3A, %sub3A_507 : vector<16xf32>
        %add3A_509 = arith.addf %get3A_506, %mul3A_508 : vector<16xf32>
        %swap3A_510 = arith.index_cast %scan3A_223 : i32 to index
        %swap3A_511 = arith.constant 368 : index
        %swap3A_512 = tpu.vector_load %arg21[%swap3A_510, %swap3A_511] {strides = array<i32>} : memref<16x512xf32, #tpu.memory_space<vmem>>, vector<16xf32>,
        tpu.vector_store %arg21[%swap3A_510, %swap3A_511], %add3A_509 {strides = array<i32>} : memref<16x512xf32, #tpu.memory_space<vmem>>, vector<16xf32>,
        %get3A_513 = arith.index_cast %scan3A_223 : i32 to index
        %get3A_514 = arith.constant 384 : index
        %get3A_515 = tpu.vector_load %arg13[%get3A_513, %get3A_514] {strides = array<i32>} : memref<16x512xf32, #tpu.memory_space<vmem>>, vector<16xf32>,
        %get3A_516 = arith.index_cast %scan3A_223 : i32 to index
        %get3A_517 = arith.constant 384 : index
        %get3A_518 = tpu.vector_load %arg17[%get3A_516, %get3A_517] {strides = array<i32>} : memref<16x512xf32, #tpu.memory_space<vmem>>, vector<16xf32>,
        %sub3A_519 = arith.subf %get3A_515, %get3A_518 : vector<16xf32>
        %mul3A_520 = arith.mulf %gather3A, %sub3A_519 : vector<16xf32>
        %add3A_521 = arith.addf %get3A_518, %mul3A_520 : vector<16xf32>
        %swap3A_522 = arith.index_cast %scan3A_223 : i32 to index
        %swap3A_523 = arith.constant 384 : index
        %swap3A_524 = tpu.vector_load %arg21[%swap3A_522, %swap3A_523] {strides = array<i32>} : memref<16x512xf32, #tpu.memory_space<vmem>>, vector<16xf32>,
        tpu.vector_store %arg21[%swap3A_522, %swap3A_523], %add3A_521 {strides = array<i32>} : memref<16x512xf32, #tpu.memory_space<vmem>>, vector<16xf32>,
        %get3A_525 = arith.index_cast %scan3A_223 : i32 to index
        %get3A_526 = arith.constant 400 : index
        %get3A_527 = tpu.vector_load %arg13[%get3A_525, %get3A_526] {strides = array<i32>} : memref<16x512xf32, #tpu.memory_space<vmem>>, vector<16xf32>,
        %get3A_528 = arith.index_cast %scan3A_223 : i32 to index
        %get3A_529 = arith.constant 400 : index
        %get3A_530 = tpu.vector_load %arg17[%get3A_528, %get3A_529] {strides = array<i32>} : memref<16x512xf32, #tpu.memory_space<vmem>>, vector<16xf32>,
        %sub3A_531 = arith.subf %get3A_527, %get3A_530 : vector<16xf32>
        %mul3A_532 = arith.mulf %gather3A, %sub3A_531 : vector<16xf32>
        %add3A_533 = arith.addf %get3A_530, %mul3A_532 : vector<16xf32>
        %swap3A_534 = arith.index_cast %scan3A_223 : i32 to index
        %swap3A_535 = arith.constant 400 : index
        %swap3A_536 = tpu.vector_load %arg21[%swap3A_534, %swap3A_535] {strides = array<i32>} : memref<16x512xf32, #tpu.memory_space<vmem>>, vector<16xf32>,
        tpu.vector_store %arg21[%swap3A_534, %swap3A_535], %add3A_533 {strides = array<i32>} : memref<16x512xf32, #tpu.memory_space<vmem>>, vector<16xf32>,
        %get3A_537 = arith.index_cast %scan3A_223 : i32 to index
        %get3A_538 = arith.constant 416 : index
        %get3A_539 = tpu.vector_load %arg13[%get3A_537, %get3A_538] {strides = array<i32>} : memref<16x512xf32, #tpu.memory_space<vmem>>, vector<16xf32>,
        %get3A_540 = arith.index_cast %scan3A_223 : i32 to index
        %get3A_541 = arith.constant 416 : index
        %get3A_542 = tpu.vector_load %arg17[%get3A_540, %get3A_541] {strides = array<i32>} : memref<16x512xf32, #tpu.memory_space<vmem>>, vector<16xf32>,
        %sub3A_543 = arith.subf %get3A_539, %get3A_542 : vector<16xf32>
        %mul3A_544 = arith.mulf %gather3A, %sub3A_543 : vector<16xf32>
        %add3A_545 = arith.addf %get3A_542, %mul3A_544 : vector<16xf32>
        %swap3A_546 = arith.index_cast %scan3A_223 : i32 to index
        %swap3A_547 = arith.constant 416 : index
        %swap3A_548 = tpu.vector_load %arg21[%swap3A_546, %swap3A_547] {strides = array<i32>} : memref<16x512xf32, #tpu.memory_space<vmem>>, vector<16xf32>,
        tpu.vector_store %arg21[%swap3A_546, %swap3A_547], %add3A_545 {strides = array<i32>} : memref<16x512xf32, #tpu.memory_space<vmem>>, vector<16xf32>,
        %get3A_549 = arith.index_cast %scan3A_223 : i32 to index
        %get3A_550 = arith.constant 432 : index
        %get3A_551 = tpu.vector_load %arg13[%get3A_549, %get3A_550] {strides = array<i32>} : memref<16x512xf32, #tpu.memory_space<vmem>>, vector<16xf32>,
        %get3A_552 = arith.index_cast %scan3A_223 : i32 to index
        %get3A_553 = arith.constant 432 : index
        %get3A_554 = tpu.vector_load %arg17[%get3A_552, %get3A_553] {strides = array<i32>} : memref<16x512xf32, #tpu.memory_space<vmem>>, vector<16xf32>,
        %sub3A_555 = arith.subf %get3A_551, %get3A_554 : vector<16xf32>
        %mul3A_556 = arith.mulf %gather3A, %sub3A_555 : vector<16xf32>
        %add3A_557 = arith.addf %get3A_554, %mul3A_556 : vector<16xf32>
        %swap3A_558 = arith.index_cast %scan3A_223 : i32 to index
        %swap3A_559 = arith.constant 432 : index
        %swap3A_560 = tpu.vector_load %arg21[%swap3A_558, %swap3A_559] {strides = array<i32>} : memref<16x512xf32, #tpu.memory_space<vmem>>, vector<16xf32>,
        tpu.vector_store %arg21[%swap3A_558, %swap3A_559], %add3A_557 {strides = array<i32>} : memref<16x512xf32, #tpu.memory_space<vmem>>, vector<16xf32>,
        %get3A_561 = arith.index_cast %scan3A_223 : i32 to index
        %get3A_562 = arith.constant 448 : index
        %get3A_563 = tpu.vector_load %arg13[%get3A_561, %get3A_562] {strides = array<i32>} : memref<16x512xf32, #tpu.memory_space<vmem>>, vector<16xf32>,
        %get3A_564 = arith.index_cast %scan3A_223 : i32 to index
        %get3A_565 = arith.constant 448 : index
        %get3A_566 = tpu.vector_load %arg17[%get3A_564, %get3A_565] {strides = array<i32>} : memref<16x512xf32, #tpu.memory_space<vmem>>, vector<16xf32>,
        %sub3A_567 = arith.subf %get3A_563, %get3A_566 : vector<16xf32>
        %mul3A_568 = arith.mulf %gather3A, %sub3A_567 : vector<16xf32>
        %add3A_569 = arith.addf %get3A_566, %mul3A_568 : vector<16xf32>
        %swap3A_570 = arith.index_cast %scan3A_223 : i32 to index
        %swap3A_571 = arith.constant 448 : index
        %swap3A_572 = tpu.vector_load %arg21[%swap3A_570, %swap3A_571] {strides = array<i32>} : memref<16x512xf32, #tpu.memory_space<vmem>>, vector<16xf32>,
        tpu.vector_store %arg21[%swap3A_570, %swap3A_571], %add3A_569 {strides = array<i32>} : memref<16x512xf32, #tpu.memory_space<vmem>>, vector<16xf32>,
        %get3A_573 = arith.index_cast %scan3A_223 : i32 to index
        %get3A_574 = arith.constant 464 : index
        %get3A_575 = tpu.vector_load %arg13[%get3A_573, %get3A_574] {strides = array<i32>} : memref<16x512xf32, #tpu.memory_space<vmem>>, vector<16xf32>,
        %get3A_576 = arith.index_cast %scan3A_223 : i32 to index
        %get3A_577 = arith.constant 464 : index
        %get3A_578 = tpu.vector_load %arg17[%get3A_576, %get3A_577] {strides = array<i32>} : memref<16x512xf32, #tpu.memory_space<vmem>>, vector<16xf32>,
        %sub3A_579 = arith.subf %get3A_575, %get3A_578 : vector<16xf32>
        %mul3A_580 = arith.mulf %gather3A, %sub3A_579 : vector<16xf32>
        %add3A_581 = arith.addf %get3A_578, %mul3A_580 : vector<16xf32>
        %swap3A_582 = arith.index_cast %scan3A_223 : i32 to index
        %swap3A_583 = arith.constant 464 : index
        %swap3A_584 = tpu.vector_load %arg21[%swap3A_582, %swap3A_583] {strides = array<i32>} : memref<16x512xf32, #tpu.memory_space<vmem>>, vector<16xf32>,
        tpu.vector_store %arg21[%swap3A_582, %swap3A_583], %add3A_581 {strides = array<i32>} : memref<16x512xf32, #tpu.memory_space<vmem>>, vector<16xf32>,
        %get3A_585 = arith.index_cast %scan3A_223 : i32 to index
        %get3A_586 = arith.constant 480 : index
        %get3A_587 = tpu.vector_load %arg13[%get3A_585, %get3A_586] {strides = array<i32>} : memref<16x512xf32, #tpu.memory_space<vmem>>, vector<16xf32>,
        %get3A_588 = arith.index_cast %scan3A_223 : i32 to index
        %get3A_589 = arith.constant 480 : index
        %get3A_590 = tpu.vector_load %arg17[%get3A_588, %get3A_589] {strides = array<i32>} : memref<16x512xf32, #tpu.memory_space<vmem>>, vector<16xf32>,
        %sub3A_591 = arith.subf %get3A_587, %get3A_590 : vector<16xf32>
        %mul3A_592 = arith.mulf %gather3A, %sub3A_591 : vector<16xf32>
        %add3A_593 = arith.addf %get3A_590, %mul3A_592 : vector<16xf32>
        %swap3A_594 = arith.index_cast %scan3A_223 : i32 to index
        %swap3A_595 = arith.constant 480 : index
        %swap3A_596 = tpu.vector_load %arg21[%swap3A_594, %swap3A_595] {strides = array<i32>} : memref<16x512xf32, #tpu.memory_space<vmem>>, vector<16xf32>,
        tpu.vector_store %arg21[%swap3A_594, %swap3A_595], %add3A_593 {strides = array<i32>} : memref<16x512xf32, #tpu.memory_space<vmem>>, vector<16xf32>,
        %get3A_597 = arith.index_cast %scan3A_223 : i32 to index
        %get3A_598 = arith.constant 496 : index
        %get3A_599 = tpu.vector_load %arg13[%get3A_597, %get3A_598] {strides = array<i32>} : memref<16x512xf32, #tpu.memory_space<vmem>>, vector<16xf32>,
        %get3A_600 = arith.index_cast %scan3A_223 : i32 to index
        %get3A_601 = arith.constant 496 : index
        %get3A_602 = tpu.vector_load %arg17[%get3A_600, %get3A_601] {strides = array<i32>} : memref<16x512xf32, #tpu.memory_space<vmem>>, vector<16xf32>,
        %sub3A_603 = arith.subf %get3A_599, %get3A_602 : vector<16xf32>
        %mul3A_604 = arith.mulf %gather3A, %sub3A_603 : vector<16xf32>
        %add3A_605 = arith.addf %get3A_602, %mul3A_604 : vector<16xf32>
        %swap3A_606 = arith.index_cast %scan3A_223 : i32 to index
        %swap3A_607 = arith.constant 496 : index
        %swap3A_608 = tpu.vector_load %arg21[%swap3A_606, %swap3A_607] {strides = array<i32>} : memref<16x512xf32, #tpu.memory_space<vmem>>, vector<16xf32>,
        tpu.vector_store %arg21[%swap3A_606, %swap3A_607], %add3A_605 {strides = array<i32>} : memref<16x512xf32, #tpu.memory_space<vmem>>, vector<16xf32>,
      }
      %scan3A_206 = arith.constant 16 : i32
      %mul3A_207 = arith.constant 16 : i32
      %mul3A_208 = arith.muli %add3A_184, %mul3A_207 : i32
      %add3A_209 = arith.addi %mul3A_2, %mul3A_208 : i32
      %dma_start3A_210 = arith.constant 0 : i32
      %dma_start3A_211 = tpu.memref_slice %arg6[%add3A_209, %dma_start3A_210] : memref<65536x512xf32, #tpu.memory_space<hbm>> -> memref<16x512xf32, #tpu.memory_space<hbm>>
      %dma_start3A_212 = arith.constant 0 : i32
      %dma_start3A_213 = tpu.memref_slice %arg6[%add3A_209, %dma_start3A_212] : memref<65536x512xf32, #tpu.memory_space<hbm>> -> memref<16x512xf32, #tpu.memory_space<hbm>>
      tpu.enqueue_dma source(%arg21 : memref<16x512xf32, #tpu.memory_space<vmem>>) target(%dma_start3A_213 : memref<16x512xf32, #tpu.memory_space<hbm>>) target_semaphore(%arg33 : memref<!tpu.dma_semaphore, #tpu.memory_space<semaphore_mem>>)
      %add3A_214 = arith.constant 4 : i32
      %add3A_215 = arith.addi %add3A_184, %add3A_214 : i32
      %sub3A_216 = arith.constant 1 : i32
      %sub3A_217 = arith.subi %add3A_215, %sub3A_216 : i32
      %lt3A_218 = arith.constant 128 : i32
      %lt3A_219 = arith.cmpi slt, %sub3A_217, %lt3A_218 : i32
      %convert_element_type3A_220 = arith.extui %lt3A_219 : i1 to i32
      %cond3A_221 = arith.constant 0 : i32
      %cond3A_222 = arith.cmpi ne, %convert_element_type3A_220, %cond3A_221 : i32
      scf.if %cond3A_222 {
        %add3A_223 = arith.constant 4 : i32
        %add3A_224 = arith.addi %add3A_184, %add3A_223 : i32
        %sub3A_225 = arith.constant 1 : i32
        %sub3A_226 = arith.subi %add3A_224, %sub3A_225 : i32
        %mul3A_227 = arith.constant 16 : i32
        %mul3A_228 = arith.muli %sub3A_226, %mul3A_227 : i32
        %dma_start3A_229 = tpu.memref_slice %arg7[%mul3A_228] : memref<2048xi32, #tpu.memory_space<vmem>> -> memref<16xi32, #tpu.memory_space<vmem>>
        %dma_start3A_230 = arith.constant 0 : i32
        %dma_start3A_231 = arith.constant 0 : i32
        %dma_start3A_232 = tpu.memref_slice %arg2[%dma_start3A_230, %dma_start3A_231] : memref<16384x512xf32, #tpu.memory_space<hbm>> -> memref<16384x512xf32, #tpu.memory_space<hbm>>
        tpu.enqueue_indirect_dma source(%dma_start3A_232 : memref<16384x512xf32, #tpu.memory_space<hbm>>) target(%arg12 : memref<16x512xf32, #tpu.memory_space<vmem>>) offsets(%dma_start3A_229 : memref<16xi32, #tpu.memory_space<vmem>>) semaphore(%arg24 : memref<!tpu.dma_semaphore, #tpu.memory_space<semaphore_mem>>)
        %mul3A_233 = arith.constant 16 : i32
        %mul3A_234 = arith.muli %sub3A_226, %mul3A_233 : i32
        %dma_start3A_235 = tpu.memref_slice %arg8[%mul3A_234] : memref<2048xi32, #tpu.memory_space<vmem>> -> memref<16xi32, #tpu.memory_space<vmem>>
        %dma_start3A_236 = arith.constant 0 : i32
        %dma_start3A_237 = arith.constant 0 : i32
        %dma_start3A_238 = tpu.memref_slice %arg2[%dma_start3A_236, %dma_start3A_237] : memref<16384x512xf32, #tpu.memory_space<hbm>> -> memref<16384x512xf32, #tpu.memory_space<hbm>>
        tpu.enqueue_indirect_dma source(%dma_start3A_238 : memref<16384x512xf32, #tpu.memory_space<hbm>>) target(%arg16 : memref<16x512xf32, #tpu.memory_space<vmem>>) offsets(%dma_start3A_235 : memref<16xi32, #tpu.memory_space<vmem>>) semaphore(%arg28 : memref<!tpu.dma_semaphore, #tpu.memory_space<semaphore_mem>>)
      } else {
      }
    }
    %scan3A_35 = arith.constant 32 : i32
    %add3A_36 = arith.constant 1984 : i32
    %add3A_37 = arith.addi %mul3A_2, %add3A_36 : i32
    %dma_wait3A = arith.constant 0 : i32
    %dma_wait3A_38 = tpu.memref_slice %arg6[%add3A_37, %dma_wait3A] : memref<65536x512xf32, #tpu.memory_space<hbm>> -> memref<16x512xf32, #tpu.memory_space<hbm>>
    %dma_wait3A_39 = arith.constant 0 : i32
    %dma_wait3A_40 = tpu.memref_slice %arg6[%add3A_37, %dma_wait3A_39] : memref<65536x512xf32, #tpu.memory_space<hbm>> -> memref<16x512xf32, #tpu.memory_space<hbm>>
    tpu.wait_dma2 semaphore(%arg30 : memref<!tpu.dma_semaphore, #tpu.memory_space<semaphore_mem>>) src(%arg18 : memref<16x512xf32, #tpu.memory_space<vmem>>) dst(%dma_wait3A_40 : memref<16x512xf32, #tpu.memory_space<hbm>>)
    %add3A_41 = arith.constant 2000 : i32
    %add3A_42 = arith.addi %mul3A_2, %add3A_41 : i32
    %dma_wait3A_43 = arith.constant 0 : i32
    %dma_wait3A_44 = tpu.memref_slice %arg6[%add3A_42, %dma_wait3A_43] : memref<65536x512xf32, #tpu.memory_space<hbm>> -> memref<16x512xf32, #tpu.memory_space<hbm>>
    %dma_wait3A_45 = arith.constant 0 : i32
    %dma_wait3A_46 = tpu.memref_slice %arg6[%add3A_42, %dma_wait3A_45] : memref<65536x512xf32, #tpu.memory_space<hbm>> -> memref<16x512xf32, #tpu.memory_space<hbm>>
    tpu.wait_dma2 semaphore(%arg31 : memref<!tpu.dma_semaphore, #tpu.memory_space<semaphore_mem>>) src(%arg19 : memref<16x512xf32, #tpu.memory_space<vmem>>) dst(%dma_wait3A_46 : memref<16x512xf32, #tpu.memory_space<hbm>>)
    %add3A_47 = arith.constant 2016 : i32
    %add3A_48 = arith.addi %mul3A_2, %add3A_47 : i32
    %dma_wait3A_49 = arith.constant 0 : i32
    %dma_wait3A_50 = tpu.memref_slice %arg6[%add3A_48, %dma_wait3A_49] : memref<65536x512xf32, #tpu.memory_space<hbm>> -> memref<16x512xf32, #tpu.memory_space<hbm>>
    %dma_wait3A_51 = arith.constant 0 : i32
    %dma_wait3A_52 = tpu.memref_slice %arg6[%add3A_48, %dma_wait3A_51] : memref<65536x512xf32, #tpu.memory_space<hbm>> -> memref<16x512xf32, #tpu.memory_space<hbm>>
    tpu.wait_dma2 semaphore(%arg32 : memref<!tpu.dma_semaphore, #tpu.memory_space<semaphore_mem>>) src(%arg20 : memref<16x512xf32, #tpu.memory_space<vmem>>) dst(%dma_wait3A_52 : memref<16x512xf32, #tpu.memory_space<hbm>>)
    %add3A_53 = arith.constant 2032 : i32
    %add3A_54 = arith.addi %mul3A_2, %add3A_53 : i32
    %dma_wait3A_55 = arith.constant 0 : i32
    %dma_wait3A_56 = tpu.memref_slice %arg6[%add3A_54, %dma_wait3A_55] : memref<65536x512xf32, #tpu.memory_space<hbm>> -> memref<16x512xf32, #tpu.memory_space<hbm>>
    %dma_wait3A_57 = arith.constant 0 : i32
    %dma_wait3A_58 = tpu.memref_slice %arg6[%add3A_54, %dma_wait3A_57] : memref<65536x512xf32, #tpu.memory_space<hbm>> -> memref<16x512xf32, #tpu.memory_space<hbm>>
    tpu.wait_dma2 semaphore(%arg33 : memref<!tpu.dma_semaphore, #tpu.memory_space<semaphore_mem>>) src(%arg21 : memref<16x512xf32, #tpu.memory_space<vmem>>) dst(%dma_wait3A_58 : memref<16x512xf32, #tpu.memory_space<hbm>>)
    return
  }
}

</mosaic_0001>

<sc_bundles>
// kernel: kernel.3.cloned.1.call-start
scs
__scs_entry_jumppad:
0x0: {  	(pc) =	sbr.rel $0x88, $3  }
0x1: {  	(tag) =	ssettag $0x0;
	lr =	simm.s32 $0x1  }
0x2: {  	[smem:$0x3F9D] =	sst lr;
	_ =	strace $0xD0000000  }
0x3: {  	_ = 	snop  }
0x4: {  	_ = 	snop  }
0x5: {  	_ = 	snop  }
0x6: {  	_ = 	snop  }
0x7: {  	_ = 	snop  }
__scs_overlays_trampoline_lowered:
0x8: {  	[smem:$0x3FAC] =	sst s0  }
0x9: {  	[smem:$0x3FAD] =	sst s1  }
0xa: {  	[smem:$0x3FAE] =	sst s2  }
0xb: {  	[smem:$0x3FAF] =	sst s3  }
0xc: {  	[smem:$0x3FB0] =	sst s4  }
0xd: {  	[smem:$0x3FB1] =	sst s5  }
0xe: {  	[smem:$0x3FB2] =	sst s6  }
0xf: {  	[smem:$0x3FB3] =	sst s7  }
0x10: {  	[smem:$0x3FB4] =	sst s8  }
0x11: {  	[smem:$0x3FB5] =	sst s9;
	s0 =	simm.s32 @!p0 $0x0  }
0x12: {  	s1 =	sld [smem:$0x3F9B];
	s0 =	simm.s32 @p0 $0x1  }
0x13: {  	[smem:$0x3FB6] =	sst s0;
	s0 =	simm.s32 @!p1 $0x0  }
0x14: {  	s2 =	sld [smem:$0x3F9A];
	s0 =	simm.s32 @p1 $0x1  }
0x15: {  	[smem:$0x3FB7] =	sst s0;
	s0 =	simm.s32 @!p2 $0x0  }
0x16: {  	s3 =	sld [smem:$0x3FDB];
	s0 =	simm.s32 @p2 $0x1  }
0x17: {  	s4 =	simm.s32 $0x1BF5;
	[smem:$0x3FB9] =	sst s0  }
0x18: {  	s0 =	sld [smem:$0x3F9C];
	_ =	swait.ge [sflag:s4], $0x0  }
0x19: {  	s7 =	sld [smem:$0x3F9D]  }
0x1a: {  	s8 =	sadd.s32 $0xFFFFE003, lr  }
0x1b: {  	s9 =	sadd.s32 $0xFFFFFEF7, lr;
	s5 =	simm.s32 $0xFFFFFFFF;
	p2 =	slt.u32 s8, $0xFFFFF086  }
0x1c: {  	p1 =	slt.u32 s9, $0xF7A;
	s5 =	simm.s32 @!p2 $0x0  }
0x1d: {  	s5 =	simm.s32 @p1 $0x1;
	p0 =	seq.s32 s7, s2  }
0x1e: {  	s7 =	smul.u32 @!p0 $0xF7A, s2;
	p2 =	seq.s32 @!p0 s5, $0x0  }
0x1f: {  	s9 =	smul.u32 $0xF7A, s1;
	s8 =	simm.s32 @!p0 $0x1BF5;
	p2 =	por !p2, p0  }
0x20: {  	[sflag:s8] =	ssyncset.s32 @!p0 $0xFFFFF086;
	s6 =	sadd.s32 @!p0 s3, s7;
	s7 =	simm.s32 @!p0 $0x108  }
0x21: {  	s3 =	sadd.s32 s3, s9;
	s6 =	sadd.s32 @!p0 $0x88, s6;
	s7 =	simm.s32 @p2 $0x1082  }
0x22: {  	[simem:s7], [sflag:s8] =	dma.local @!p0 [hbm:s6], $0xF7A  }
0x23: {  	s9 =	sor.u32 $0xD0000000, s2;
	s6 =	simm.s32 $0x108;
	_ =	swait.ge @!p0 [sflag:s8], $0x0  }
0x24: {  	s3 =	sadd.s32 $0x88, s3;
	s6 =	simm.s32 @!p1 $0x1082;
	[sflag:s4] =	ssyncset.s32 $0xFFFFF086  }
0x25: {  	[simem:s6], [sflag:s4] =	dma.local [hbm:s3], $0xF7A  }
0x26: {  	[smem:$0x3F9D] =	sst s1;
	(tag) =	ssettag s2;
	_ =	strace s9  }
0x27: {  	s1 =	sld [smem:$0x3FAD]  }
0x28: {  	s2 =	sld [smem:$0x3FAE]  }
0x29: {  	s4 =	sld [smem:$0x3FB0]  }
0x2a: {  	p0 =	seq.s32 s5, $0x0;
	s5 =	sld [smem:$0x3FB1]  }
0x2b: {  	s6 =	sld [smem:$0x3FB2]  }
0x2c: {  	s7 =	sld [smem:$0x3FB3]  }
0x2d: {  	s3 =	simm.s32 $0x108;
	s8 =	sld [smem:$0x3FB4]  }
0x2e: {  	s3 =	simm.s32 @!p0 $0x1082;
	s9 =	sld [smem:$0x3FB5]  }
0x2f: {  	lr =	sadd.s32 s0, s3;
	s0 =	sld [smem:$0x3FAC]  }
0x30: {  	s3 =	sld [smem:$0x3FAF]  }
0x31: {  	[smem:$0x3FB8] =	sst s10  }
0x32: {  	s10 =	sld [smem:$0x3FB6];
	_ =	sdelay $0x3  }
0x33: {  	p0 =	seq.s32 s10, $0x1;
	s10 =	sld [smem:$0x3FB8];
	_ =	sdelay $0x3  }
0x34: {  	[smem:$0x3FB8] =	sst s10  }
0x35: {  	s10 =	sld [smem:$0x3FB7];
	_ =	sdelay $0x3  }
0x36: {  	p1 =	seq.s32 s10, $0x1;
	s10 =	sld [smem:$0x3FB8];
	_ =	sdelay $0x3  }
0x37: {  	[smem:$0x3FB8] =	sst s10  }
0x38: {  	s10 =	sld [smem:$0x3FB9]  }
0x39: {  	_ = 	snop;
	(pc) =	sbr.ind lr, $3  }
0x3a: {  	_ = 	snop  }
0x3b: {  	_ = 	snop  }
0x3c: {  	p2 =	seq.s32 s10, $0x1;
	s10 =	sld [smem:$0x3FB8]  }
0x3d: {  	_ =	shalt  }
0x3e: {  	_ =	shalt  }
0x3f: {  	_ =	shalt  }
0x40: {  	_ =	shalt  }
0x41: {  	_ =	shalt  }
0x42: {  	_ =	shalt  }
0x43: {  	_ =	shalt  }
0x44: {  	_ =	shalt  }
0x45: {  	_ =	shalt  }
0x46: {  	_ =	shalt  }
0x47: {  	_ =	shalt  }
0x48: {  	_ =	shalt  }
0x49: {  	_ =	shalt  }
0x4a: {  	_ =	shalt  }
0x4b: {  	_ =	shalt  }
0x4c: {  	_ =	shalt  }
0x4d: {  	_ =	shalt  }
0x4e: {  	_ =	shalt  }
0x4f: {  	_ =	shalt  }
0x50: {  	_ =	shalt  }
0x51: {  	_ =	shalt  }
0x52: {  	_ =	shalt  }
0x53: {  	_ =	shalt  }
0x54: {  	_ =	shalt  }
0x55: {  	_ =	shalt  }
0x56: {  	_ =	shalt  }
0x57: {  	_ =	shalt  }
0x58: {  	_ =	shalt  }
0x59: {  	_ =	shalt  }
0x5a: {  	_ =	shalt  }
0x5b: {  	_ =	shalt  }
0x5c: {  	_ =	shalt  }
0x5d: {  	_ =	shalt  }
0x5e: {  	_ =	shalt  }
0x5f: {  	_ =	shalt  }
0x60: {  	_ =	shalt  }
0x61: {  	_ =	shalt  }
0x62: {  	_ =	shalt  }
0x63: {  	_ =	shalt  }
0x64: {  	_ =	shalt  }
0x65: {  	_ =	shalt  }
0x66: {  	_ =	shalt  }
0x67: {  	_ =	shalt  }
0x68: {  	_ =	shalt  }
0x69: {  	_ =	shalt  }
0x6a: {  	_ =	shalt  }
0x6b: {  	_ =	shalt  }
0x6c: {  	_ =	shalt  }
0x6d: {  	_ =	shalt  }
0x6e: {  	_ =	shalt  }
0x6f: {  	_ =	shalt  }
0x70: {  	_ =	shalt  }
0x71: {  	_ =	shalt  }
0x72: {  	_ =	shalt  }
0x73: {  	_ =	shalt  }
0x74: {  	_ =	shalt  }
0x75: {  	_ =	shalt  }
0x76: {  	_ =	shalt  }
0x77: {  	_ =	shalt  }
0x78: {  	_ =	shalt  }
0x79: {  	_ =	shalt  }
0x7a: {  	_ =	shalt  }
0x7b: {  	_ =	shalt  }
0x7c: {  	_ =	shalt  }
0x7d: {  	_ =	shalt  }
0x7e: {  	_ =	shalt  }
0x7f: {  	_ =	shalt  }
0x80: {  	_ =	shalt  }
0x81: {  	_ =	shalt  }
0x82: {  	_ =	shalt  }
0x83: {  	_ =	shalt  }
0x84: {  	_ =	shalt  }
0x85: {  	_ =	shalt  }
0x86: {  	_ =	shalt  }
0x87: {  	_ =	shalt  }
.Lfunc_end0:
.L_simem_size_0:
called_computation_lowered:
.L_overlay_start_0:
0x88: {  	s2 =	sld [smem:$0x3FD9]  }
0x89: {  	s3 =	sld [smem:$0x3FFE];
	_ =	sdelay $0x1  }
0x8a: {  	s1 =	srdreg.scid  }
0x8b: {  	s0 =	sand.u32 $0x1, s1  }
0x8c: {  	s17 =	sshll.u32 s0, $0xA;
	s2 =	sadd.s32 s3, s2  }
0x8d: {  	s2 =	sadd.s32 s2, s17  }
0x8e: {  	[smem:$0x3FC4] =	sst s2  }
0x8f: {  	_ = 	snop  }
0x90: {  	s2 =	sld [smem:$0x3FC9]  }
0x91: {  	s18 =	sld [smem:$0x3FD0];
	(tm) =	ssettm $0x1  }
0x92: {  	s4 =	sld [smem:$0x3FFB];
	_ =	sdelay $0x3  }
0x93: {  	_ =	strace s4  }
0x94: {  	s4 =	sld [smem:$0x3FFC];
	_ =	sdelay $0x3  }
0x95: {  	_ =	strace s4  }
0x96: {  	s4 =	sld [smem:$0x3FFD];
	_ =	sdelay $0x3  }
0x97: {  	_ =	strace s4  }
0x98: {  	_ =	strace $0x8FFFFFFF  }
0x99: {  	s19 =	sld [smem:$0x3FDB];
	_ =	sdelay $0x1  }
0x9a: {  	s5 =	simm.s32 $_scs_section_size  }
0x9b: {  	s6 =	simm.s32 $_size__tile_overlayer_lowered;
	s7 =	simm.s32 $_tile_overlayer_lowered  }
0x9c: {  	s22 =	simm.s32 $0x1BFF;
	s21 =	sshll.u32 s7, $0x1;
	s4 =	sadd.s32 s5, s19  }
0x9d: {  	s8 =	simm.s32 $0x0;
	s20 =	sshll.u32 s6, $0x1;
	s6 =	sadd.s32 s21, s4  }
0x9e: {  	[timem:s8], [sflag:s22] =	dma.local [hbm:s6], s20  }
0x9f: {  	_ =	swait.ge [sflag:s22], s20  }
0xa0: {  	s5 =	ssub.s32 $0x0, s20;
	[sflag:s22] =	ssyncset.done $0x0  }
0xa1: {  	[sflag:s22] =	ssyncadd.s32 s5;
	_ =	sdelay $0x1  }
0xa2: {  	s23 =	simm.s32 $0x1B8B  }
0xa3: {  	_ =	swait.ge [sflag:s23], $0x1  }
0xa4: {  	[sflag:s23] =	ssyncset.done $0x0  }
0xa5: {  	s25 =	simm.s32 $0x1B8E;
	s24 =	sld [smem:$0x3FFE];
	[sflag:s23] =	ssyncadd.s32 $0xFFFFFFFF  }
0xa6: {  	s26 =	simm.s32 $execute0_lowered;
	[smem:$0x3FD2] =	sst s25  }
0xa7: {  	s6 =	sshll.u32 s26, $0x1;
	_ =	strace $0x80000046;
	[dreg:$0x1] =	wrdreg $0xFFFFFFFF  }
0xa8: {  	s28 =	simm.s32 $_size_execute0_lowered;
	s4 =	sadd.s32 s4, s6;
	[dreg:$0x0] =	wrdreg $0x0  }
0xa9: {  	s6 =	sshll.u32 s28, $0x1;
	[dreg:$0x2] =	wrdreg s4  }
0xaa: {  	[dreg:$0x3] =	wrdreg s6  }
0xab: {  	[dreg:$0x4] =	wrdreg $0xC0  }
0xac: {  	_ =	task [dreg:s8], $0x5FFFF  }
0xad: {  	[dreg:$0x1] =	wrdreg $0xFFFFFFFF  }
0xae: {  	[dreg:$0x0] =	wrdreg $0x60  }
0xaf: {  	[dreg:$0x2] =	wrdreg s2  }
0xb0: {  	[dreg:$0x3] =	wrdreg s24  }
0xb1: {  	[dreg:$0x4] =	wrdreg s18  }
0xb2: {  	[dreg:$0x5] =	wrdreg $0x9  }
0xb3: {  	_ =	task.clear_ibuf [dreg:s8], $0x6FFFF;
	_ =	strace $0x90000046  }
0xb4: {  	s29 =	simm.s32 $0x9;
	_ =	strace $0x80000048  }
0xb5: {  	_ =	swait.ge [sflag:s29], $0x1  }
0xb6: {  	[sflag:s29] =	ssyncadd.s32 $0xFFFFFFFF  }
0xb7: {  	_ =	strace $0x90000048  }
0xb8: {  	_ =	sfence  }
0xb9: {  	s30 =	sld [smem:$0x0];
	_ =	sdelay $0x2  }
0xba: {  	s31 =	sshll.u32 s1, $0xD;
	s1 =	sshrl.u32 s1, $0x2  }
0xbb: {  	s3 =	sand.u32 $0x4000, s31;
	s1 =	sadd.s32 s1, s30  }
0xbc: {  	s0 =	sor.u32 s3, s0;
	s1 =	sshll.u32 s1, $0x11  }
0xbd: {  	s0 =	sor.u32 s1, s0  }
0xbe: {  	s0 =	sadd.s32 $0x8F2B, s0  }
0xbf: {  	[sflag:s0] =	ssyncadd.remote.s32 $0x1  }
0xc0: {  	_ =	sfence.sel $0xFFFF  }
0xc1: {  	[dreg:$0x0] =	wrdreg $0xFFFFFFFF;
	(pc) =	sbr.abs _section_cstart, $3  }
0xc2: {  	[dreg:$0x1] =	wrdreg $0xFFFFFFFF  }
0xc3: {  	_ =	task.clear_ibuf [dreg:s8], $0x2FFFF;
	_ =	strace $0x9FFFFFFF  }
0xc4: {  	(tm) =	ssettm $0x7FFFFFFF  }
0xc5: {  	_ =	shalt  }
tec
execute0_lowered:
.L_overlay_start_1:
0x0: {  	(tag) =	ssettag $0x1  }
0x1: {  	s1 =	rddreg [dreg:$0x0]  }
0x2: {  	s0 =	srdreg.scid;
	s4 =	rddreg [dreg:$0x1]  }
0x3: {  	s3 =	stileid.u32;
	s5 =	rddreg [dreg:$0x2]  }
0x4: {  	s14 =	simm.s32 $0x1000;
	s20 =	simm.s32 $0x1;
	s21 =	simm.s32 $0x5  }
0x5: {  	s9 =	simm.s32 $0x3;
	s10 =	simm.s32 $0x7;
	s11 =	simm.s32 $0x15800  }
0x6: {  	s12 =	simm.s32 $0x4;
	s0 =	sand.u32 $0x1, s0;
	s2 =	sshll.u32 s3, $0x1  }
0x7: {  	s16 =	simm.s32 $0x0;
	s3 =	sshll.u32 s3, $0x9;
	s2 =	sor.u32 s0, s2  }
0x8: {  	s7 =	sadd.s32 $0x100, s1;
	s0 =	ssub.s32 $0x2, s0;
	s6 =	sshll.u32 s2, $0x4  }
0x9: {  	s29 =	sshrl.u32 s0, $0x1;
	s2 =	sshll.u32 s2, $0x11;
	s6 =	sor.u32 s3, s6  }
0xa: {  	s3 =	simm.s32 $0x0;
	s0 =	ssub.s32 s0, s29;
	s8 =	sadd.s32 s5, s2  }
0xb: {  	s5 =	simm.s32 $0x6;
	s6 =	sand.u32 $0x1870, s6;
	[smem:$0x7FF] =	sst s3  }
.Ltmp0:
0xc: {  	v0 =	vlaneseq.u32;
	s0 =	smax.u32 s0, $0x1;
	s4 =	sadd.s32 s6, s4;
	(pc) =	sbr.rel .LBB2_1-.Ltmp0, $4  }
0xd: {  	v1 =	vand.u32 $0x7, v0;
	v63 =	vshrl.u32 v0, $0x3;
	_ =	strace $0x80000047;
	[dreg:$0x7] =	wrdreg s0;
	s30 =	sadd.s32 $0x400, s4  }
0xe: {  	v0 =	vor.u32 $0x8, v0;
	s2 =	simm.s32 $0x8;
	[tilespmem:$0x1FFD0] =	vst v1;
	v1 =	vmul.u32 $0x8, v63;
	s31 =	sadd.s32 $0x2400, s4;
	[dreg:$0x4] =	wrdreg s30  }
0xf: {  	s6 =	simm.s32 $0x13800;
	[tilespmem:$0x1FFF0] =	vst v0;
	s4 =	sadd.s32 $0x4400, s4;
	[dreg:$0x5] =	wrdreg s31  }
0x10: {  	vm0 =	vmmov $0xffff;
	s0 =	simm.s32 $0x17800;
	[dreg:$0x6] =	wrdreg s4;
	s4 =	simm.s32 $0x2;
	[tilespmem:$0x1FFE0] =	vst v1  }
.LBB2_12:
0x11: {  	s13 =	simm.s32 $0x9  }
0x12: {  	_ =	swait.ge [sflag:s13], $0x2000  }
0x13: {  	[sflag:s13] =	ssyncset.done $0x0  }
0x14: {  	s29 =	simm.s32 $0xA;
	[sflag:s13] =	ssyncadd.s32 $0xFFFFE000  }
0x15: {  	_ =	swait.ge [sflag:s29], $0x2000  }
0x16: {  	[sflag:s29] =	ssyncset.done $0x0  }
0x17: {  	s30 =	simm.s32 $0xB;
	[sflag:s29] =	ssyncadd.s32 $0xFFFFE000  }
0x18: {  	_ =	swait.ge [sflag:s30], $0x2000  }
0x19: {  	[sflag:s30] =	ssyncset.done $0x0  }
0x1a: {  	s15 =	simm.s32 $0xC;
	[sflag:s30] =	ssyncadd.s32 $0xFFFFE000  }
0x1b: {  	_ =	swait.ge [sflag:s15], $0x2000  }
0x1c: {  	s16 =	rddreg [dreg:$0x8]  }
0x1d: {  	s31 =	rddreg [dreg:$0x7];
	s16 =	sadd.s32 $0x1, s16  }
0x1e: {  	p0 =	sne.s32 s16, s31  }
.Ltmp1:
0x1f: {  	_ = 	snop;
	(pc) =	sbr.rel @!p0 .LBB2_13-.Ltmp1, $3  }
0x20: {  	_ =	sdelay $0x1  }
0x21: {  	[sflag:s15] =	ssyncset.done $0x0  }
0x22: {  	[sflag:s15] =	ssyncadd.s32 $0xFFFFE000  }
.LBB2_1:
0x23: {  	[dreg:$0x8] =	wrdreg s16  }
0x24: {  	s13 =	rddreg [dreg:$0x4]  }
0x25: {  	s15 =	simm.s32 $0x80;
	s28 =	simm.s32 $0x400;
	s17 =	simm.s32 $0xD  }
0x26: {  	[tilespmem:s3], [sflag:$0xD] =	stream.strided.gather [hbm4b:s13+s15], $0x800, s28, s15, $0x38;
	[tilespmem:$0x19800] =	vst v63  }
0x27: {  	_ =	swait.ge [sflag:s17], $0x800  }
0x28: {  	[sflag:s17] =	ssyncset.done $0x0  }
0x29: {  	s18 =	simm.s32 $0x800;
	s30 =	rddreg [dreg:$0x5];
	[sflag:s17] =	ssyncadd.s32 $0xFFFFF800  }
0x2a: {  	[tilespmem:s18], [sflag:$0xD] =	stream.strided.gather [hbm4b:s30+s15], $0x800, s28, s15, $0x38;
	[tilespmem:$0x19800] =	vst v63  }
0x2b: {  	_ =	swait.ge [sflag:s17], $0x800  }
0x2c: {  	[sflag:s17] =	ssyncset.done $0x0  }
0x2d: {  	s31 =	rddreg [dreg:$0x6];
	[sflag:s17] =	ssyncadd.s32 $0xFFFFF800  }
0x2e: {  	[tilespmem:s14], [sflag:$0xD] =	stream.strided.gather [hbm4b:s31+s15], $0x800, s28, s15, $0x38;
	[tilespmem:$0x19800] =	vst v63  }
0x2f: {  	_ =	swait.ge [sflag:s17], $0x800  }
0x30: {  	[sflag:s17] =	ssyncset.done $0x0  }
0x31: {  	[sflag:s17] =	ssyncadd.s32 $0xFFFFF800  }
0x32: {  	v0 =	vld [tilespmem:$0x0];
	_ =	sdelay $0x2  }
0x33: {  	v1 =	vld [tilespmem:$0x1FFD0];
	_ =	sdelay $0x1  }
0x34: {  	v2 =	vld [tilespmem:$0x1FFE0];
	v3 =	vshll.u32 v0, $0x2  }
0x35: {  	v0 =	vand.u32 $0x7, v0;
	v3 =	vand.u32 $0xFFFFFFE0, v3  }
0x36: {  	v4 =	vld [tilespmem:$0x1FFF0];
	v0 =	vor.u32 v0, v3  }
0x37: {  	v3 =	vperm.xlane v0, v1;
	_ =	sdelay $0x1  }
0x38: {  	v3 =	vadd.s32 v2, v3;
	_ =	sdelay $0x1  }
0x39: {  	v0 =	vperm.xlane v0, v4;
	_ =	sdelay $0x1  }
0x3a: {  	s17 =	simm.s32 $0x1800;
	v0 =	vadd.s32 v2, v0  }
0x3b: {  	[tilespmem:s17], [sflag:$0x1] =	stream.indirect_vreg.gather [hbm4b:s1+s3], $0x80, v3, vm0, $0xb8;
	[tilespmem:$0x19800] =	vst v63  }
0x3c: {  	s18 =	simm.s32 $0x2000  }
0x3d: {  	[tilespmem:s18], [sflag:$0x1] =	stream.indirect_vreg.gather [hbm4b:s7+s3], $0x80, v3, vm0, $0xb8;
	[tilespmem:$0x19800] =	vst v63  }
0x3e: {  	s19 =	simm.s32 $0x2800  }
0x3f: {  	[tilespmem:s19], [sflag:$0x1] =	stream.indirect_vreg.gather [hbm4b:s1+s3], $0x80, v0, vm0, $0xb8;
	[tilespmem:$0x19800] =	vst v63  }
0x40: {  	s22 =	simm.s32 $0x3000  }
0x41: {  	[tilespmem:s22], [sflag:$0x1] =	stream.indirect_vreg.gather [hbm4b:s7+s3], $0x80, v0, vm0, $0xb8;
	[tilespmem:$0x19800] =	vst v63  }
0x42: {  	v0 =	vld [tilespmem:$0x800];
	_ =	sdelay $0x4  }
0x43: {  	v59 =	vshll.u32 v0, $0x2  }
0x44: {  	v0 =	vand.u32 $0x7, v0;
	v3 =	vand.u32 $0xFFFFFFE0, v59  }
0x45: {  	v0 =	vor.u32 v0, v3  }
0x46: {  	v3 =	vperm.xlane v0, v1;
	_ =	sdelay $0x1  }
0x47: {  	v3 =	vadd.s32 v2, v3;
	_ =	sdelay $0x1  }
0x48: {  	v0 =	vperm.xlane v0, v4;
	_ =	sdelay $0x1  }
0x49: {  	s23 =	simm.s32 $0x9800;
	v0 =	vadd.s32 v2, v0  }
0x4a: {  	[tilespmem:s23], [sflag:$0x5] =	stream.indirect_vreg.gather [hbm4b:s1+s3], $0x80, v3, vm0, $0xb8;
	[tilespmem:$0x19800] =	vst v63  }
0x4b: {  	s24 =	simm.s32 $0xA000  }
0x4c: {  	[tilespmem:s24], [sflag:$0x5] =	stream.indirect_vreg.gather [hbm4b:s7+s3], $0x80, v3, vm0, $0xb8;
	[tilespmem:$0x19800] =	vst v63  }
0x4d: {  	s25 =	simm.s32 $0xA800  }
0x4e: {  	[tilespmem:s25], [sflag:$0x5] =	stream.indirect_vreg.gather [hbm4b:s1+s3], $0x80, v0, vm0, $0xb8;
	[tilespmem:$0x19800] =	vst v63  }
0x4f: {  	s26 =	simm.s32 $0xB000  }
0x50: {  	[tilespmem:s26], [sflag:$0x5] =	stream.indirect_vreg.gather [hbm4b:s7+s3], $0x80, v0, vm0, $0xb8;
	[tilespmem:$0x19800] =	vst v63  }
0x51: {  	v0 =	vld [tilespmem:$0x10];
	_ =	sdelay $0x4  }
0x52: {  	v60 =	vshll.u32 v0, $0x2  }
0x53: {  	v0 =	vand.u32 $0x7, v0;
	v3 =	vand.u32 $0xFFFFFFE0, v60  }
0x54: {  	v0 =	vor.u32 v0, v3  }
0x55: {  	v3 =	vperm.xlane v0, v1;
	_ =	sdelay $0x1  }
0x56: {  	v3 =	vadd.s32 v2, v3;
	_ =	sdelay $0x1  }
0x57: {  	v0 =	vperm.xlane v0, v4;
	_ =	sdelay $0x1  }
0x58: {  	s28 =	simm.s32 $0x3800;
	v0 =	vadd.s32 v2, v0  }
0x59: {  	[tilespmem:s28], [sflag:$0x2] =	stream.indirect_vreg.gather [hbm4b:s1+s3], $0x80, v3, vm0, $0xb8;
	[tilespmem:$0x19800] =	vst v63  }
0x5a: {  	s30 =	simm.s32 $0x4000  }
0x5b: {  	[tilespmem:s30], [sflag:$0x2] =	stream.indirect_vreg.gather [hbm4b:s7+s3], $0x80, v3, vm0, $0xb8;
	[tilespmem:$0x19800] =	vst v63  }
0x5c: {  	s31 =	simm.s32 $0x4800  }
0x5d: {  	[tilespmem:s31], [sflag:$0x2] =	stream.indirect_vreg.gather [hbm4b:s1+s3], $0x80, v0, vm0, $0xb8;
	[tilespmem:$0x19800] =	vst v63  }
0x5e: {  	s15 =	simm.s32 $0x5000  }
0x5f: {  	[tilespmem:s15], [sflag:$0x2] =	stream.indirect_vreg.gather [hbm4b:s7+s3], $0x80, v0, vm0, $0xb8;
	[tilespmem:$0x19800] =	vst v63  }
0x60: {  	v0 =	vld [tilespmem:$0x810];
	_ =	sdelay $0x4  }
0x61: {  	v61 =	vshll.u32 v0, $0x2  }
0x62: {  	v0 =	vand.u32 $0x7, v0;
	v3 =	vand.u32 $0xFFFFFFE0, v61  }
0x63: {  	v0 =	vor.u32 v0, v3  }
0x64: {  	v3 =	vperm.xlane v0, v1;
	_ =	sdelay $0x1  }
0x65: {  	v3 =	vadd.s32 v2, v3;
	_ =	sdelay $0x1  }
0x66: {  	v0 =	vperm.xlane v0, v4;
	_ =	sdelay $0x1  }
0x67: {  	s16 =	simm.s32 $0xB800;
	v0 =	vadd.s32 v2, v0  }
0x68: {  	[tilespmem:s16], [sflag:$0x6] =	stream.indirect_vreg.gather [hbm4b:s1+s3], $0x80, v3, vm0, $0xb8;
	[tilespmem:$0x19800] =	vst v63  }
0x69: {  	s17 =	simm.s32 $0xC000  }
0x6a: {  	[tilespmem:s17], [sflag:$0x6] =	stream.indirect_vreg.gather [hbm4b:s7+s3], $0x80, v3, vm0, $0xb8;
	[tilespmem:$0x19800] =	vst v63  }
0x6b: {  	s18 =	simm.s32 $0xC800  }
0x6c: {  	[tilespmem:s18], [sflag:$0x6] =	stream.indirect_vreg.gather [hbm4b:s1+s3], $0x80, v0, vm0, $0xb8;
	[tilespmem:$0x19800] =	vst v63  }
0x6d: {  	s19 =	simm.s32 $0xD000  }
0x6e: {  	[tilespmem:s19], [sflag:$0x6] =	stream.indirect_vreg.gather [hbm4b:s7+s3], $0x80, v0, vm0, $0xb8;
	[tilespmem:$0x19800] =	vst v63  }
0x6f: {  	v0 =	vld [tilespmem:$0x20];
	_ =	sdelay $0x4  }
0x70: {  	v62 =	vshll.u32 v0, $0x2  }
0x71: {  	v0 =	vand.u32 $0x7, v0;
	v3 =	vand.u32 $0xFFFFFFE0, v62  }
0x72: {  	v0 =	vor.u32 v0, v3  }
0x73: {  	v3 =	vperm.xlane v0, v1;
	_ =	sdelay $0x1  }
0x74: {  	v3 =	vadd.s32 v2, v3;
	_ =	sdelay $0x1  }
0x75: {  	v0 =	vperm.xlane v0, v4;
	_ =	sdelay $0x1  }
0x76: {  	s22 =	simm.s32 $0x5800;
	v0 =	vadd.s32 v2, v0  }
0x77: {  	[tilespmem:s22], [sflag:$0x3] =	stream.indirect_vreg.gather [hbm4b:s1+s3], $0x80, v3, vm0, $0xb8;
	[tilespmem:$0x19800] =	vst v63  }
0x78: {  	s23 =	simm.s32 $0x6000  }
0x79: {  	[tilespmem:s23], [sflag:$0x3] =	stream.indirect_vreg.gather [hbm4b:s7+s3], $0x80, v3, vm0, $0xb8;
	[tilespmem:$0x19800] =	vst v63  }
0x7a: {  	s24 =	simm.s32 $0x6800  }
0x7b: {  	[tilespmem:s24], [sflag:$0x3] =	stream.indirect_vreg.gather [hbm4b:s1+s3], $0x80, v0, vm0, $0xb8;
	[tilespmem:$0x19800] =	vst v63  }
0x7c: {  	s25 =	simm.s32 $0x7000  }
0x7d: {  	[tilespmem:s25], [sflag:$0x3] =	stream.indirect_vreg.gather [hbm4b:s7+s3], $0x80, v0, vm0, $0xb8;
	[tilespmem:$0x19800] =	vst v63  }
0x7e: {  	v0 =	vld [tilespmem:$0x820];
	_ =	sdelay $0x4  }
0x7f: {  	v63 =	vshll.u32 v0, $0x2  }
0x80: {  	v0 =	vand.u32 $0x7, v0;
	v3 =	vand.u32 $0xFFFFFFE0, v63  }
0x81: {  	v0 =	vor.u32 v0, v3  }
0x82: {  	v3 =	vperm.xlane v0, v1;
	_ =	sdelay $0x1  }
0x83: {  	v3 =	vadd.s32 v2, v3;
	_ =	sdelay $0x1  }
0x84: {  	v0 =	vperm.xlane v0, v4;
	_ =	sdelay $0x1  }
0x85: {  	s26 =	simm.s32 $0xD800;
	v0 =	vadd.s32 v2, v0  }
0x86: {  	[tilespmem:s26], [sflag:$0x7] =	stream.indirect_vreg.gather [hbm4b:s1+s3], $0x80, v3, vm0, $0xb8;
	[tilespmem:$0x19800] =	vst v63  }
0x87: {  	s29 =	simm.s32 $0x10;
	s28 =	simm.s32 $0xE000  }
0x88: {  	[tilespmem:s28], [sflag:$0x7] =	stream.indirect_vreg.gather [hbm4b:s7+s3], $0x80, v3, vm0, $0xb8;
	[tilespmem:$0x19800] =	vst v63  }
0x89: {  	s30 =	simm.s32 $0xE800;
	s31 =	simm.s32 $0xF000;
	s15 =	simm.s32 $0x20  }
0x8a: {  	[tilespmem:s30], [sflag:$0x7] =	stream.indirect_vreg.gather [hbm4b:s1+s3], $0x80, v0, vm0, $0xb8;
	[tilespmem:$0x19800] =	vst v63  }
0x8b: {  	s16 =	simm.s32 $0x30;
	s17 =	simm.s32 $0x0;
	s18 =	simm.s32 $0x0  }
0x8c: {  	[tilespmem:s31], [sflag:$0x7] =	stream.indirect_vreg.gather [hbm4b:s7+s3], $0x80, v0, vm0, $0xb8;
	[tilespmem:$0x19800] =	vst v63  }
.LBB2_2:
0x8d: {  	_ =	swait.ge [sflag:s20], $0x2000  }
0x8e: {  	[sflag:s20] =	ssyncset.done $0x0  }
0x8f: {  	[sflag:s20] =	ssyncadd.s32 $0xFFFFE000  }
0x90: {  	_ =	swait.ge [sflag:s21], $0x2000  }
0x91: {  	p0 =	seq.s32 s18, $0x0;
	[sflag:s21] =	ssyncset.done $0x0  }
0x92: {  	s13 =	simm.s32 @!p0 $0x9;
	[sflag:s21] =	ssyncadd.s32 $0xFFFFE000  }
0x93: {  	s24 =	simm.s32 $0x0;
	_ =	swait.ge @!p0 [sflag:s13], $0x2000  }
0x94: {  	s19 =	sand.u32 $0x1000, s24;
	s22 =	sand.u32 $0x380, s24;
	[sflag:s13] =	ssyncset.done @!p0 $0x0  }
0x95: {  	s22 =	sor.u32 s22, s19;
	[sflag:s13] =	ssyncadd.s32 @!p0 $0xFFFFE000  }
0x96: {  	v0 =	vld [tilespmem:s22+$0x1800]  }
0x97: {  	v1 =	vld [tilespmem:s22+$0x9800]  }
0x98: {  	v14 =	vld [tilespmem:s22+$0x1810]  }
0x99: {  	v31 =	vld [tilespmem:s22+$0x9810]  }
0x9a: {  	v25 =	vld [tilespmem:s22+$0x1820]  }
0x9b: {  	v23 =	vld [tilespmem:s22+$0x9820]  }
0x9c: {  	v29 =	vld [tilespmem:s22+$0x1830]  }
0x9d: {  	v4 =	vld [tilespmem:s22+$0x9830]  }
0x9e: {  	v32 =	vld [tilespmem:s22+$0x1840]  }
0x9f: {  	v10 =	vld [tilespmem:s22+$0x9840]  }
0xa0: {  	v3 =	vld [tilespmem:s22+$0x1850]  }
0xa1: {  	v5 =	vld [tilespmem:s22+$0x9850]  }
0xa2: {  	v41 =	vld [tilespmem:s22+$0x1860]  }
0xa3: {  	v55 =	vld [tilespmem:s22+$0x9860]  }
0xa4: {  	v54 =	vld [tilespmem:s22+$0x1870]  }
0xa5: {  	v9 =	vld [tilespmem:s22+$0x9870]  }
0xa6: {  	v56 =	vld [tilespmem:s22+$0x1C00]  }
0xa7: {  	v11 =	vld [tilespmem:s22+$0x9C00]  }
0xa8: {  	v57 =	vld [tilespmem:s22+$0x1C10]  }
0xa9: {  	v16 =	vld [tilespmem:s22+$0x9C10]  }
0xaa: {  	v33 =	vld [tilespmem:s22+$0x1C20]  }
0xab: {  	v28 =	vld [tilespmem:s22+$0x9C20]  }
0xac: {  	v30 =	vld [tilespmem:s22+$0x1C30]  }
0xad: {  	v34 =	vld [tilespmem:s22+$0x9C30]  }
0xae: {  	v37 =	vld [tilespmem:s22+$0x1C40]  }
0xaf: {  	v21 =	vld [tilespmem:s22+$0x9C40]  }
0xb0: {  	v39 =	vld [tilespmem:s22+$0x1C50]  }
0xb1: {  	v26 =	vld [tilespmem:s22+$0x9C50]  }
0xb2: {  	v40 =	vld [tilespmem:s22+$0x1C60]  }
0xb3: {  	v22 =	vld [tilespmem:s22+$0x9C60]  }
0xb4: {  	v42 =	vld [tilespmem:s22+$0x1C70]  }
0xb5: {  	v2 =	vld [tilespmem:s22+$0x9C70]  }
0xb6: {  	v43 =	vld [tilespmem:s22+$0x2000]  }
0xb7: {  	v18 =	vld [tilespmem:s22+$0xA000]  }
0xb8: {  	v44 =	vld [tilespmem:s22+$0x2010]  }
0xb9: {  	v24 =	vld [tilespmem:s22+$0xA010]  }
0xba: {  	v45 =	vld [tilespmem:s22+$0x2020]  }
0xbb: {  	v19 =	vld [tilespmem:s22+$0xA020]  }
0xbc: {  	v52 =	vld [tilespmem:s22+$0x2030]  }
0xbd: {  	v27 =	vld [tilespmem:s22+$0xA030]  }
0xbe: {  	v50 =	vld [tilespmem:s22+$0x2040]  }
0xbf: {  	v20 =	vld [tilespmem:s22+$0xA040]  }
0xc0: {  	v53 =	vld [tilespmem:s22+$0x2050]  }
0xc1: {  	v58 =	vld [tilespmem:s22+$0xA050]  }
0xc2: {  	v48 =	vld [tilespmem:s22+$0x2060]  }
0xc3: {  	v13 =	vld [tilespmem:s22+$0xA060]  }
0xc4: {  	v51 =	vld [tilespmem:s22+$0x2070]  }
0xc5: {  	v36 =	vld [tilespmem:s22+$0xA070]  }
0xc6: {  	v46 =	vld [tilespmem:s22+$0x2400]  }
0xc7: {  	v8 =	vld [tilespmem:s22+$0xA410]  }
0xc8: {  	v7 =	vld [tilespmem:s22+$0xA400]  }
0xc9: {  	v49 =	vld [tilespmem:s22+$0x2410]  }
0xca: {  	v47 =	vld [tilespmem:s22+$0x2420]  }
0xcb: {  	v15 =	vld [tilespmem:s22+$0xA420];
	v63 =	vsub.f32 v0, v1;
	v62 =	vsub.f32 v14, v31  }
0xcc: {  	v17 =	vld [tilespmem:s22+$0x2430];
	v6 =	vmovc v1;
	v61 =	vsub.f32 v25, v23;
	v25 =	vmov v8;
	v60 =	vsub.f32 v29, v4  }
0xcd: {  	v1 =	vmovc v4;
	v4 =	vmovc v7;
	v35 =	vmov v10;
	v38 =	vsub.f32 v32, v10;
	v59 =	vsub.f32 v3, v5;
	v10 =	vld [tilespmem:s22+$0xA430]  }
0xce: {  	s23 =	sshll.u32 s18, $0x2;
	v8 =	vmovc v5;
	v7 =	vmovc v55;
	v55 =	vsub.f32 v41, v55;
	v29 =	vmov v9;
	v41 =	vsub.f32 v54, v9;
	v9 =	vld [tilespmem:s22+$0x2440]  }
0xcf: {  	s25 =	simm.s32 $0x200;
	s26 =	smov.u32 s17;
	s19 =	sshll.u32 s18, $0x6;
	v0 =	vmov s17;
	v32 =	vmovc v11;
	v56 =	vsub.f32 v56, v11;
	v11 =	vmovc v16;
	v54 =	vsub.f32 v57, v16;
	v14 =	vld [tilespmem:s22+$0xA440]  }
.LBB2_3:
0xd0: {  	s24 =	sadd.s32 $0x80, s24  }
0xd1: {  	s13 =	sand.u32 $0x1000, s25;
	s28 =	sand.u32 $0x380, s24  }
0xd2: {  	s13 =	sor.u32 s28, s13  }
0xd3: {  	v5 =	vmovc v2;
	v12 =	vmov v27;
	v27 =	vsub.f32 v40, v22;
	v40 =	vsub.f32 v42, v2;
	v2 =	vld [tilespmem:s13+$0x1800];
	_ =	sdelay $0x4  }
0xd4: {  	[tilespmem:$0x1FF40] =	vst v2;
	v2 =	vsub.f32 v46, v4;
	_ =	sdelay $0x1  }
0xd5: {  	v57 =	vld [tilespmem:s22+$0x2450];
	[tilespmem:$0x1FEC0] =	vst v2;
	v2 =	vsub.f32 v17, v10  }
0xd6: {  	v3 =	vsub.f32 v30, v34;
	v30 =	vld [tilespmem:s22+$0xA450]  }
0xd7: {  	[tilespmem:$0x1FED0] =	vst v2;
	v2 =	vld [tilespmem:s13+$0x1810];
	_ =	sdelay $0x4  }
0xd8: {  	[tilespmem:$0x1FF50] =	vst v2;
	v2 =	vsub.f32 v57, v30;
	_ =	sdelay $0x1  }
0xd9: {  	[tilespmem:$0x1FF00] =	vst v2;
	v2 =	vld [tilespmem:s13+$0x9810];
	_ =	sdelay $0x3  }
0xda: {  	[tilespmem:$0x1FE90] =	vst v3;
	v3 =	vsub.f32 v37, v21;
	v37 =	vld.idx.msk [tilespmem:v0+s14+$0x0], $0xffff  }
0xdb: {  	[tilespmem:$0x1FF20] =	vst v2;
	v2 =	vld [tilespmem:s13+$0x1820];
	_ =	sdelay $0x4  }
0xdc: {  	v60 =	vmul.f32 v60, v37;
	[tilespmem:$0x1FF60] =	vst v2;
	v2 =	vld [tilespmem:s13+$0x9820];
	_ =	sdelay $0x1  }
0xdd: {  	v63 =	vmul.f32 v63, v37;
	v60 =	vadd.f32 v60, v1;
	v1 =	vld [tilespmem:s13+$0x9830];
	_ =	sdelay $0x1  }
0xde: {  	[tilespmem:$0x1FEE0] =	vst v4;
	v63 =	vadd.f32 v63, v6  }
0xdf: {  	v4 =	vld [tilespmem:s13+$0x9800];
	[tilespmem:$0x1FF30] =	vst v2  }
0xe0: {  	v62 =	vmul.f32 v62, v37;
	v2 =	vld [tilespmem:s13+$0x1830];
	[tilespmem:s22+$0x11800] =	vst v63  }
0xe1: {  	v61 =	vmul.f32 v61, v37;
	[tilespmem:$0x1FF70] =	vst v1;
	v1 =	vld [tilespmem:s13+$0x1840]  }
0xe2: {  	v31 =	vadd.f32 v62, v31  }
0xe3: {  	[tilespmem:$0x1FF10] =	vst v30;
	v38 =	vmul.f32 v38, v37;
	v30 =	vadd.f32 v61, v23  }
0xe4: {  	[tilespmem:s22+$0x11810] =	vst v31  }
0xe5: {  	v57 =	vmov v4;
	v4 =	vadd.f32 v38, v35;
	v38 =	vld [tilespmem:s13+$0x9840];
	[tilespmem:s22+$0x11820] =	vst v30  }
0xe6: {  	[tilespmem:$0x1FF90] =	vst v1;
	v1 =	vld [tilespmem:s13+$0x1850];
	_ =	sdelay $0x4  }
0xe7: {  	[tilespmem:$0x1FFA0] =	vst v1;
	v1 =	vld [tilespmem:$0x1FE90];
	_ =	sdelay $0x3  }
0xe8: {  	[tilespmem:$0x1FEA0] =	vst v3  }
0xe9: {  	v63 =	vmul.f32 v1, v37;
	v1 =	vld [tilespmem:$0x1FEA0];
	_ =	sdelay $0x1  }
0xea: {  	v3 =	vsub.f32 v39, v26  }
0xeb: {  	[tilespmem:$0x1FEF0] =	vst v25;
	v62 =	vmul.f32 v54, v37  }
0xec: {  	v49 =	vsub.f32 v49, v25;
	v25 =	vmov v10;
	[tilespmem:$0x1FEB0] =	vst v3;
	v59 =	vmul.f32 v59, v37  }
0xed: {  	v55 =	vmul.f32 v55, v37;
	v10 =	vadd.f32 v62, v11;
	[tilespmem:$0x1FF80] =	vst v2;
	v11 =	vmul.f32 v1, v37;
	v1 =	vld [tilespmem:$0x1FEB0]  }
0xee: {  	v41 =	vmul.f32 v41, v37;
	v31 =	vadd.f32 v59, v8;
	[tilespmem:s22+$0x11830] =	vst v60  }
0xef: {  	v56 =	vmul.f32 v56, v37;
	v30 =	vadd.f32 v55, v7;
	v59 =	vld [tilespmem:s13+$0x9850];
	[tilespmem:s22+$0x11840] =	vst v4  }
0xf0: {  	v8 =	vadd.f32 v41, v29;
	v55 =	vld [tilespmem:s13+$0x1860];
	[tilespmem:s22+$0x11850] =	vst v31  }
0xf1: {  	v39 =	vmov v14;
	v14 =	vsub.f32 v9, v14;
	v9 =	vadd.f32 v56, v32;
	v29 =	vld [tilespmem:s13+$0x9860];
	[tilespmem:s22+$0x11860] =	vst v30  }
0xf2: {  	v32 =	vld [tilespmem:s13+$0x1870];
	[tilespmem:s22+$0x11870] =	vst v8;
	v2 =	vmul.f32 v1, v37;
	v1 =	vmul.f32 v27, v37  }
0xf3: {  	v41 =	vld [tilespmem:s13+$0x9870];
	[tilespmem:s22+$0x11C00] =	vst v9  }
0xf4: {  	v11 =	vadd.f32 v11, v21;
	v21 =	vadd.f32 v1, v22;
	v1 =	vld [tilespmem:s13+$0x1C00];
	_ =	sdelay $0x2  }
0xf5: {  	v33 =	vsub.f32 v33, v28  }
0xf6: {  	v44 =	vsub.f32 v44, v24  }
0xf7: {  	v45 =	vsub.f32 v45, v19;
	v48 =	vsub.f32 v48, v13;
	v7 =	vmul.f32 v33, v37;
	[tilespmem:$0x1FFB0] =	vst v1;
	v1 =	vld [tilespmem:$0x1FEC0]  }
0xf8: {  	v16 =	vmov v58;
	v51 =	vsub.f32 v51, v36;
	v47 =	vsub.f32 v47, v15  }
0xf9: {  	v53 =	vsub.f32 v53, v16;
	v4 =	vadd.f32 v7, v28  }
0xfa: {  	v27 =	vmul.f32 v45, v37;
	v2 =	vadd.f32 v2, v26;
	[tilespmem:s22+$0x11C10] =	vst v10;
	v26 =	vmul.f32 v48, v37  }
0xfb: {  	v46 =	vmovc v36;
	v36 =	vmov v15;
	v28 =	vmul.f32 v44, v37;
	v15 =	vadd.f32 v63, v34;
	v56 =	vld [tilespmem:s13+$0x9C00]  }
0xfc: {  	[tilespmem:s22+$0x11C20] =	vst v4;
	v4 =	vadd.f32 v27, v19;
	v19 =	vadd.f32 v26, v13;
	v26 =	vmul.f32 v1, v37;
	v1 =	vld [tilespmem:$0x1FED0]  }
0xfd: {  	v22 =	vadd.f32 v28, v24;
	v28 =	vmul.f32 v53, v37  }
0xfe: {  	v54 =	vld [tilespmem:s13+$0x1C10];
	[tilespmem:s22+$0x11C30] =	vst v15  }
0xff: {  	v31 =	vmul.f32 v40, v37;
	v24 =	vadd.f32 v28, v16;
	v28 =	vld [tilespmem:s13+$0x9C10];
	[tilespmem:s22+$0x11C40] =	vst v11  }
0x100: {  	v33 =	vld [tilespmem:s13+$0x1C20];
	[tilespmem:s22+$0x11C50] =	vst v2  }
0x101: {  	v23 =	vadd.f32 v31, v5;
	v5 =	vmul.f32 v1, v37;
	v1 =	vld [tilespmem:s13+$0x9C20];
	_ =	sdelay $0x4  }
0x102: {  	v43 =	vsub.f32 v43, v18;
	[tilespmem:$0x1FFC0] =	vst v1;
	v1 =	vld [tilespmem:$0x1FEE0]  }
0x103: {  	v52 =	vsub.f32 v52, v12  }
0x104: {  	v17 =	vmul.f32 v43, v37  }
0x105: {  	v30 =	vmul.f32 v52, v37  }
0x106: {  	v17 =	vadd.f32 v17, v18  }
0x107: {  	v18 =	vadd.f32 v30, v12;
	v12 =	vadd.f32 v26, v1;
	v1 =	vld [tilespmem:$0x1FEF0];
	_ =	sdelay $0x1  }
0x108: {  	v0 =	vld [tilespmem:s22+$0x2470]  }
0x109: {  	v58 =	vld [tilespmem:s22+$0xA460];
	v27 =	vmul.f32 v49, v37  }
0x10a: {  	v42 =	vld [tilespmem:s22+$0xA470]  }
0x10b: {  	v13 =	vadd.f32 v27, v1;
	v1 =	vld [tilespmem:$0x1FF00]  }
0x10c: {  	v3 =	vld [tilespmem:s22+$0x2460];
	_ =	sdelay $0x3  }
0x10d: {  	v0 =	vsub.f32 v0, v42;
	[tilespmem:s22+$0x11C60] =	vst v21;
	v21 =	vmul.f32 v1, v37;
	v1 =	vld [tilespmem:$0x1FF10]  }
0x10e: {  	v50 =	vsub.f32 v50, v20;
	v3 =	vsub.f32 v3, v58  }
0x10f: {  	v0 =	vmul.f32 v0, v37;
	v15 =	vmul.f32 v51, v37;
	v30 =	vld [tilespmem:s13+$0x1C30];
	[tilespmem:s22+$0x11C70] =	vst v23  }
0x110: {  	v3 =	vmul.f32 v3, v37;
	v10 =	vmul.f32 v50, v37;
	v34 =	vld [tilespmem:s13+$0x9C30];
	[tilespmem:s22+$0x12000] =	vst v17  }
0x111: {  	v16 =	vmul.f32 v14, v37;
	v2 =	vadd.f32 v15, v46;
	v15 =	vmul.f32 v47, v37;
	v37 =	vld [tilespmem:s13+$0x1C40]  }
0x112: {  	v5 =	vadd.f32 v5, v25;
	[tilespmem:s22+$0x12010] =	vst v22;
	v25 =	vadd.f32 v21, v1;
	v1 =	vld [tilespmem:$0x1FF20]  }
0x113: {  	v20 =	vadd.f32 v10, v20;
	v21 =	vld [tilespmem:s13+$0x9C40];
	[tilespmem:s22+$0x12020] =	vst v4  }
0x114: {  	v16 =	vadd.f32 v16, v39;
	v39 =	vld [tilespmem:s13+$0x1C50];
	[tilespmem:s22+$0x12030] =	vst v18  }
0x115: {  	v26 =	vld [tilespmem:s13+$0x9C50];
	[tilespmem:s22+$0x12040] =	vst v20  }
0x116: {  	v40 =	vld [tilespmem:s13+$0x1C60];
	[tilespmem:s22+$0x12050] =	vst v24  }
0x117: {  	v22 =	vld [tilespmem:s13+$0x9C60];
	[tilespmem:s22+$0x12060] =	vst v19  }
0x118: {  	v0 =	vadd.f32 v0, v42;
	v42 =	vld [tilespmem:s13+$0x1C70];
	[tilespmem:s22+$0x12070] =	vst v2  }
0x119: {  	v14 =	vadd.f32 v15, v36;
	v2 =	vld [tilespmem:s13+$0x9C70];
	[tilespmem:s22+$0x12400] =	vst v12  }
0x11a: {  	v43 =	vld [tilespmem:s13+$0x2000];
	[tilespmem:s22+$0x12410] =	vst v13  }
0x11b: {  	v18 =	vld [tilespmem:s13+$0xA000];
	[tilespmem:s22+$0x12420] =	vst v14  }
0x11c: {  	v44 =	vld [tilespmem:s13+$0x2010];
	[tilespmem:s22+$0x12430] =	vst v5  }
0x11d: {  	v3 =	vadd.f32 v3, v58;
	v24 =	vld [tilespmem:s13+$0xA010];
	[tilespmem:s22+$0x12440] =	vst v16  }
0x11e: {  	v45 =	vld [tilespmem:s13+$0x2020];
	[tilespmem:s22+$0x12450] =	vst v25  }
0x11f: {  	v19 =	vld [tilespmem:s13+$0xA020];
	[tilespmem:s22+$0x12460] =	vst v3  }
0x120: {  	v52 =	vld [tilespmem:s13+$0x2030]  }
0x121: {  	[tilespmem:s22+$0x12470] =	vst v0;
	v0 =	vld [tilespmem:$0x1FF40];
	_ =	sdelay $0x2  }
0x122: {  	v11 =	vmov v28;
	v54 =	vsub.f32 v54, v28;
	v28 =	vld [tilespmem:$0x1FFC0]  }
0x123: {  	v31 =	vmov v1;
	v1 =	vld [tilespmem:$0x1FF30]  }
0x124: {  	v63 =	vsub.f32 v0, v57;
	v0 =	vld [tilespmem:$0x1FF50]  }
0x125: {  	v3 =	vld [tilespmem:$0x1FF70];
	s22 =	smov.u32 s13  }
0x126: {  	v27 =	vld [tilespmem:s22+$0xA030]  }
0x127: {  	v50 =	vld [tilespmem:s22+$0x2040]  }
0x128: {  	v20 =	vld [tilespmem:s22+$0xA040]  }
0x129: {  	v62 =	vsub.f32 v0, v31;
	v0 =	vld [tilespmem:$0x1FF60]  }
0x12a: {  	v53 =	vld [tilespmem:s22+$0x2050]  }
0x12b: {  	v58 =	vld [tilespmem:s22+$0xA050]  }
0x12c: {  	v48 =	vld [tilespmem:s22+$0x2060]  }
0x12d: {  	v23 =	vmov v1;
	v13 =	vld [tilespmem:s22+$0xA060]  }
0x12e: {  	v61 =	vsub.f32 v0, v23;
	v0 =	vld [tilespmem:$0x1FF80]  }
0x12f: {  	v51 =	vld [tilespmem:s22+$0x2070]  }
0x130: {  	v36 =	vld [tilespmem:s22+$0xA070]  }
0x131: {  	v46 =	vld [tilespmem:s22+$0x2400]  }
0x132: {  	v4 =	vld [tilespmem:s22+$0xA400]  }
0x133: {  	v60 =	vsub.f32 v0, v3;
	v0 =	vld [tilespmem:$0x1FF90]  }
0x134: {  	v49 =	vld [tilespmem:s22+$0x2410]  }
0x135: {  	v25 =	vld [tilespmem:s22+$0xA410]  }
0x136: {  	v47 =	vld [tilespmem:s22+$0x2420]  }
0x137: {  	v1 =	vmov v3;
	v3 =	vld [tilespmem:$0x1FFB0]  }
0x138: {  	p1 =	sne.s32 s25, $0x1E00;
	v35 =	vmov v38;
	v38 =	vsub.f32 v0, v38;
	v0 =	vld [tilespmem:$0x1FFA0]  }
.Ltmp2:
0x139: {  	v15 =	vld [tilespmem:s22+$0xA420];
	(pc) =	sbr.rel @p1 .LBB2_3-.Ltmp2, $4  }
0x13a: {  	v17 =	vld [tilespmem:s22+$0x2430]  }
0x13b: {  	v10 =	vld [tilespmem:s22+$0xA430]  }
0x13c: {  	s26 =	sadd.s32 $0x1, s26;
	v6 =	vmovc v57;
	v7 =	vmovc v29;
	v55 =	vsub.f32 v55, v29;
	v29 =	vmov v41;
	v41 =	vsub.f32 v32, v41;
	v9 =	vld [tilespmem:s22+$0x2440]  }
0x13d: {  	s25 =	sadd.s32 $0x200, s25;
	v8 =	vmovc v59;
	v32 =	vmovc v56;
	v14 =	vld [tilespmem:s22+$0xA440];
	v56 =	vsub.f32 v3, v56;
	v59 =	vsub.f32 v0, v59;
	v0 =	vmov s26  }
0x13e: {  	v3 =	vld [tilespmem:s22+$0x2450];
	_ =	sdelay $0x3  }
0x13f: {  	v0 =	vld.idx.msk [tilespmem:v0+s14+$0x0], $0xffff  }
0x140: {  	[tilespmem:$0x1FE60] =	vst v3;
	v3 =	vld [tilespmem:s22+$0x2460];
	_ =	sdelay $0x3  }
0x141: {  	v16 =	vmul.f32 v62, v0  }
0x142: {  	v57 =	vmul.f32 v61, v0;
	[tilespmem:$0x1FE70] =	vst v3;
	v3 =	vmov v4;
	v4 =	vmul.f32 v63, v0  }
0x143: {  	v55 =	vmul.f32 v55, v0;
	v61 =	vadd.f32 v16, v31  }
0x144: {  	v16 =	vadd.f32 v57, v23;
	v4 =	vadd.f32 v4, v6  }
0x145: {  	[tilespmem:s22+$0x11810] =	vst v61;
	v61 =	vadd.f32 v55, v7;
	v7 =	vmul.f32 v54, v0;
	v6 =	vmul.f32 v60, v0  }
0x146: {  	[tilespmem:s22+$0x11800] =	vst v4;
	v4 =	vmul.f32 v38, v0  }
0x147: {  	[tilespmem:s22+$0x11820] =	vst v16;
	v7 =	vadd.f32 v7, v11;
	v57 =	vadd.f32 v6, v1;
	v6 =	vmul.f32 v59, v0  }
0x148: {  	v33 =	vsub.f32 v33, v28;
	[tilespmem:s22+$0x11860] =	vst v61;
	v1 =	vmul.f32 v41, v0;
	v4 =	vadd.f32 v4, v35  }
0x149: {  	v60 =	vmul.f32 v56, v0;
	[tilespmem:s22+$0x11C10] =	vst v7;
	v7 =	vsub.f32 v43, v18;
	v6 =	vadd.f32 v6, v8  }
0x14a: {  	v8 =	vadd.f32 v1, v29;
	[tilespmem:s22+$0x11840] =	vst v4;
	v4 =	vsub.f32 v30, v34  }
0x14b: {  	v1 =	vadd.f32 v60, v32;
	[tilespmem:s22+$0x11850] =	vst v6;
	v6 =	vsub.f32 v37, v21;
	v30 =	vmul.f32 v33, v0  }
0x14c: {  	v63 =	vsub.f32 v39, v26;
	v7 =	vmul.f32 v7, v0;
	[tilespmem:s22+$0x11830] =	vst v57;
	v4 =	vmul.f32 v4, v0  }
0x14d: {  	[tilespmem:s22+$0x11C00] =	vst v1;
	v1 =	vsub.f32 v42, v2;
	v11 =	vadd.f32 v30, v28;
	v6 =	vmul.f32 v6, v0  }
0x14e: {  	[tilespmem:s22+$0x11870] =	vst v8;
	v8 =	vsub.f32 v40, v22;
	v30 =	vmul.f32 v63, v0;
	v4 =	vadd.f32 v4, v34  }
0x14f: {  	v7 =	vadd.f32 v7, v18;
	v1 =	vmul.f32 v1, v0;
	v6 =	vadd.f32 v6, v21;
	[tilespmem:s22+$0x11C20] =	vst v11  }
0x150: {  	v8 =	vmul.f32 v8, v0;
	v11 =	vsub.f32 v44, v24;
	v16 =	vadd.f32 v30, v26;
	[tilespmem:s22+$0x11C30] =	vst v4  }
0x151: {  	v1 =	vadd.f32 v1, v2;
	v4 =	vsub.f32 v45, v19;
	[tilespmem:s22+$0x11C40] =	vst v6  }
0x152: {  	v8 =	vadd.f32 v8, v22;
	v6 =	vsub.f32 v52, v27;
	v11 =	vmul.f32 v11, v0;
	[tilespmem:s22+$0x11C50] =	vst v16  }
0x153: {  	v16 =	vsub.f32 v50, v20;
	[tilespmem:s22+$0x11C70] =	vst v1;
	v1 =	vsub.f32 v48, v13;
	v4 =	vmul.f32 v4, v0  }
0x154: {  	[tilespmem:s22+$0x11C60] =	vst v8;
	v8 =	vsub.f32 v53, v58;
	v6 =	vmul.f32 v6, v0;
	v11 =	vadd.f32 v11, v24  }
0x155: {  	v12 =	vld [tilespmem:s22+$0xA450];
	[tilespmem:s22+$0x12000] =	vst v7;
	v16 =	vmul.f32 v16, v0;
	v1 =	vmul.f32 v1, v0;
	v4 =	vadd.f32 v4, v19  }
0x156: {  	v5 =	vld [tilespmem:s22+$0xA460];
	v18 =	vmov v13;
	v7 =	vsub.f32 v51, v36;
	v6 =	vadd.f32 v6, v27;
	[tilespmem:s22+$0x12010] =	vst v11  }
0x157: {  	v62 =	vld [tilespmem:s22+$0x2470];
	v8 =	vmul.f32 v8, v0;
	v13 =	vadd.f32 v16, v20;
	v1 =	vadd.f32 v1, v18;
	[tilespmem:s22+$0x12020] =	vst v4  }
0x158: {  	v2 =	vld [tilespmem:$0x1FE70];
	v11 =	vsub.f32 v46, v3;
	[tilespmem:s22+$0x12030] =	vst v6  }
0x159: {  	v7 =	vmul.f32 v7, v0;
	v8 =	vadd.f32 v8, v58;
	v4 =	vsub.f32 v49, v25;
	[tilespmem:s22+$0x12060] =	vst v1;
	v1 =	vld [tilespmem:$0x1FE60]  }
0x15a: {  	v31 =	vld [tilespmem:s22+$0xA470];
	v16 =	vmov v15;
	v6 =	vsub.f32 v47, v15;
	v11 =	vmul.f32 v11, v0;
	[tilespmem:s22+$0x12040] =	vst v13  }
0x15b: {  	v15 =	vsub.f32 v17, v10;
	v13 =	vmovc v10;
	v4 =	vmul.f32 v4, v0;
	v10 =	vadd.f32 v7, v36  }
0x15c: {  	[tilespmem:s22+$0x12050] =	vst v8;
	v8 =	vsub.f32 v9, v14;
	v6 =	vmul.f32 v6, v0;
	v11 =	vadd.f32 v11, v3  }
0x15d: {  	v7 =	vmul.f32 v15, v0;
	v3 =	vsub.f32 v2, v5;
	v4 =	vadd.f32 v4, v25;
	[tilespmem:s22+$0x12070] =	vst v10  }
0x15e: {  	v8 =	vmul.f32 v8, v0;
	v6 =	vadd.f32 v6, v16;
	[tilespmem:s22+$0x12400] =	vst v11;
	v1 =	vsub.f32 v1, v12  }
0x15f: {  	v9 =	vsub.f32 v62, v31;
	v7 =	vadd.f32 v7, v13;
	v3 =	vmul.f32 v3, v0;
	[tilespmem:s22+$0x12410] =	vst v4  }
0x160: {  	v4 =	vadd.f32 v8, v14;
	[tilespmem:s22+$0x12420] =	vst v6;
	v1 =	vmul.f32 v1, v0  }
0x161: {  	[tilespmem:s22+$0x12430] =	vst v7;
	v2 =	vadd.f32 v3, v5;
	v0 =	vmul.f32 v9, v0  }
0x162: {  	[tilespmem:s22+$0x12440] =	vst v4;
	v1 =	vadd.f32 v1, v12  }
0x163: {  	[tilespmem:s22+$0x12460] =	vst v2;
	v0 =	vadd.f32 v0, v31  }
0x164: {  	s13 =	sshll.u32 s18, $0xC;
	[tilespmem:s22+$0x12450] =	vst v1  }
0x165: {  	s24 =	simm.s32 $0x11800;
	s13 =	sadd.s32 s13, s8;
	[tilespmem:s22+$0x12470] =	vst v0;
	s22 =	sor.u32 $0x3, s23  }
0x166: {  	[hbm4b:s13+s3] =	stream.linear.scatter [tilespmem:s24], [sflag:$0x9], $0x2000, $0x38;
	[tilespmem:$0x19800] =	vst v63  }
0x167: {  	s25 =	sshll.u32 s22, $0x4  }
0x168: {  	v0 =	vld [tilespmem:s25+$0x0];
	_ =	sdelay $0x2  }
0x169: {  	v2 =	vld [tilespmem:$0x1FFD0];
	_ =	sdelay $0x1  }
0x16a: {  	v3 =	vld [tilespmem:$0x1FFE0];
	v1 =	vshll.u32 v0, $0x2  }
0x16b: {  	v0 =	vand.u32 $0x7, v0;
	v1 =	vand.u32 $0xFFFFFFE0, v1  }
0x16c: {  	v4 =	vld [tilespmem:$0x1FFF0];
	v0 =	vor.u32 v0, v1  }
0x16d: {  	v1 =	vperm.xlane v0, v2;
	_ =	sdelay $0x1  }
0x16e: {  	v1 =	vadd.s32 v3, v1;
	_ =	sdelay $0x1  }
0x16f: {  	v0 =	vperm.xlane v0, v4;
	_ =	sdelay $0x1  }
0x170: {  	s24 =	simm.s32 $0x7800;
	v0 =	vadd.s32 v3, v0  }
0x171: {  	[tilespmem:s24], [sflag:$0x4] =	stream.indirect_vreg.gather [hbm4b:s1+s3], $0x80, v1, vm0, $0xb8;
	[tilespmem:$0x19800] =	vst v63  }
0x172: {  	s26 =	simm.s32 $0x8000  }
0x173: {  	[tilespmem:s26], [sflag:$0x4] =	stream.indirect_vreg.gather [hbm4b:s7+s3], $0x80, v1, vm0, $0xb8;
	[tilespmem:$0x19800] =	vst v63  }
0x174: {  	s30 =	simm.s32 $0x8800  }
0x175: {  	[tilespmem:s30], [sflag:$0x4] =	stream.indirect_vreg.gather [hbm4b:s1+s3], $0x80, v0, vm0, $0xb8;
	[tilespmem:$0x19800] =	vst v63  }
0x176: {  	s31 =	simm.s32 $0x9000  }
0x177: {  	[tilespmem:s31], [sflag:$0x4] =	stream.indirect_vreg.gather [hbm4b:s7+s3], $0x80, v0, vm0, $0xb8;
	[tilespmem:$0x19800] =	vst v63  }
0x178: {  	v0 =	vld [tilespmem:s25+$0x800];
	_ =	sdelay $0x4  }
0x179: {  	v1 =	vshll.u32 v0, $0x2  }
0x17a: {  	v0 =	vand.u32 $0x7, v0;
	v1 =	vand.u32 $0xFFFFFFE0, v1  }
0x17b: {  	v0 =	vor.u32 v0, v1  }
0x17c: {  	v1 =	vperm.xlane v0, v2;
	_ =	sdelay $0x1  }
0x17d: {  	v1 =	vadd.s32 v3, v1;
	_ =	sdelay $0x1  }
0x17e: {  	v0 =	vperm.xlane v0, v4;
	_ =	sdelay $0x1  }
0x17f: {  	s24 =	simm.s32 $0xF800;
	v0 =	vadd.s32 v3, v0  }
0x180: {  	[tilespmem:s24], [sflag:$0x8] =	stream.indirect_vreg.gather [hbm4b:s1+s3], $0x80, v1, vm0, $0xb8;
	[tilespmem:$0x19800] =	vst v63  }
0x181: {  	s25 =	simm.s32 $0x10000  }
0x182: {  	[tilespmem:s25], [sflag:$0x8] =	stream.indirect_vreg.gather [hbm4b:s7+s3], $0x80, v1, vm0, $0xb8;
	[tilespmem:$0x19800] =	vst v63  }
0x183: {  	s26 =	simm.s32 $0x10800  }
0x184: {  	[tilespmem:s26], [sflag:$0x8] =	stream.indirect_vreg.gather [hbm4b:s1+s3], $0x80, v0, vm0, $0xb8;
	[tilespmem:$0x19800] =	vst v63  }
0x185: {  	s30 =	simm.s32 $0x11000  }
0x186: {  	[tilespmem:s30], [sflag:$0x8] =	stream.indirect_vreg.gather [hbm4b:s7+s3], $0x80, v0, vm0, $0xb8;
	[tilespmem:$0x19800] =	vst v63  }
0x187: {  	_ =	swait.ge [sflag:s4], $0x2000  }
0x188: {  	[sflag:s4] =	ssyncset.done $0x0  }
0x189: {  	[sflag:s4] =	ssyncadd.s32 $0xFFFFE000  }
0x18a: {  	_ =	swait.ge [sflag:s5], $0x2000  }
0x18b: {  	[sflag:s5] =	ssyncset.done $0x0  }
0x18c: {  	s13 =	simm.s32 @!p0 $0xA;
	[sflag:s5] =	ssyncadd.s32 $0xFFFFE000  }
0x18d: {  	s26 =	simm.s32 $0x0;
	_ =	swait.ge @!p0 [sflag:s13], $0x2000  }
0x18e: {  	s31 =	sand.u32 $0x1000, s26;
	s25 =	sand.u32 $0x380, s26;
	[sflag:s13] =	ssyncset.done @!p0 $0x0  }
0x18f: {  	s24 =	sor.u32 s25, s31;
	[sflag:s13] =	ssyncadd.s32 @!p0 $0xFFFFE000  }
0x190: {  	v0 =	vld [tilespmem:s24+$0x3800]  }
0x191: {  	v5 =	vld [tilespmem:s24+$0xB800]  }
0x192: {  	v7 =	vld [tilespmem:s24+$0x3810]  }
0x193: {  	v31 =	vld [tilespmem:s24+$0xB810]  }
0x194: {  	v2 =	vld [tilespmem:s24+$0x3820]  }
0x195: {  	v56 =	vld [tilespmem:s24+$0xB820]  }
0x196: {  	v25 =	vld [tilespmem:s24+$0x3830]  }
0x197: {  	v3 =	vld [tilespmem:s24+$0xB830]  }
0x198: {  	v29 =	vld [tilespmem:s24+$0x3840]  }
0x199: {  	v4 =	vld [tilespmem:s24+$0xB840]  }
0x19a: {  	v32 =	vld [tilespmem:s24+$0x3850]  }
0x19b: {  	v6 =	vld [tilespmem:s24+$0xB850]  }
0x19c: {  	v35 =	vld [tilespmem:s24+$0x3860]  }
0x19d: {  	v55 =	vld [tilespmem:s24+$0xB860]  }
0x19e: {  	v40 =	vld [tilespmem:s24+$0x3870]  }
0x19f: {  	v14 =	vld [tilespmem:s24+$0xB870]  }
0x1a0: {  	v54 =	vld [tilespmem:s24+$0x3C00]  }
0x1a1: {  	v27 =	vld [tilespmem:s24+$0xBC00]  }
0x1a2: {  	v17 =	vld [tilespmem:s24+$0x3C10]  }
0x1a3: {  	v1 =	vld [tilespmem:s24+$0xBC10]  }
0x1a4: {  	v8 =	vld [tilespmem:s24+$0x3C20]  }
0x1a5: {  	v30 =	vld [tilespmem:s24+$0xBC20]  }
0x1a6: {  	v33 =	vld [tilespmem:s24+$0x3C30]  }
0x1a7: {  	v10 =	vld [tilespmem:s24+$0xBC30]  }
0x1a8: {  	v38 =	vld [tilespmem:s24+$0x3C40]  }
0x1a9: {  	v58 =	vld [tilespmem:s24+$0xBC40]  }
0x1aa: {  	v39 =	vld [tilespmem:s24+$0x3C50]  }
0x1ab: {  	v21 =	vld [tilespmem:s24+$0xBC50]  }
0x1ac: {  	v41 =	vld [tilespmem:s24+$0x3C60]  }
0x1ad: {  	v13 =	vld [tilespmem:s24+$0xBC60]  }
0x1ae: {  	v42 =	vld [tilespmem:s24+$0x3C70]  }
0x1af: {  	v22 =	vld [tilespmem:s24+$0xBC70]  }
0x1b0: {  	v43 =	vld [tilespmem:s24+$0x4000]  }
0x1b1: {  	v18 =	vld [tilespmem:s24+$0xC000]  }
0x1b2: {  	v44 =	vld [tilespmem:s24+$0x4010]  }
0x1b3: {  	v24 =	vld [tilespmem:s24+$0xC010]  }
0x1b4: {  	v45 =	vld [tilespmem:s24+$0x4020]  }
0x1b5: {  	v36 =	vld [tilespmem:s24+$0xC020]  }
0x1b6: {  	v52 =	vld [tilespmem:s24+$0x4030]  }
0x1b7: {  	v23 =	vld [tilespmem:s24+$0xC030]  }
0x1b8: {  	v50 =	vld [tilespmem:s24+$0x4040]  }
0x1b9: {  	v19 =	vld [tilespmem:s24+$0xC040]  }
0x1ba: {  	v53 =	vld [tilespmem:s24+$0x4050]  }
0x1bb: {  	v12 =	vld [tilespmem:s24+$0xC050]  }
0x1bc: {  	v48 =	vld [tilespmem:s24+$0x4060]  }
0x1bd: {  	v20 =	vld [tilespmem:s24+$0xC060]  }
0x1be: {  	v51 =	vld [tilespmem:s24+$0x4070]  }
0x1bf: {  	v16 =	vld [tilespmem:s24+$0xC070]  }
0x1c0: {  	v46 =	vld [tilespmem:s24+$0x4400]  }
0x1c1: {  	v49 =	vld [tilespmem:s24+$0x4410]  }
0x1c2: {  	v11 =	vld [tilespmem:s24+$0xC410]  }
0x1c3: {  	v47 =	vld [tilespmem:s24+$0x4420]  }
0x1c4: {  	[tilespmem:$0x1FE80] =	vst v8;
	v8 =	vld [tilespmem:s24+$0xC400];
	v0 =	vsub.f32 v0, v5;
	v63 =	vsub.f32 v7, v31  }
0x1c5: {  	v15 =	vld [tilespmem:s24+$0xC420];
	v62 =	vsub.f32 v2, v56;
	v61 =	vsub.f32 v25, v3  }
0x1c6: {  	v34 =	vld [tilespmem:s24+$0x4430];
	v9 =	vmovc v5;
	v7 =	vmovc v3;
	v37 =	vsub.f32 v29, v4;
	v29 =	vmov v10;
	v60 =	vsub.f32 v32, v6  }
0x1c7: {  	v10 =	vmovc v6;
	v25 =	vmovc v55;
	v59 =	vsub.f32 v35, v55;
	v26 =	vmov v14;
	v40 =	vsub.f32 v40, v14;
	v35 =	vld [tilespmem:s24+$0x4440]  }
0x1c8: {  	v14 =	vmovc v16;
	v32 =	vmov s29;
	v28 =	vmovc v27;
	v55 =	vsub.f32 v54, v27;
	v54 =	vsub.f32 v17, v1;
	v17 =	vld [tilespmem:s24+$0xC440]  }
0x1c9: {  	s28 =	simm.s32 $0x200;
	s25 =	sor.u32 $0x1, s23;
	s13 =	smov.u32 s29;
	v6 =	vmovc v1;
	v5 =	vmovc v8;
	v8 =	vmov v4;
	v4 =	vmov v13;
	v13 =	vmov v18;
	v18 =	vld [tilespmem:s24+$0xC430]  }
.LBB2_5:
0x1ca: {  	v1 =	vld [tilespmem:$0x1FE80];
	_ =	sdelay $0x1  }
0x1cb: {  	v2 =	vsub.f32 v33, v29;
	v33 =	vld [tilespmem:s24+$0x4450]  }
0x1cc: {  	v16 =	vsub.f32 v38, v58;
	v57 =	vld [tilespmem:s24+$0xC460];
	s26 =	sadd.s32 $0x80, s26;
	v51 =	vsub.f32 v51, v14  }
0x1cd: {  	v38 =	vld.idx.msk [tilespmem:v32+s14+$0x0], $0xffff;
	s30 =	sand.u32 $0x1000, s28;
	s31 =	sand.u32 $0x380, s26;
	[tilespmem:$0x1FD90] =	vst v14;
	v14 =	vmov v11;
	v49 =	vsub.f32 v49, v11;
	v11 =	vsub.f32 v34, v18  }
0x1ce: {  	v27 =	vmov v30;
	v3 =	vsub.f32 v42, v22;
	s30 =	sor.u32 s31, s30;
	v1 =	vsub.f32 v1, v30;
	v30 =	vld [tilespmem:s24+$0xC450]  }
0x1cf: {  	[tilespmem:$0x1FDA0] =	vst v11;
	v11 =	vld [tilespmem:s30+$0x3810]  }
0x1d0: {  	[tilespmem:$0x1FD60] =	vst v3;
	v3 =	vld [tilespmem:s24+$0x4460];
	_ =	sdelay $0x1  }
0x1d1: {  	v0 =	vmul.f32 v0, v38  }
0x1d2: {  	[tilespmem:$0x1FDB0] =	vst v5  }
0x1d3: {  	v0 =	vadd.f32 v0, v9;
	v9 =	vld [tilespmem:s30+$0x3830];
	[tilespmem:$0x1FE10] =	vst v11;
	v11 =	vsub.f32 v33, v30  }
0x1d4: {  	v5 =	vsub.f32 v46, v5;
	[tilespmem:$0x1FDF0] =	vst v57;
	v33 =	vmul.f32 v63, v38;
	v63 =	vsub.f32 v3, v57;
	v3 =	vld [tilespmem:s30+$0x3820]  }
0x1d5: {  	[tilespmem:$0x1FDC0] =	vst v11;
	v11 =	vld [tilespmem:s30+$0xB810]  }
0x1d6: {  	[tilespmem:$0x1FD80] =	vst v5  }
0x1d7: {  	[tilespmem:$0x1FDD0] =	vst v30  }
0x1d8: {  	v5 =	vld [tilespmem:s30+$0xB800];
	[tilespmem:$0x1FE30] =	vst v9  }
0x1d9: {  	v32 =	vld [tilespmem:s30+$0x3800];
	v61 =	vmul.f32 v61, v38;
	[tilespmem:$0x1FE20] =	vst v3  }
0x1da: {  	v57 =	vmul.f32 v37, v38;
	v37 =	vld [tilespmem:s30+$0xB830];
	v31 =	vadd.f32 v33, v31;
	[tilespmem:$0x1FDE0] =	vst v11;
	v11 =	vmul.f32 v62, v38  }
0x1db: {  	v60 =	vmul.f32 v60, v38;
	v54 =	vmul.f32 v54, v38;
	v3 =	vld [tilespmem:s30+$0xB820];
	[tilespmem:s24+$0x13800] =	vst v0  }
0x1dc: {  	v61 =	vadd.f32 v61, v7;
	v33 =	vmul.f32 v40, v38;
	v40 =	vld [tilespmem:s30+$0x3840];
	[tilespmem:s24+$0x13810] =	vst v31;
	v30 =	vadd.f32 v11, v56  }
0x1dd: {  	v31 =	vadd.f32 v60, v10;
	v10 =	vadd.f32 v54, v6;
	v6 =	vld [tilespmem:$0x1FD60];
	v62 =	vmovc v5;
	v5 =	vmul.f32 v59, v38  }
0x1de: {  	v0 =	vadd.f32 v57, v8;
	v60 =	vld [tilespmem:s30+$0xB840];
	[tilespmem:s24+$0x13820] =	vst v30  }
0x1df: {  	v5 =	vadd.f32 v5, v25;
	v25 =	vld [tilespmem:s30+$0x3850];
	[tilespmem:s24+$0x13830] =	vst v61  }
0x1e0: {  	v55 =	vmul.f32 v55, v38;
	v59 =	vld [tilespmem:s30+$0xB850];
	[tilespmem:s24+$0x13840] =	vst v0  }
0x1e1: {  	v8 =	vadd.f32 v33, v26;
	v26 =	vld [tilespmem:s30+$0x3860];
	[tilespmem:s24+$0x13850] =	vst v31  }
0x1e2: {  	v9 =	vadd.f32 v55, v28;
	v54 =	vld [tilespmem:s30+$0xB860];
	[tilespmem:s24+$0x13860] =	vst v5  }
0x1e3: {  	v28 =	vld [tilespmem:s30+$0x3870];
	[tilespmem:s24+$0x13870] =	vst v8  }
0x1e4: {  	v55 =	vld [tilespmem:s30+$0xB870];
	[tilespmem:s24+$0x13C00] =	vst v9  }
0x1e5: {  	v30 =	vmul.f32 v6, v38;
	v6 =	vld [tilespmem:s30+$0x3C00];
	_ =	sdelay $0x3  }
0x1e6: {  	[tilespmem:$0x1FD70] =	vst v23  }
0x1e7: {  	v1 =	vmul.f32 v1, v38;
	[tilespmem:$0x1FE40] =	vst v6;
	v6 =	vld [tilespmem:$0x1FD70]  }
0x1e8: {  	v52 =	vsub.f32 v52, v23  }
0x1e9: {  	v0 =	vadd.f32 v1, v27  }
0x1ea: {  	v27 =	vmul.f32 v52, v38;
	[tilespmem:s24+$0x13C10] =	vst v10  }
0x1eb: {  	v45 =	vsub.f32 v45, v36;
	v57 =	vld [tilespmem:s30+$0xBC00];
	[tilespmem:s24+$0x13C20] =	vst v0  }
0x1ec: {  	v48 =	vsub.f32 v48, v20;
	v46 =	vmovc v20;
	v20 =	vmovc v36;
	v36 =	vmov v18;
	v18 =	vadd.f32 v27, v6;
	v6 =	vld [tilespmem:s30+$0x3C10];
	_ =	sdelay $0x1  }
0x1ed: {  	v39 =	vsub.f32 v39, v21  }
0x1ee: {  	v41 =	vsub.f32 v41, v4;
	v43 =	vsub.f32 v43, v13  }
0x1ef: {  	v50 =	vsub.f32 v50, v19;
	v53 =	vsub.f32 v53, v12;
	v2 =	vmul.f32 v2, v38  }
0x1f0: {  	v47 =	vsub.f32 v47, v15;
	v11 =	vmul.f32 v39, v38;
	v1 =	vmul.f32 v16, v38;
	[tilespmem:$0x1FE50] =	vst v6;
	v6 =	vld [tilespmem:$0x1FD80]  }
0x1f1: {  	v42 =	vld [tilespmem:s24+$0xC470];
	v23 =	vmovc v4;
	v2 =	vadd.f32 v2, v29;
	[tilespmem:$0x1FE00] =	vst v32;
	v32 =	vmov v15;
	v15 =	vmul.f32 v41, v38  }
0x1f2: {  	v34 =	vmovc v17;
	v7 =	vld [tilespmem:$0x1FDB0];
	v1 =	vadd.f32 v1, v58;
	v5 =	vadd.f32 v11, v21;
	v11 =	vmul.f32 v43, v38  }
0x1f3: {  	v4 =	vld [tilespmem:s24+$0x4470];
	v35 =	vsub.f32 v35, v17;
	v15 =	vadd.f32 v15, v23;
	v10 =	vmul.f32 v50, v38;
	[tilespmem:s24+$0x13C30] =	vst v2  }
0x1f4: {  	v17 =	vadd.f32 v30, v22;
	v23 =	vadd.f32 v11, v13;
	v11 =	vmul.f32 v45, v38;
	v27 =	vld [tilespmem:s30+$0xBC10];
	[tilespmem:s24+$0x13C40] =	vst v1  }
0x1f5: {  	v22 =	vmul.f32 v53, v38;
	v2 =	vadd.f32 v10, v19;
	v19 =	vmul.f32 v6, v38;
	v6 =	vld [tilespmem:s30+$0x3C20]  }
0x1f6: {  	v44 =	vsub.f32 v44, v24;
	v0 =	vadd.f32 v11, v20  }
0x1f7: {  	v20 =	vadd.f32 v22, v12;
	v12 =	vadd.f32 v19, v7;
	v7 =	vld [tilespmem:$0x1FDC0]  }
0x1f8: {  	v8 =	vld [tilespmem:$0x1FDD0]  }
0x1f9: {  	v4 =	vsub.f32 v4, v42;
	v21 =	vmul.f32 v44, v38;
	[tilespmem:s24+$0x13C50] =	vst v5;
	v5 =	vld [tilespmem:$0x1FD90]  }
0x1fa: {  	[tilespmem:$0x1FE80] =	vst v6;
	v6 =	vld [tilespmem:$0x1FDA0]  }
0x1fb: {  	v4 =	vmul.f32 v4, v38;
	v21 =	vadd.f32 v21, v24;
	v24 =	vmul.f32 v49, v38;
	v30 =	vld [tilespmem:s30+$0xBC20];
	[tilespmem:s24+$0x13C60] =	vst v15  }
0x1fc: {  	v16 =	vmul.f32 v47, v38;
	v33 =	vld [tilespmem:s30+$0x3C30];
	[tilespmem:s24+$0x13C70] =	vst v17;
	v7 =	vmul.f32 v7, v38  }
0x1fd: {  	v11 =	vmul.f32 v48, v38;
	v13 =	vadd.f32 v24, v14;
	v19 =	vmul.f32 v35, v38;
	v29 =	vld [tilespmem:s30+$0xBC30]  }
0x1fe: {  	v22 =	vmul.f32 v51, v38;
	v14 =	vadd.f32 v16, v32;
	[tilespmem:s24+$0x14000] =	vst v23;
	v7 =	vadd.f32 v7, v8;
	v8 =	vld [tilespmem:$0x1FDE0]  }
0x1ff: {  	v16 =	vadd.f32 v19, v34;
	v19 =	vmul.f32 v63, v38;
	v6 =	vmul.f32 v6, v38;
	v38 =	vld [tilespmem:s30+$0x3C40];
	[tilespmem:s24+$0x14010] =	vst v21  }
0x200: {  	v58 =	vld [tilespmem:s30+$0xBC40]  }
0x201: {  	[tilespmem:s24+$0x14020] =	vst v0;
	v0 =	vld [tilespmem:$0x1FDF0]  }
0x202: {  	v39 =	vld [tilespmem:s30+$0x3C50];
	[tilespmem:s24+$0x14030] =	vst v18  }
0x203: {  	v21 =	vld [tilespmem:s30+$0xBC50];
	[tilespmem:s24+$0x14040] =	vst v2  }
0x204: {  	v1 =	vadd.f32 v11, v46;
	v41 =	vld [tilespmem:s30+$0x3C60];
	[tilespmem:s24+$0x14050] =	vst v20  }
0x205: {  	v56 =	vmov v3;
	v3 =	vadd.f32 v4, v42;
	v5 =	vadd.f32 v22, v5;
	v4 =	vld [tilespmem:s30+$0xBC60]  }
0x206: {  	[tilespmem:s24+$0x14060] =	vst v1;
	v1 =	vld [tilespmem:$0x1FE10]  }
0x207: {  	v42 =	vld [tilespmem:s30+$0x3C70];
	[tilespmem:s24+$0x14070] =	vst v5  }
0x208: {  	v22 =	vld [tilespmem:s30+$0xBC70];
	[tilespmem:s24+$0x14400] =	vst v12  }
0x209: {  	v43 =	vld [tilespmem:s30+$0x4000];
	[tilespmem:s24+$0x14410] =	vst v13  }
0x20a: {  	v6 =	vadd.f32 v6, v36;
	v13 =	vld [tilespmem:s30+$0xC000];
	[tilespmem:s24+$0x14420] =	vst v14  }
0x20b: {  	v31 =	vmov v8;
	v44 =	vld [tilespmem:s30+$0x4010]  }
0x20c: {  	[tilespmem:s24+$0x14430] =	vst v6;
	v63 =	vsub.f32 v1, v31;
	v1 =	vld [tilespmem:$0x1FE20]  }
0x20d: {  	v24 =	vld [tilespmem:s30+$0xC010];
	[tilespmem:s24+$0x14440] =	vst v16  }
0x20e: {  	v0 =	vadd.f32 v19, v0;
	v45 =	vld [tilespmem:s30+$0x4020];
	[tilespmem:s24+$0x14450] =	vst v7  }
0x20f: {  	v36 =	vld [tilespmem:s30+$0xC020]  }
0x210: {  	[tilespmem:s24+$0x14460] =	vst v0;
	v0 =	vld [tilespmem:$0x1FE00]  }
0x211: {  	v52 =	vld [tilespmem:s30+$0x4030];
	[tilespmem:s24+$0x14470] =	vst v3;
	s24 =	smov.u32 s30  }
0x212: {  	v23 =	vld [tilespmem:s24+$0xC030]  }
0x213: {  	v50 =	vld [tilespmem:s24+$0x4040]  }
0x214: {  	v19 =	vld [tilespmem:s24+$0xC040]  }
0x215: {  	v53 =	vld [tilespmem:s24+$0x4050]  }
0x216: {  	v12 =	vld [tilespmem:s24+$0xC050]  }
0x217: {  	v48 =	vld [tilespmem:s24+$0x4060]  }
0x218: {  	v9 =	vmov v62;
	v0 =	vsub.f32 v0, v62;
	v62 =	vsub.f32 v1, v56;
	v1 =	vld [tilespmem:$0x1FE30]  }
0x219: {  	v20 =	vld [tilespmem:s24+$0xC060]  }
0x21a: {  	v51 =	vld [tilespmem:s24+$0x4070]  }
0x21b: {  	v14 =	vld [tilespmem:s24+$0xC070]  }
0x21c: {  	v46 =	vld [tilespmem:s24+$0x4400]  }
0x21d: {  	v61 =	vsub.f32 v1, v37;
	v1 =	vld [tilespmem:$0x1FE40]  }
0x21e: {  	v5 =	vld [tilespmem:s24+$0xC400]  }
0x21f: {  	v49 =	vld [tilespmem:s24+$0x4410]  }
0x220: {  	v7 =	vmov v37;
	v11 =	vld [tilespmem:s24+$0xC410];
	v37 =	vsub.f32 v40, v60  }
0x221: {  	v10 =	vmovc v59;
	v8 =	vmov v60;
	v47 =	vld [tilespmem:s24+$0x4420];
	v60 =	vsub.f32 v25, v59;
	v59 =	vsub.f32 v26, v54  }
0x222: {  	p1 =	sne.s32 s28, $0x1E00;
	v26 =	vmov v55;
	v40 =	vsub.f32 v28, v55;
	v55 =	vsub.f32 v1, v57;
	v1 =	vld [tilespmem:$0x1FE50]  }
.Ltmp3:
0x223: {  	v15 =	vld [tilespmem:s24+$0xC420];
	(pc) =	sbr.rel @p1 .LBB2_5-.Ltmp3, $4  }
0x224: {  	v34 =	vld [tilespmem:s24+$0x4430]  }
0x225: {  	v18 =	vld [tilespmem:s24+$0xC430]  }
0x226: {  	s13 =	sadd.s32 $0x1, s13;
	v35 =	vld [tilespmem:s24+$0x4440]  }
0x227: {  	s28 =	sadd.s32 $0x200, s28;
	v32 =	vmov s13;
	v6 =	vmovc v27;
	v17 =	vld [tilespmem:s24+$0xC440];
	v25 =	vmovc v54;
	v28 =	vmov v57;
	v54 =	vsub.f32 v1, v27  }
0x228: {  	_ =	sdelay $0x3  }
0x229: {  	v1 =	vld.idx.msk [tilespmem:v32+s14+$0x0], $0xffff;
	_ =	sdelay $0x2  }
0x22a: {  	v2 =	vld [tilespmem:s24+$0x4450];
	_ =	sdelay $0x1  }
0x22b: {  	v0 =	vmul.f32 v0, v1  }
0x22c: {  	v27 =	vmul.f32 v63, v1  }
0x22d: {  	v32 =	vmul.f32 v62, v1;
	v57 =	vmul.f32 v61, v1;
	v0 =	vadd.f32 v0, v9  }
0x22e: {  	v16 =	vld [tilespmem:s24+$0xC460];
	[tilespmem:$0x1FD40] =	vst v2;
	v2 =	vmovc v13;
	v13 =	vmov v4;
	v62 =	vmul.f32 v59, v1;
	v9 =	vadd.f32 v27, v31  }
0x22f: {  	v4 =	vld [tilespmem:s24+$0x4460];
	v27 =	vadd.f32 v32, v56;
	v61 =	vadd.f32 v57, v7;
	v7 =	vmul.f32 v60, v1;
	[tilespmem:s24+$0x13800] =	vst v0  }
0x230: {  	v0 =	vmul.f32 v37, v1;
	[tilespmem:s24+$0x13810] =	vst v9  }
0x231: {  	[tilespmem:s24+$0x13820] =	vst v27;
	v7 =	vadd.f32 v7, v10;
	v9 =	vmul.f32 v55, v1;
	v37 =	vadd.f32 v62, v25  }
0x232: {  	[tilespmem:s24+$0x13830] =	vst v61;
	v61 =	vmul.f32 v54, v1;
	v62 =	vsub.f32 v39, v21;
	v0 =	vadd.f32 v0, v8  }
0x233: {  	v8 =	vld [tilespmem:$0x1FE80];
	[tilespmem:s24+$0x13850] =	vst v7;
	v7 =	vsub.f32 v38, v58;
	v9 =	vadd.f32 v9, v28  }
0x234: {  	v40 =	vmul.f32 v40, v1;
	v4 =	vsub.f32 v4, v16;
	v10 =	vadd.f32 v61, v6;
	[tilespmem:s24+$0x13840] =	vst v0  }
0x235: {  	v0 =	vsub.f32 v33, v29;
	v6 =	vmul.f32 v7, v1;
	[tilespmem:s24+$0x13C00] =	vst v9;
	v9 =	vsub.f32 v42, v22  }
0x236: {  	v57 =	vmovc v30;
	v25 =	vmov v14;
	[tilespmem:s24+$0x13C10] =	vst v10;
	v10 =	vsub.f32 v43, v2;
	v7 =	vsub.f32 v44, v24  }
0x237: {  	v27 =	vmovc v19;
	v0 =	vmul.f32 v0, v1;
	v6 =	vadd.f32 v6, v58;
	v9 =	vmul.f32 v9, v1  }
0x238: {  	[tilespmem:s24+$0x13860] =	vst v37;
	v10 =	vmul.f32 v10, v1;
	v60 =	vsub.f32 v8, v30;
	v8 =	vadd.f32 v40, v26  }
0x239: {  	v7 =	vmul.f32 v7, v1;
	v0 =	vadd.f32 v0, v29;
	[tilespmem:s24+$0x13C40] =	vst v6;
	v6 =	vsub.f32 v52, v23  }
0x23a: {  	v3 =	vld [tilespmem:s24+$0xC450];
	v9 =	vadd.f32 v9, v22;
	v10 =	vadd.f32 v10, v2;
	v30 =	vmul.f32 v60, v1;
	[tilespmem:s24+$0x13870] =	vst v8  }
0x23b: {  	v19 =	vmovc v20;
	v20 =	vmov v36;
	v7 =	vadd.f32 v7, v24;
	v2 =	vld [tilespmem:$0x1FD40];
	v8 =	vsub.f32 v41, v13;
	[tilespmem:s24+$0x13C30] =	vst v0  }
0x23c: {  	v0 =	vsub.f32 v45, v20;
	[tilespmem:s24+$0x13C70] =	vst v9;
	v14 =	vadd.f32 v30, v57;
	v30 =	vmul.f32 v62, v1  }
0x23d: {  	v6 =	vmul.f32 v6, v1;
	v9 =	vsub.f32 v48, v19;
	[tilespmem:s24+$0x14000] =	vst v10;
	v8 =	vmul.f32 v8, v1  }
0x23e: {  	v4 =	vmul.f32 v4, v1;
	v10 =	vsub.f32 v51, v25;
	[tilespmem:s24+$0x13C20] =	vst v14;
	v14 =	vadd.f32 v30, v21  }
0x23f: {  	[tilespmem:s24+$0x14010] =	vst v7;
	v0 =	vmul.f32 v0, v1;
	v6 =	vadd.f32 v6, v23;
	v8 =	vadd.f32 v8, v13  }
0x240: {  	v9 =	vmul.f32 v9, v1;
	v2 =	vsub.f32 v2, v3;
	[tilespmem:s24+$0x13C50] =	vst v14;
	v14 =	vsub.f32 v50, v27  }
0x241: {  	v10 =	vmul.f32 v10, v1;
	v0 =	vadd.f32 v0, v20;
	[tilespmem:s24+$0x13C60] =	vst v8;
	v8 =	vsub.f32 v53, v12  }
0x242: {  	[tilespmem:s24+$0x14030] =	vst v6;
	v6 =	vsub.f32 v47, v15;
	v9 =	vadd.f32 v9, v19;
	v2 =	vmul.f32 v2, v1  }
0x243: {  	v63 =	vld [tilespmem:s24+$0x4470];
	v10 =	vadd.f32 v10, v25;
	[tilespmem:s24+$0x14020] =	vst v0;
	v0 =	vsub.f32 v49, v11;
	v8 =	vmul.f32 v8, v1  }
0x244: {  	v31 =	vld [tilespmem:s24+$0xC470];
	[tilespmem:s24+$0x14060] =	vst v9;
	v13 =	vmul.f32 v14, v1;
	v2 =	vadd.f32 v2, v3;
	v14 =	vmov v12  }
0x245: {  	v7 =	vsub.f32 v46, v5;
	v6 =	vmul.f32 v6, v1;
	[tilespmem:s24+$0x14070] =	vst v10;
	v8 =	vadd.f32 v8, v14  }
0x246: {  	v3 =	vadd.f32 v4, v16;
	v0 =	vmul.f32 v0, v1;
	v13 =	vadd.f32 v13, v27;
	[tilespmem:s24+$0x14450] =	vst v2  }
0x247: {  	v12 =	vmov v11;
	v11 =	vmul.f32 v7, v1;
	[tilespmem:s24+$0x14050] =	vst v8;
	v8 =	vsub.f32 v35, v17  }
0x248: {  	[tilespmem:s24+$0x14460] =	vst v3;
	v0 =	vadd.f32 v0, v12;
	v14 =	vmov v15;
	v15 =	vsub.f32 v34, v18  }
0x249: {  	v7 =	vsub.f32 v63, v31;
	[tilespmem:s24+$0x14040] =	vst v13;
	v11 =	vadd.f32 v11, v5;
	v8 =	vmul.f32 v8, v1  }
0x24a: {  	[tilespmem:s24+$0x14410] =	vst v0;
	v6 =	vadd.f32 v6, v14;
	v9 =	vmul.f32 v15, v1  }
0x24b: {  	[tilespmem:s24+$0x14400] =	vst v11;
	v1 =	vmul.f32 v7, v1;
	v0 =	vadd.f32 v8, v17  }
0x24c: {  	[tilespmem:s24+$0x14420] =	vst v6;
	v9 =	vadd.f32 v9, v18  }
0x24d: {  	[tilespmem:s24+$0x14440] =	vst v0;
	v0 =	vadd.f32 v1, v31  }
0x24e: {  	s13 =	sshll.u32 s25, $0xA;
	[tilespmem:s24+$0x14430] =	vst v9  }
0x24f: {  	p1 =	seq.s32 s18, $0x1F;
	s13 =	sadd.s32 s13, s8;
	[tilespmem:s24+$0x14470] =	vst v0  }
0x250: {  	[hbm4b:s13+s3] =	stream.linear.scatter [tilespmem:s6], [sflag:$0xA], $0x2000, $0x38;
	[tilespmem:$0x19800] =	vst v63  }
0x251: {  	v0 =	vld @!p1 [tilespmem:s19+$0x40];
	_ =	sdelay $0x4  }
0x252: {  	v1 =	vshll.u32 @!p1 v0, $0x2  }
0x253: {  	v2 =	vlaneseq.u32 @!p1;
	v0 =	vand.u32 @!p1 $0x7, v0;
	v1 =	vand.u32 @!p1 $0xFFFFFFE0, v1  }
0x254: {  	v3 =	vshrl.u32 @!p1 v2, $0x3;
	v0 =	vor.u32 @!p1 v0, v1;
	v1 =	vand.u32 @!p1 $0x7, v2  }
0x255: {  	v3 =	vmul.u32 @!p1 $0x8, v3;
	v4 =	vperm.xlane @!p1 v0, v1;
	_ =	sdelay $0x1  }
0x256: {  	v4 =	vadd.s32 @!p1 v3, v4  }
0x257: {  	v2 =	vor.u32 @!p1 $0x8, v2  }
0x258: {  	v0 =	vperm.xlane @!p1 v0, v2;
	_ =	sdelay $0x1  }
0x259: {  	vm1 =	vmmov @!p1 $0xffff;
	s24 =	simm.s32 @!p1 $0x1800;
	s13 =	simm.s32 @!p1 $0x0;
	v0 =	vadd.s32 @!p1 v3, v0  }
0x25a: {  	[tilespmem:s24], [sflag:$0x1] =	stream.indirect_vreg.gather @!p1 [hbm4b:s1+s13], $0x80, v4, vm1, $0xb8;
	[tilespmem:$0x19800] =	vst v63  }
0x25b: {  	s24 =	simm.s32 @!p1 $0x2000  }
0x25c: {  	[tilespmem:s24], [sflag:$0x1] =	stream.indirect_vreg.gather @!p1 [hbm4b:s7+s13], $0x80, v4, vm1, $0xb8;
	[tilespmem:$0x19800] =	vst v63  }
0x25d: {  	s24 =	simm.s32 @!p1 $0x2800  }
0x25e: {  	[tilespmem:s24], [sflag:$0x1] =	stream.indirect_vreg.gather @!p1 [hbm4b:s1+s13], $0x80, v0, vm1, $0xb8;
	[tilespmem:$0x19800] =	vst v63  }
0x25f: {  	s24 =	simm.s32 @!p1 $0x3000  }
0x260: {  	[tilespmem:s24], [sflag:$0x1] =	stream.indirect_vreg.gather @!p1 [hbm4b:s7+s13], $0x80, v0, vm1, $0xb8;
	[tilespmem:$0x19800] =	vst v63  }
0x261: {  	v0 =	vld @!p1 [tilespmem:s19+$0x840];
	_ =	sdelay $0x4  }
0x262: {  	v4 =	vshll.u32 @!p1 v0, $0x2  }
0x263: {  	v0 =	vand.u32 @!p1 $0x7, v0;
	v4 =	vand.u32 @!p1 $0xFFFFFFE0, v4  }
0x264: {  	v0 =	vor.u32 @!p1 v0, v4  }
0x265: {  	v1 =	vperm.xlane @!p1 v0, v1;
	_ =	sdelay $0x1  }
0x266: {  	v1 =	vadd.s32 @!p1 v3, v1;
	_ =	sdelay $0x1  }
0x267: {  	v0 =	vperm.xlane @!p1 v0, v2;
	_ =	sdelay $0x1  }
0x268: {  	s24 =	simm.s32 @!p1 $0x9800;
	v0 =	vadd.s32 @!p1 v3, v0  }
0x269: {  	[tilespmem:s24], [sflag:$0x5] =	stream.indirect_vreg.gather @!p1 [hbm4b:s1+s13], $0x80, v1, vm1, $0xb8;
	[tilespmem:$0x19800] =	vst v63  }
0x26a: {  	s24 =	simm.s32 @!p1 $0xA000  }
0x26b: {  	[tilespmem:s24], [sflag:$0x5] =	stream.indirect_vreg.gather @!p1 [hbm4b:s7+s13], $0x80, v1, vm1, $0xb8;
	[tilespmem:$0x19800] =	vst v63  }
0x26c: {  	s24 =	simm.s32 @!p1 $0xA800  }
0x26d: {  	[tilespmem:s24], [sflag:$0x5] =	stream.indirect_vreg.gather @!p1 [hbm4b:s1+s13], $0x80, v0, vm1, $0xb8;
	[tilespmem:$0x19800] =	vst v63  }
0x26e: {  	s24 =	simm.s32 @!p1 $0xB000  }
0x26f: {  	[tilespmem:s24], [sflag:$0x5] =	stream.indirect_vreg.gather @!p1 [hbm4b:s7+s13], $0x80, v0, vm1, $0xb8;
	[tilespmem:$0x19800] =	vst v63  }
0x270: {  	_ =	swait.ge [sflag:s9], $0x2000  }
0x271: {  	[sflag:s9] =	ssyncset.done $0x0  }
0x272: {  	[sflag:s9] =	ssyncadd.s32 $0xFFFFE000  }
0x273: {  	_ =	swait.ge [sflag:s10], $0x2000  }
0x274: {  	[sflag:s10] =	ssyncset.done $0x0  }
0x275: {  	s13 =	simm.s32 @!p0 $0xB;
	[sflag:s10] =	ssyncadd.s32 $0xFFFFE000  }
0x276: {  	s25 =	simm.s32 $0x0;
	_ =	swait.ge @!p0 [sflag:s13], $0x2000  }
0x277: {  	s31 =	sand.u32 $0x1000, s25;
	s26 =	sand.u32 $0x380, s25;
	[sflag:s13] =	ssyncset.done @!p0 $0x0  }
0x278: {  	s24 =	sor.u32 s26, s31;
	[sflag:s13] =	ssyncadd.s32 @!p0 $0xFFFFE000  }
0x279: {  	v0 =	vld [tilespmem:s24+$0x5800]  }
0x27a: {  	v5 =	vld [tilespmem:s24+$0xD800]  }
0x27b: {  	v7 =	vld [tilespmem:s24+$0x5810]  }
0x27c: {  	v31 =	vld [tilespmem:s24+$0xD810]  }
0x27d: {  	v2 =	vld [tilespmem:s24+$0x5820]  }
0x27e: {  	v56 =	vld [tilespmem:s24+$0xD820]  }
0x27f: {  	v25 =	vld [tilespmem:s24+$0x5830]  }
0x280: {  	v3 =	vld [tilespmem:s24+$0xD830]  }
0x281: {  	v29 =	vld [tilespmem:s24+$0x5840]  }
0x282: {  	v4 =	vld [tilespmem:s24+$0xD840]  }
0x283: {  	v32 =	vld [tilespmem:s24+$0x5850]  }
0x284: {  	v6 =	vld [tilespmem:s24+$0xD850]  }
0x285: {  	v35 =	vld [tilespmem:s24+$0x5860]  }
0x286: {  	v55 =	vld [tilespmem:s24+$0xD860]  }
0x287: {  	v40 =	vld [tilespmem:s24+$0x5870]  }
0x288: {  	v14 =	vld [tilespmem:s24+$0xD870]  }
0x289: {  	v54 =	vld [tilespmem:s24+$0x5C00]  }
0x28a: {  	v27 =	vld [tilespmem:s24+$0xDC00]  }
0x28b: {  	v17 =	vld [tilespmem:s24+$0x5C10]  }
0x28c: {  	v1 =	vld [tilespmem:s24+$0xDC10]  }
0x28d: {  	v8 =	vld [tilespmem:s24+$0x5C20]  }
0x28e: {  	v30 =	vld [tilespmem:s24+$0xDC20]  }
0x28f: {  	v33 =	vld [tilespmem:s24+$0x5C30]  }
0x290: {  	v10 =	vld [tilespmem:s24+$0xDC30]  }
0x291: {  	v38 =	vld [tilespmem:s24+$0x5C40]  }
0x292: {  	v58 =	vld [tilespmem:s24+$0xDC40]  }
0x293: {  	v39 =	vld [tilespmem:s24+$0x5C50]  }
0x294: {  	v21 =	vld [tilespmem:s24+$0xDC50]  }
0x295: {  	v41 =	vld [tilespmem:s24+$0x5C60]  }
0x296: {  	v13 =	vld [tilespmem:s24+$0xDC60]  }
0x297: {  	v42 =	vld [tilespmem:s24+$0x5C70]  }
0x298: {  	v22 =	vld [tilespmem:s24+$0xDC70]  }
0x299: {  	v43 =	vld [tilespmem:s24+$0x6000]  }
0x29a: {  	v18 =	vld [tilespmem:s24+$0xE000]  }
0x29b: {  	v44 =	vld [tilespmem:s24+$0x6010]  }
0x29c: {  	v24 =	vld [tilespmem:s24+$0xE010]  }
0x29d: {  	v45 =	vld [tilespmem:s24+$0x6020]  }
0x29e: {  	v36 =	vld [tilespmem:s24+$0xE020]  }
0x29f: {  	v52 =	vld [tilespmem:s24+$0x6030]  }
0x2a0: {  	v23 =	vld [tilespmem:s24+$0xE030]  }
0x2a1: {  	v50 =	vld [tilespmem:s24+$0x6040]  }
0x2a2: {  	v19 =	vld [tilespmem:s24+$0xE040]  }
0x2a3: {  	v53 =	vld [tilespmem:s24+$0x6050]  }
0x2a4: {  	v12 =	vld [tilespmem:s24+$0xE050]  }
0x2a5: {  	v48 =	vld [tilespmem:s24+$0x6060]  }
0x2a6: {  	v20 =	vld [tilespmem:s24+$0xE060]  }
0x2a7: {  	v51 =	vld [tilespmem:s24+$0x6070]  }
0x2a8: {  	v16 =	vld [tilespmem:s24+$0xE070]  }
0x2a9: {  	v46 =	vld [tilespmem:s24+$0x6400]  }
0x2aa: {  	v49 =	vld [tilespmem:s24+$0x6410]  }
0x2ab: {  	v11 =	vld [tilespmem:s24+$0xE410]  }
0x2ac: {  	v47 =	vld [tilespmem:s24+$0x6420]  }
0x2ad: {  	[tilespmem:$0x1FD50] =	vst v8;
	v8 =	vld [tilespmem:s24+$0xE400];
	v0 =	vsub.f32 v0, v5;
	v63 =	vsub.f32 v7, v31  }
0x2ae: {  	v15 =	vld [tilespmem:s24+$0xE420];
	v62 =	vsub.f32 v2, v56;
	v61 =	vsub.f32 v25, v3  }
0x2af: {  	v34 =	vld [tilespmem:s24+$0x6430];
	v9 =	vmovc v5;
	v7 =	vmovc v3;
	v37 =	vsub.f32 v29, v4;
	v29 =	vmov v10;
	v60 =	vsub.f32 v32, v6  }
0x2b0: {  	v10 =	vmovc v6;
	v25 =	vmovc v55;
	v59 =	vsub.f32 v35, v55;
	v26 =	vmov v14;
	v40 =	vsub.f32 v40, v14;
	v35 =	vld [tilespmem:s24+$0x6440]  }
0x2b1: {  	v14 =	vmovc v16;
	v32 =	vmov s15;
	v28 =	vmovc v27;
	v55 =	vsub.f32 v54, v27;
	v54 =	vsub.f32 v17, v1;
	v17 =	vld [tilespmem:s24+$0xE440]  }
0x2b2: {  	s23 =	sor.u32 $0x2, s23;
	s26 =	simm.s32 $0x200;
	s13 =	smov.u32 s15;
	v6 =	vmovc v1;
	v5 =	vmovc v8;
	v8 =	vmov v4;
	v4 =	vmov v13;
	v13 =	vmov v18;
	v18 =	vld [tilespmem:s24+$0xE430]  }
.LBB2_7:
0x2b3: {  	v1 =	vld [tilespmem:$0x1FD50];
	_ =	sdelay $0x1  }
0x2b4: {  	v2 =	vsub.f32 v33, v29;
	v33 =	vld [tilespmem:s24+$0x6450]  }
0x2b5: {  	v16 =	vsub.f32 v38, v58;
	v57 =	vld [tilespmem:s24+$0xE460];
	s25 =	sadd.s32 $0x80, s25;
	v51 =	vsub.f32 v51, v14  }
0x2b6: {  	v38 =	vld.idx.msk [tilespmem:v32+s14+$0x0], $0xffff;
	s28 =	sand.u32 $0x1000, s26;
	s30 =	sand.u32 $0x380, s25;
	[tilespmem:$0x1FC70] =	vst v14;
	v14 =	vmov v11;
	v49 =	vsub.f32 v49, v11;
	v11 =	vsub.f32 v34, v18  }
0x2b7: {  	v27 =	vmov v30;
	v3 =	vsub.f32 v42, v22;
	s28 =	sor.u32 s30, s28;
	v1 =	vsub.f32 v1, v30;
	v30 =	vld [tilespmem:s24+$0xE450]  }
0x2b8: {  	[tilespmem:$0x1FC80] =	vst v11;
	v11 =	vld [tilespmem:s28+$0x5810]  }
0x2b9: {  	[tilespmem:$0x1FC40] =	vst v3;
	v3 =	vld [tilespmem:s24+$0x6460];
	_ =	sdelay $0x1  }
0x2ba: {  	v0 =	vmul.f32 v0, v38  }
0x2bb: {  	[tilespmem:$0x1FC90] =	vst v5  }
0x2bc: {  	v0 =	vadd.f32 v0, v9;
	v9 =	vld [tilespmem:s28+$0x5830];
	[tilespmem:$0x1FCF0] =	vst v11;
	v11 =	vsub.f32 v33, v30  }
0x2bd: {  	v5 =	vsub.f32 v46, v5;
	[tilespmem:$0x1FCD0] =	vst v57;
	v33 =	vmul.f32 v63, v38;
	v63 =	vsub.f32 v3, v57;
	v3 =	vld [tilespmem:s28+$0x5820]  }
0x2be: {  	[tilespmem:$0x1FCA0] =	vst v11;
	v11 =	vld [tilespmem:s28+$0xD810]  }
0x2bf: {  	[tilespmem:$0x1FC60] =	vst v5  }
0x2c0: {  	[tilespmem:$0x1FCB0] =	vst v30  }
0x2c1: {  	v5 =	vld [tilespmem:s28+$0xD800];
	[tilespmem:$0x1FD10] =	vst v9  }
0x2c2: {  	v32 =	vld [tilespmem:s28+$0x5800];
	v61 =	vmul.f32 v61, v38;
	[tilespmem:$0x1FD00] =	vst v3  }
0x2c3: {  	v57 =	vmul.f32 v37, v38;
	v37 =	vld [tilespmem:s28+$0xD830];
	v31 =	vadd.f32 v33, v31;
	[tilespmem:$0x1FCC0] =	vst v11;
	v11 =	vmul.f32 v62, v38  }
0x2c4: {  	v60 =	vmul.f32 v60, v38;
	v54 =	vmul.f32 v54, v38;
	v3 =	vld [tilespmem:s28+$0xD820];
	[tilespmem:s24+$0x15800] =	vst v0  }
0x2c5: {  	v61 =	vadd.f32 v61, v7;
	v33 =	vmul.f32 v40, v38;
	v40 =	vld [tilespmem:s28+$0x5840];
	[tilespmem:s24+$0x15810] =	vst v31;
	v30 =	vadd.f32 v11, v56  }
0x2c6: {  	v31 =	vadd.f32 v60, v10;
	v10 =	vadd.f32 v54, v6;
	v6 =	vld [tilespmem:$0x1FC40];
	v62 =	vmovc v5;
	v5 =	vmul.f32 v59, v38  }
0x2c7: {  	v0 =	vadd.f32 v57, v8;
	v60 =	vld [tilespmem:s28+$0xD840];
	[tilespmem:s24+$0x15820] =	vst v30  }
0x2c8: {  	v5 =	vadd.f32 v5, v25;
	v25 =	vld [tilespmem:s28+$0x5850];
	[tilespmem:s24+$0x15830] =	vst v61  }
0x2c9: {  	v55 =	vmul.f32 v55, v38;
	v59 =	vld [tilespmem:s28+$0xD850];
	[tilespmem:s24+$0x15840] =	vst v0  }
0x2ca: {  	v8 =	vadd.f32 v33, v26;
	v26 =	vld [tilespmem:s28+$0x5860];
	[tilespmem:s24+$0x15850] =	vst v31  }
0x2cb: {  	v9 =	vadd.f32 v55, v28;
	v54 =	vld [tilespmem:s28+$0xD860];
	[tilespmem:s24+$0x15860] =	vst v5  }
0x2cc: {  	v28 =	vld [tilespmem:s28+$0x5870];
	[tilespmem:s24+$0x15870] =	vst v8  }
0x2cd: {  	v55 =	vld [tilespmem:s28+$0xD870];
	[tilespmem:s24+$0x15C00] =	vst v9  }
0x2ce: {  	v30 =	vmul.f32 v6, v38;
	v6 =	vld [tilespmem:s28+$0x5C00];
	_ =	sdelay $0x3  }
0x2cf: {  	[tilespmem:$0x1FC50] =	vst v23  }
0x2d0: {  	v1 =	vmul.f32 v1, v38;
	[tilespmem:$0x1FD20] =	vst v6;
	v6 =	vld [tilespmem:$0x1FC50]  }
0x2d1: {  	v52 =	vsub.f32 v52, v23  }
0x2d2: {  	v0 =	vadd.f32 v1, v27  }
0x2d3: {  	v27 =	vmul.f32 v52, v38;
	[tilespmem:s24+$0x15C10] =	vst v10  }
0x2d4: {  	v45 =	vsub.f32 v45, v36;
	v57 =	vld [tilespmem:s28+$0xDC00];
	[tilespmem:s24+$0x15C20] =	vst v0  }
0x2d5: {  	v48 =	vsub.f32 v48, v20;
	v46 =	vmovc v20;
	v20 =	vmovc v36;
	v36 =	vmov v18;
	v18 =	vadd.f32 v27, v6;
	v6 =	vld [tilespmem:s28+$0x5C10];
	_ =	sdelay $0x1  }
0x2d6: {  	v39 =	vsub.f32 v39, v21  }
0x2d7: {  	v41 =	vsub.f32 v41, v4;
	v43 =	vsub.f32 v43, v13  }
0x2d8: {  	v50 =	vsub.f32 v50, v19;
	v53 =	vsub.f32 v53, v12;
	v2 =	vmul.f32 v2, v38  }
0x2d9: {  	v47 =	vsub.f32 v47, v15;
	v11 =	vmul.f32 v39, v38;
	v1 =	vmul.f32 v16, v38;
	[tilespmem:$0x1FD30] =	vst v6;
	v6 =	vld [tilespmem:$0x1FC60]  }
0x2da: {  	v42 =	vld [tilespmem:s24+$0xE470];
	v23 =	vmovc v4;
	v2 =	vadd.f32 v2, v29;
	[tilespmem:$0x1FCE0] =	vst v32;
	v32 =	vmov v15;
	v15 =	vmul.f32 v41, v38  }
0x2db: {  	v34 =	vmovc v17;
	v7 =	vld [tilespmem:$0x1FC90];
	v1 =	vadd.f32 v1, v58;
	v5 =	vadd.f32 v11, v21;
	v11 =	vmul.f32 v43, v38  }
0x2dc: {  	v4 =	vld [tilespmem:s24+$0x6470];
	v35 =	vsub.f32 v35, v17;
	v15 =	vadd.f32 v15, v23;
	v10 =	vmul.f32 v50, v38;
	[tilespmem:s24+$0x15C30] =	vst v2  }
0x2dd: {  	v17 =	vadd.f32 v30, v22;
	v23 =	vadd.f32 v11, v13;
	v11 =	vmul.f32 v45, v38;
	v27 =	vld [tilespmem:s28+$0xDC10];
	[tilespmem:s24+$0x15C40] =	vst v1  }
0x2de: {  	v22 =	vmul.f32 v53, v38;
	v2 =	vadd.f32 v10, v19;
	v19 =	vmul.f32 v6, v38;
	v6 =	vld [tilespmem:s28+$0x5C20]  }
0x2df: {  	v44 =	vsub.f32 v44, v24;
	v0 =	vadd.f32 v11, v20  }
0x2e0: {  	v20 =	vadd.f32 v22, v12;
	v12 =	vadd.f32 v19, v7;
	v7 =	vld [tilespmem:$0x1FCA0]  }
0x2e1: {  	v8 =	vld [tilespmem:$0x1FCB0]  }
0x2e2: {  	v4 =	vsub.f32 v4, v42;
	v21 =	vmul.f32 v44, v38;
	[tilespmem:s24+$0x15C50] =	vst v5;
	v5 =	vld [tilespmem:$0x1FC70]  }
0x2e3: {  	[tilespmem:$0x1FD50] =	vst v6;
	v6 =	vld [tilespmem:$0x1FC80]  }
0x2e4: {  	v4 =	vmul.f32 v4, v38;
	v21 =	vadd.f32 v21, v24;
	v24 =	vmul.f32 v49, v38;
	v30 =	vld [tilespmem:s28+$0xDC20];
	[tilespmem:s24+$0x15C60] =	vst v15  }
0x2e5: {  	v16 =	vmul.f32 v47, v38;
	v33 =	vld [tilespmem:s28+$0x5C30];
	[tilespmem:s24+$0x15C70] =	vst v17;
	v7 =	vmul.f32 v7, v38  }
0x2e6: {  	v11 =	vmul.f32 v48, v38;
	v13 =	vadd.f32 v24, v14;
	v19 =	vmul.f32 v35, v38;
	v29 =	vld [tilespmem:s28+$0xDC30]  }
0x2e7: {  	v22 =	vmul.f32 v51, v38;
	v14 =	vadd.f32 v16, v32;
	[tilespmem:s24+$0x16000] =	vst v23;
	v7 =	vadd.f32 v7, v8;
	v8 =	vld [tilespmem:$0x1FCC0]  }
0x2e8: {  	v16 =	vadd.f32 v19, v34;
	v19 =	vmul.f32 v63, v38;
	v6 =	vmul.f32 v6, v38;
	v38 =	vld [tilespmem:s28+$0x5C40];
	[tilespmem:s24+$0x16010] =	vst v21  }
0x2e9: {  	v58 =	vld [tilespmem:s28+$0xDC40]  }
0x2ea: {  	[tilespmem:s24+$0x16020] =	vst v0;
	v0 =	vld [tilespmem:$0x1FCD0]  }
0x2eb: {  	v39 =	vld [tilespmem:s28+$0x5C50];
	[tilespmem:s24+$0x16030] =	vst v18  }
0x2ec: {  	v21 =	vld [tilespmem:s28+$0xDC50];
	[tilespmem:s24+$0x16040] =	vst v2  }
0x2ed: {  	v1 =	vadd.f32 v11, v46;
	v41 =	vld [tilespmem:s28+$0x5C60];
	[tilespmem:s24+$0x16050] =	vst v20  }
0x2ee: {  	v56 =	vmov v3;
	v3 =	vadd.f32 v4, v42;
	v5 =	vadd.f32 v22, v5;
	v4 =	vld [tilespmem:s28+$0xDC60]  }
0x2ef: {  	[tilespmem:s24+$0x16060] =	vst v1;
	v1 =	vld [tilespmem:$0x1FCF0]  }
0x2f0: {  	v42 =	vld [tilespmem:s28+$0x5C70];
	[tilespmem:s24+$0x16070] =	vst v5  }
0x2f1: {  	v22 =	vld [tilespmem:s28+$0xDC70];
	[tilespmem:s24+$0x16400] =	vst v12  }
0x2f2: {  	v43 =	vld [tilespmem:s28+$0x6000];
	[tilespmem:s24+$0x16410] =	vst v13  }
0x2f3: {  	v6 =	vadd.f32 v6, v36;
	v13 =	vld [tilespmem:s28+$0xE000];
	[tilespmem:s24+$0x16420] =	vst v14  }
0x2f4: {  	v31 =	vmov v8;
	v44 =	vld [tilespmem:s28+$0x6010]  }
0x2f5: {  	[tilespmem:s24+$0x16430] =	vst v6;
	v63 =	vsub.f32 v1, v31;
	v1 =	vld [tilespmem:$0x1FD00]  }
0x2f6: {  	v24 =	vld [tilespmem:s28+$0xE010];
	[tilespmem:s24+$0x16440] =	vst v16  }
0x2f7: {  	v0 =	vadd.f32 v19, v0;
	v45 =	vld [tilespmem:s28+$0x6020];
	[tilespmem:s24+$0x16450] =	vst v7  }
0x2f8: {  	v36 =	vld [tilespmem:s28+$0xE020]  }
0x2f9: {  	[tilespmem:s24+$0x16460] =	vst v0;
	v0 =	vld [tilespmem:$0x1FCE0]  }
0x2fa: {  	v52 =	vld [tilespmem:s28+$0x6030];
	[tilespmem:s24+$0x16470] =	vst v3;
	s24 =	smov.u32 s28  }
0x2fb: {  	v23 =	vld [tilespmem:s24+$0xE030]  }
0x2fc: {  	v50 =	vld [tilespmem:s24+$0x6040]  }
0x2fd: {  	v19 =	vld [tilespmem:s24+$0xE040]  }
0x2fe: {  	v53 =	vld [tilespmem:s24+$0x6050]  }
0x2ff: {  	v12 =	vld [tilespmem:s24+$0xE050]  }
0x300: {  	v48 =	vld [tilespmem:s24+$0x6060]  }
0x301: {  	v9 =	vmov v62;
	v0 =	vsub.f32 v0, v62;
	v62 =	vsub.f32 v1, v56;
	v1 =	vld [tilespmem:$0x1FD10]  }
0x302: {  	v20 =	vld [tilespmem:s24+$0xE060]  }
0x303: {  	v51 =	vld [tilespmem:s24+$0x6070]  }
0x304: {  	v14 =	vld [tilespmem:s24+$0xE070]  }
0x305: {  	v46 =	vld [tilespmem:s24+$0x6400]  }
0x306: {  	v61 =	vsub.f32 v1, v37;
	v1 =	vld [tilespmem:$0x1FD20]  }
0x307: {  	v5 =	vld [tilespmem:s24+$0xE400]  }
0x308: {  	v49 =	vld [tilespmem:s24+$0x6410]  }
0x309: {  	v7 =	vmov v37;
	v11 =	vld [tilespmem:s24+$0xE410];
	v37 =	vsub.f32 v40, v60  }
0x30a: {  	v10 =	vmovc v59;
	v8 =	vmov v60;
	v47 =	vld [tilespmem:s24+$0x6420];
	v60 =	vsub.f32 v25, v59;
	v59 =	vsub.f32 v26, v54  }
0x30b: {  	p2 =	sne.s32 s26, $0x1E00;
	v26 =	vmov v55;
	v40 =	vsub.f32 v28, v55;
	v55 =	vsub.f32 v1, v57;
	v1 =	vld [tilespmem:$0x1FD30]  }
.Ltmp4:
0x30c: {  	v15 =	vld [tilespmem:s24+$0xE420];
	(pc) =	sbr.rel @p2 .LBB2_7-.Ltmp4, $4  }
0x30d: {  	v34 =	vld [tilespmem:s24+$0x6430]  }
0x30e: {  	v18 =	vld [tilespmem:s24+$0xE430]  }
0x30f: {  	s13 =	sadd.s32 $0x1, s13;
	v35 =	vld [tilespmem:s24+$0x6440]  }
0x310: {  	s26 =	sadd.s32 $0x200, s26;
	v32 =	vmov s13;
	v6 =	vmovc v27;
	v17 =	vld [tilespmem:s24+$0xE440];
	v25 =	vmovc v54;
	v28 =	vmov v57;
	v54 =	vsub.f32 v1, v27  }
0x311: {  	_ =	sdelay $0x3  }
0x312: {  	v1 =	vld.idx.msk [tilespmem:v32+s14+$0x0], $0xffff;
	_ =	sdelay $0x2  }
0x313: {  	v2 =	vld [tilespmem:s24+$0x6450];
	_ =	sdelay $0x1  }
0x314: {  	v0 =	vmul.f32 v0, v1  }
0x315: {  	v27 =	vmul.f32 v63, v1  }
0x316: {  	v32 =	vmul.f32 v62, v1;
	v57 =	vmul.f32 v61, v1;
	v0 =	vadd.f32 v0, v9  }
0x317: {  	v16 =	vld [tilespmem:s24+$0xE460];
	[tilespmem:$0x1FC30] =	vst v2;
	v2 =	vmovc v13;
	v13 =	vmov v4;
	v62 =	vmul.f32 v59, v1;
	v9 =	vadd.f32 v27, v31  }
0x318: {  	v4 =	vld [tilespmem:s24+$0x6460];
	v27 =	vadd.f32 v32, v56;
	v61 =	vadd.f32 v57, v7;
	v7 =	vmul.f32 v60, v1;
	[tilespmem:s24+$0x15800] =	vst v0  }
0x319: {  	v0 =	vmul.f32 v37, v1;
	[tilespmem:s24+$0x15810] =	vst v9  }
0x31a: {  	[tilespmem:s24+$0x15820] =	vst v27;
	v7 =	vadd.f32 v7, v10;
	v9 =	vmul.f32 v55, v1;
	v37 =	vadd.f32 v62, v25  }
0x31b: {  	[tilespmem:s24+$0x15830] =	vst v61;
	v61 =	vmul.f32 v54, v1;
	v62 =	vsub.f32 v39, v21;
	v0 =	vadd.f32 v0, v8  }
0x31c: {  	v8 =	vld [tilespmem:$0x1FD50];
	[tilespmem:s24+$0x15850] =	vst v7;
	v7 =	vsub.f32 v38, v58;
	v9 =	vadd.f32 v9, v28  }
0x31d: {  	v40 =	vmul.f32 v40, v1;
	v4 =	vsub.f32 v4, v16;
	v10 =	vadd.f32 v61, v6;
	[tilespmem:s24+$0x15840] =	vst v0  }
0x31e: {  	v0 =	vsub.f32 v33, v29;
	v6 =	vmul.f32 v7, v1;
	[tilespmem:s24+$0x15C00] =	vst v9;
	v9 =	vsub.f32 v42, v22  }
0x31f: {  	v57 =	vmovc v30;
	v25 =	vmov v14;
	[tilespmem:s24+$0x15C10] =	vst v10;
	v10 =	vsub.f32 v43, v2;
	v7 =	vsub.f32 v44, v24  }
0x320: {  	v27 =	vmovc v19;
	v0 =	vmul.f32 v0, v1;
	v6 =	vadd.f32 v6, v58;
	v9 =	vmul.f32 v9, v1  }
0x321: {  	[tilespmem:s24+$0x15860] =	vst v37;
	v10 =	vmul.f32 v10, v1;
	v60 =	vsub.f32 v8, v30;
	v8 =	vadd.f32 v40, v26  }
0x322: {  	v7 =	vmul.f32 v7, v1;
	v0 =	vadd.f32 v0, v29;
	[tilespmem:s24+$0x15C40] =	vst v6;
	v6 =	vsub.f32 v52, v23  }
0x323: {  	v3 =	vld [tilespmem:s24+$0xE450];
	v9 =	vadd.f32 v9, v22;
	v10 =	vadd.f32 v10, v2;
	v30 =	vmul.f32 v60, v1;
	[tilespmem:s24+$0x15870] =	vst v8  }
0x324: {  	v19 =	vmovc v20;
	v20 =	vmov v36;
	v7 =	vadd.f32 v7, v24;
	v2 =	vld [tilespmem:$0x1FC30];
	v8 =	vsub.f32 v41, v13;
	[tilespmem:s24+$0x15C30] =	vst v0  }
0x325: {  	v0 =	vsub.f32 v45, v20;
	[tilespmem:s24+$0x15C70] =	vst v9;
	v14 =	vadd.f32 v30, v57;
	v30 =	vmul.f32 v62, v1  }
0x326: {  	v6 =	vmul.f32 v6, v1;
	v9 =	vsub.f32 v48, v19;
	[tilespmem:s24+$0x16000] =	vst v10;
	v8 =	vmul.f32 v8, v1  }
0x327: {  	v4 =	vmul.f32 v4, v1;
	v10 =	vsub.f32 v51, v25;
	[tilespmem:s24+$0x15C20] =	vst v14;
	v14 =	vadd.f32 v30, v21  }
0x328: {  	[tilespmem:s24+$0x16010] =	vst v7;
	v0 =	vmul.f32 v0, v1;
	v6 =	vadd.f32 v6, v23;
	v8 =	vadd.f32 v8, v13  }
0x329: {  	v9 =	vmul.f32 v9, v1;
	v2 =	vsub.f32 v2, v3;
	[tilespmem:s24+$0x15C50] =	vst v14;
	v14 =	vsub.f32 v50, v27  }
0x32a: {  	v10 =	vmul.f32 v10, v1;
	v0 =	vadd.f32 v0, v20;
	[tilespmem:s24+$0x15C60] =	vst v8;
	v8 =	vsub.f32 v53, v12  }
0x32b: {  	[tilespmem:s24+$0x16030] =	vst v6;
	v6 =	vsub.f32 v47, v15;
	v9 =	vadd.f32 v9, v19;
	v2 =	vmul.f32 v2, v1  }
0x32c: {  	v63 =	vld [tilespmem:s24+$0x6470];
	v10 =	vadd.f32 v10, v25;
	[tilespmem:s24+$0x16020] =	vst v0;
	v0 =	vsub.f32 v49, v11;
	v8 =	vmul.f32 v8, v1  }
0x32d: {  	v31 =	vld [tilespmem:s24+$0xE470];
	[tilespmem:s24+$0x16060] =	vst v9;
	v13 =	vmul.f32 v14, v1;
	v2 =	vadd.f32 v2, v3;
	v14 =	vmov v12  }
0x32e: {  	v7 =	vsub.f32 v46, v5;
	v6 =	vmul.f32 v6, v1;
	[tilespmem:s24+$0x16070] =	vst v10;
	v8 =	vadd.f32 v8, v14  }
0x32f: {  	v3 =	vadd.f32 v4, v16;
	v0 =	vmul.f32 v0, v1;
	v13 =	vadd.f32 v13, v27;
	[tilespmem:s24+$0x16450] =	vst v2  }
0x330: {  	v12 =	vmov v11;
	v11 =	vmul.f32 v7, v1;
	[tilespmem:s24+$0x16050] =	vst v8;
	v8 =	vsub.f32 v35, v17  }
0x331: {  	[tilespmem:s24+$0x16460] =	vst v3;
	v0 =	vadd.f32 v0, v12;
	v14 =	vmov v15;
	v15 =	vsub.f32 v34, v18  }
0x332: {  	v7 =	vsub.f32 v63, v31;
	[tilespmem:s24+$0x16040] =	vst v13;
	v11 =	vadd.f32 v11, v5;
	v8 =	vmul.f32 v8, v1  }
0x333: {  	[tilespmem:s24+$0x16410] =	vst v0;
	v6 =	vadd.f32 v6, v14;
	v9 =	vmul.f32 v15, v1  }
0x334: {  	[tilespmem:s24+$0x16400] =	vst v11;
	v1 =	vmul.f32 v7, v1;
	v0 =	vadd.f32 v8, v17  }
0x335: {  	[tilespmem:s24+$0x16420] =	vst v6;
	v9 =	vadd.f32 v9, v18  }
0x336: {  	[tilespmem:s24+$0x16440] =	vst v0;
	v0 =	vadd.f32 v1, v31  }
0x337: {  	s13 =	sshll.u32 s23, $0xA;
	[tilespmem:s24+$0x16430] =	vst v9  }
0x338: {  	s13 =	sadd.s32 s13, s8;
	[tilespmem:s24+$0x16470] =	vst v0  }
0x339: {  	[hbm4b:s13+s3] =	stream.linear.scatter [tilespmem:s11], [sflag:$0xB], $0x2000, $0x38;
	[tilespmem:$0x19800] =	vst v63  }
0x33a: {  	v0 =	vld @!p1 [tilespmem:s19+$0x50];
	_ =	sdelay $0x4  }
0x33b: {  	v1 =	vshll.u32 @!p1 v0, $0x2  }
0x33c: {  	v2 =	vlaneseq.u32 @!p1;
	v0 =	vand.u32 @!p1 $0x7, v0;
	v1 =	vand.u32 @!p1 $0xFFFFFFE0, v1  }
0x33d: {  	v3 =	vshrl.u32 @!p1 v2, $0x3;
	v0 =	vor.u32 @!p1 v0, v1;
	v1 =	vand.u32 @!p1 $0x7, v2  }
0x33e: {  	v3 =	vmul.u32 @!p1 $0x8, v3;
	v4 =	vperm.xlane @!p1 v0, v1;
	_ =	sdelay $0x1  }
0x33f: {  	v4 =	vadd.s32 @!p1 v3, v4  }
0x340: {  	v2 =	vor.u32 @!p1 $0x8, v2  }
0x341: {  	v0 =	vperm.xlane @!p1 v0, v2;
	_ =	sdelay $0x1  }
0x342: {  	s23 =	simm.s32 @!p1 $0x3800;
	s13 =	simm.s32 @!p1 $0x0;
	v0 =	vadd.s32 @!p1 v3, v0  }
0x343: {  	[tilespmem:s23], [sflag:$0x2] =	stream.indirect_vreg.gather @!p1 [hbm4b:s1+s13], $0x80, v4, vm1, $0xb8;
	[tilespmem:$0x19800] =	vst v63  }
0x344: {  	s23 =	simm.s32 @!p1 $0x4000  }
0x345: {  	[tilespmem:s23], [sflag:$0x2] =	stream.indirect_vreg.gather @!p1 [hbm4b:s7+s13], $0x80, v4, vm1, $0xb8;
	[tilespmem:$0x19800] =	vst v63  }
0x346: {  	s23 =	simm.s32 @!p1 $0x4800  }
0x347: {  	[tilespmem:s23], [sflag:$0x2] =	stream.indirect_vreg.gather @!p1 [hbm4b:s1+s13], $0x80, v0, vm1, $0xb8;
	[tilespmem:$0x19800] =	vst v63  }
0x348: {  	s23 =	simm.s32 @!p1 $0x5000  }
0x349: {  	[tilespmem:s23], [sflag:$0x2] =	stream.indirect_vreg.gather @!p1 [hbm4b:s7+s13], $0x80, v0, vm1, $0xb8;
	[tilespmem:$0x19800] =	vst v63  }
0x34a: {  	v0 =	vld @!p1 [tilespmem:s19+$0x850];
	_ =	sdelay $0x4  }
0x34b: {  	v4 =	vshll.u32 @!p1 v0, $0x2  }
0x34c: {  	v0 =	vand.u32 @!p1 $0x7, v0;
	v4 =	vand.u32 @!p1 $0xFFFFFFE0, v4  }
0x34d: {  	v0 =	vor.u32 @!p1 v0, v4  }
0x34e: {  	v1 =	vperm.xlane @!p1 v0, v1;
	_ =	sdelay $0x1  }
0x34f: {  	v1 =	vadd.s32 @!p1 v3, v1;
	_ =	sdelay $0x1  }
0x350: {  	v0 =	vperm.xlane @!p1 v0, v2;
	_ =	sdelay $0x1  }
0x351: {  	s23 =	simm.s32 @!p1 $0xB800;
	v0 =	vadd.s32 @!p1 v3, v0  }
0x352: {  	[tilespmem:s23], [sflag:$0x6] =	stream.indirect_vreg.gather @!p1 [hbm4b:s1+s13], $0x80, v1, vm1, $0xb8;
	[tilespmem:$0x19800] =	vst v63  }
0x353: {  	s23 =	simm.s32 @!p1 $0xC000  }
0x354: {  	[tilespmem:s23], [sflag:$0x6] =	stream.indirect_vreg.gather @!p1 [hbm4b:s7+s13], $0x80, v1, vm1, $0xb8;
	[tilespmem:$0x19800] =	vst v63  }
0x355: {  	s23 =	simm.s32 @!p1 $0xC800  }
0x356: {  	[tilespmem:s23], [sflag:$0x6] =	stream.indirect_vreg.gather @!p1 [hbm4b:s1+s13], $0x80, v0, vm1, $0xb8;
	[tilespmem:$0x19800] =	vst v63  }
0x357: {  	s23 =	simm.s32 @!p1 $0xD000  }
0x358: {  	[tilespmem:s23], [sflag:$0x6] =	stream.indirect_vreg.gather @!p1 [hbm4b:s7+s13], $0x80, v0, vm1, $0xb8;
	[tilespmem:$0x19800] =	vst v63  }
0x359: {  	_ =	swait.ge [sflag:s12], $0x2000  }
0x35a: {  	[sflag:s12] =	ssyncset.done $0x0  }
0x35b: {  	[sflag:s12] =	ssyncadd.s32 $0xFFFFE000  }
0x35c: {  	_ =	swait.ge [sflag:s2], $0x2000  }
0x35d: {  	[sflag:s2] =	ssyncset.done $0x0  }
0x35e: {  	s13 =	simm.s32 @!p0 $0xC;
	[sflag:s2] =	ssyncadd.s32 $0xFFFFE000  }
0x35f: {  	s24 =	simm.s32 $0x0;
	_ =	swait.ge @!p0 [sflag:s13], $0x2000  }
0x360: {  	s31 =	sand.u32 $0x1000, s24;
	s25 =	sand.u32 $0x380, s24;
	[sflag:s13] =	ssyncset.done @!p0 $0x0  }
0x361: {  	s23 =	sor.u32 s25, s31;
	[sflag:s13] =	ssyncadd.s32 @!p0 $0xFFFFE000  }
0x362: {  	v0 =	vld [tilespmem:s23+$0x7800]  }
0x363: {  	v5 =	vld [tilespmem:s23+$0xF800]  }
0x364: {  	v7 =	vld [tilespmem:s23+$0x7810]  }
0x365: {  	v31 =	vld [tilespmem:s23+$0xF810]  }
0x366: {  	v2 =	vld [tilespmem:s23+$0x7820]  }
0x367: {  	v57 =	vld [tilespmem:s23+$0xF820]  }
0x368: {  	v24 =	vld [tilespmem:s23+$0x7830]  }
0x369: {  	v3 =	vld [tilespmem:s23+$0xF830]  }
0x36a: {  	v29 =	vld [tilespmem:s23+$0x7840]  }
0x36b: {  	v4 =	vld [tilespmem:s23+$0xF840]  }
0x36c: {  	v32 =	vld [tilespmem:s23+$0x7850]  }
0x36d: {  	v27 =	vld [tilespmem:s23+$0xF850]  }
0x36e: {  	v35 =	vld [tilespmem:s23+$0x7860]  }
0x36f: {  	v55 =	vld [tilespmem:s23+$0xF860]  }
0x370: {  	v41 =	vld [tilespmem:s23+$0x7870]  }
0x371: {  	v18 =	vld [tilespmem:s23+$0xF870]  }
0x372: {  	v54 =	vld [tilespmem:s23+$0x7C00]  }
0x373: {  	v11 =	vld [tilespmem:s23+$0xFC00]  }
0x374: {  	v56 =	vld [tilespmem:s23+$0x7C10]  }
0x375: {  	v1 =	vld [tilespmem:s23+$0xFC10]  }
0x376: {  	v33 =	vld [tilespmem:s23+$0x7C20]  }
0x377: {  	v26 =	vld [tilespmem:s23+$0xFC20]  }
0x378: {  	v30 =	vld [tilespmem:s23+$0x7C30]  }
0x379: {  	v10 =	vld [tilespmem:s23+$0xFC30]  }
0x37a: {  	v37 =	vld [tilespmem:s23+$0x7C40]  }
0x37b: {  	v58 =	vld [tilespmem:s23+$0xFC40]  }
0x37c: {  	v39 =	vld [tilespmem:s23+$0x7C50]  }
0x37d: {  	v6 =	vld [tilespmem:s23+$0xFC50]  }
0x37e: {  	v40 =	vld [tilespmem:s23+$0x7C60]  }
0x37f: {  	v36 =	vld [tilespmem:s23+$0xFC60]  }
0x380: {  	v42 =	vld [tilespmem:s23+$0x7C70]  }
0x381: {  	v22 =	vld [tilespmem:s23+$0xFC70]  }
0x382: {  	v43 =	vld [tilespmem:s23+$0x8000]  }
0x383: {  	v12 =	vld [tilespmem:s23+$0x10000]  }
0x384: {  	v44 =	vld [tilespmem:s23+$0x8010]  }
0x385: {  	v25 =	vld [tilespmem:s23+$0x10010]  }
0x386: {  	v45 =	vld [tilespmem:s23+$0x8020]  }
0x387: {  	v23 =	vld [tilespmem:s23+$0x10020]  }
0x388: {  	v52 =	vld [tilespmem:s23+$0x8030]  }
0x389: {  	v16 =	vld [tilespmem:s23+$0x10030]  }
0x38a: {  	v50 =	vld [tilespmem:s23+$0x8040]  }
0x38b: {  	v20 =	vld [tilespmem:s23+$0x10040]  }
0x38c: {  	v53 =	vld [tilespmem:s23+$0x8050]  }
0x38d: {  	v13 =	vld [tilespmem:s23+$0x10050]  }
0x38e: {  	v48 =	vld [tilespmem:s23+$0x8060]  }
0x38f: {  	v19 =	vld [tilespmem:s23+$0x10060]  }
0x390: {  	v51 =	vld [tilespmem:s23+$0x8070]  }
0x391: {  	v34 =	vld [tilespmem:s23+$0x10070]  }
0x392: {  	v46 =	vld [tilespmem:s23+$0x8400]  }
0x393: {  	v8 =	vld [tilespmem:s23+$0x10400]  }
0x394: {  	v49 =	vld [tilespmem:s23+$0x8410]  }
0x395: {  	v14 =	vld [tilespmem:s23+$0x10410]  }
0x396: {  	v47 =	vld [tilespmem:s23+$0x8420]  }
0x397: {  	v15 =	vld [tilespmem:s23+$0x10420];
	v9 =	vmov v5;
	v63 =	vsub.f32 v0, v5;
	v0 =	vsub.f32 v7, v31  }
0x398: {  	v17 =	vld [tilespmem:s23+$0x8430];
	v5 =	vmovc v8;
	v62 =	vsub.f32 v2, v57;
	v7 =	vmovc v3;
	v61 =	vsub.f32 v24, v3;
	v8 =	vmov v4  }
0x399: {  	v21 =	vld [tilespmem:s23+$0x10440];
	v38 =	vsub.f32 v29, v4;
	v4 =	vmovc v13;
	v29 =	vmovc v10;
	v10 =	vmov v27;
	v60 =	vsub.f32 v32, v27  }
0x39a: {  	v13 =	vld [tilespmem:s23+$0x10430];
	v24 =	vmovc v55;
	v59 =	vsub.f32 v35, v55;
	v27 =	vmovc v18;
	v41 =	vsub.f32 v41, v18;
	v18 =	vmov v6  }
0x39b: {  	s25 =	simm.s32 $0x200;
	s13 =	smov.u32 s16;
	v35 =	vld [tilespmem:s23+$0x8440];
	v32 =	vmov s16;
	v28 =	vmovc v11;
	v55 =	vsub.f32 v54, v11;
	v11 =	vmovc v1;
	v54 =	vsub.f32 v56, v1  }
.LBB2_9:
0x39c: {  	_ =	sdelay $0x2  }
0x39d: {  	v2 =	vsub.f32 v30, v29;
	v30 =	vld [tilespmem:s23+$0x10450];
	s24 =	sadd.s32 $0x80, s24  }
0x39e: {  	v3 =	vsub.f32 v37, v58;
	v37 =	vld.idx.msk [tilespmem:v32+s14+$0x0], $0xffff;
	s26 =	sand.u32 $0x1000, s25;
	s28 =	sand.u32 $0x380, s24  }
0x39f: {  	s26 =	sor.u32 s28, s26;
	v1 =	vsub.f32 v33, v26;
	v33 =	vld [tilespmem:s23+$0x8450]  }
0x3a0: {  	v32 =	vmov v15;
	v47 =	vsub.f32 v47, v15;
	v15 =	vld [tilespmem:s26+$0x7810];
	_ =	sdelay $0x1  }
0x3a1: {  	v6 =	vmov v25;
	v44 =	vsub.f32 v44, v25;
	v25 =	vld [tilespmem:s23+$0x10460]  }
0x3a2: {  	[tilespmem:$0x1FB30] =	vst v3;
	v3 =	vld [tilespmem:s23+$0x8460];
	_ =	sdelay $0x1  }
0x3a3: {  	v45 =	vsub.f32 v45, v23;
	[tilespmem:$0x1FBD0] =	vst v15;
	v15 =	vsub.f32 v33, v30  }
0x3a4: {  	[tilespmem:$0x1FB40] =	vst v20;
	v50 =	vsub.f32 v50, v20;
	v20 =	vmovc v23;
	v23 =	vmov v19;
	v48 =	vsub.f32 v48, v19;
	v19 =	vld [tilespmem:s26+$0x7800]  }
0x3a5: {  	[tilespmem:$0x1FB80] =	vst v15;
	v15 =	vld [tilespmem:s26+$0xF810]  }
0x3a6: {  	[tilespmem:$0x1FB70] =	vst v5;
	v5 =	vsub.f32 v46, v5;
	v33 =	vmul.f32 v63, v37;
	v63 =	vsub.f32 v3, v25;
	v3 =	vld [tilespmem:s26+$0x7820]  }
0x3a7: {  	[tilespmem:$0x1FB90] =	vst v30;
	v0 =	vmul.f32 v0, v37  }
0x3a8: {  	[tilespmem:$0x1FB60] =	vst v5;
	v5 =	vld [tilespmem:s26+$0xF800]  }
0x3a9: {  	v61 =	vmul.f32 v61, v37;
	v0 =	vadd.f32 v0, v31;
	[tilespmem:$0x1FBC0] =	vst v19  }
0x3aa: {  	v31 =	vmul.f32 v38, v37;
	v38 =	vld [tilespmem:s26+$0xF830];
	v33 =	vadd.f32 v33, v9;
	[tilespmem:$0x1FBA0] =	vst v15;
	v15 =	vmul.f32 v62, v37  }
0x3ab: {  	v60 =	vmul.f32 v60, v37;
	v9 =	vld [tilespmem:s26+$0x7830];
	[tilespmem:$0x1FBE0] =	vst v3  }
0x3ac: {  	v61 =	vadd.f32 v61, v7;
	v3 =	vld [tilespmem:s26+$0xF820];
	[tilespmem:s23+$0x17800] =	vst v33;
	v33 =	vmul.f32 v41, v37;
	v30 =	vadd.f32 v15, v57  }
0x3ad: {  	v41 =	vld [tilespmem:s26+$0x7840];
	[tilespmem:s23+$0x17810] =	vst v0;
	v62 =	vmov v5;
	v5 =	vadd.f32 v31, v8;
	v31 =	vmul.f32 v59, v37  }
0x3ae: {  	v0 =	vadd.f32 v60, v10;
	v60 =	vld [tilespmem:s26+$0xF840];
	[tilespmem:s23+$0x17820] =	vst v30  }
0x3af: {  	v30 =	vadd.f32 v31, v24;
	v24 =	vld [tilespmem:s26+$0x7850];
	[tilespmem:s23+$0x17830] =	vst v61  }
0x3b0: {  	[tilespmem:$0x1FBF0] =	vst v9;
	v59 =	vld [tilespmem:s26+$0xF850]  }
0x3b1: {  	v55 =	vmul.f32 v55, v37;
	v54 =	vmul.f32 v54, v37;
	[tilespmem:s23+$0x17840] =	vst v5;
	v5 =	vld [tilespmem:$0x1FB30]  }
0x3b2: {  	v56 =	vsub.f32 v39, v18;
	v8 =	vadd.f32 v33, v27;
	v27 =	vld [tilespmem:s26+$0x7860];
	[tilespmem:s23+$0x17850] =	vst v0  }
0x3b3: {  	v1 =	vmul.f32 v1, v37;
	v10 =	vadd.f32 v54, v11;
	v9 =	vadd.f32 v55, v28;
	v54 =	vld [tilespmem:s26+$0xF860];
	[tilespmem:s23+$0x17860] =	vst v30  }
0x3b4: {  	v39 =	vsub.f32 v40, v36;
	v40 =	vmov v18;
	v18 =	vsub.f32 v42, v22;
	v28 =	vld [tilespmem:s26+$0x7870];
	[tilespmem:s23+$0x17870] =	vst v8  }
0x3b5: {  	v35 =	vsub.f32 v35, v21;
	v1 =	vadd.f32 v1, v26;
	v55 =	vld [tilespmem:s26+$0xF870];
	[tilespmem:s23+$0x17C00] =	vst v9  }
0x3b6: {  	v2 =	vmul.f32 v2, v37;
	v19 =	vmovc v36;
	v36 =	vmov v21;
	v21 =	vmul.f32 v44, v37;
	v7 =	vld [tilespmem:s26+$0x7C00];
	[tilespmem:s23+$0x17C10] =	vst v10  }
0x3b7: {  	v52 =	vsub.f32 v52, v16;
	v11 =	vmul.f32 v56, v37;
	v5 =	vmul.f32 v5, v37;
	v56 =	vld [tilespmem:s26+$0xFC00];
	[tilespmem:s23+$0x17C20] =	vst v1  }
0x3b8: {  	v21 =	vadd.f32 v21, v6;
	v0 =	vadd.f32 v2, v29;
	v6 =	vld [tilespmem:s26+$0x7C10]  }
0x3b9: {  	v42 =	vld [tilespmem:s23+$0x10470];
	[tilespmem:$0x1FB50] =	vst v4;
	v26 =	vmul.f32 v52, v37;
	v2 =	vmul.f32 v39, v37;
	v5 =	vadd.f32 v5, v58  }
0x3ba: {  	v53 =	vsub.f32 v53, v4;
	v4 =	vld [tilespmem:s23+$0x8470];
	v11 =	vadd.f32 v11, v40;
	[tilespmem:s23+$0x17C30] =	vst v0  }
0x3bb: {  	v2 =	vadd.f32 v2, v19;
	v19 =	vadd.f32 v26, v16;
	v26 =	vld [tilespmem:s26+$0xFC10];
	[tilespmem:s23+$0x17C40] =	vst v5  }
0x3bc: {  	v33 =	vld [tilespmem:s26+$0x7C20];
	[tilespmem:s23+$0x17C50] =	vst v11  }
0x3bd: {  	[tilespmem:$0x1FC10] =	vst v6;
	v6 =	vld [tilespmem:$0x1FB50]  }
0x3be: {  	v15 =	vmul.f32 v18, v37;
	[tilespmem:$0x1FC00] =	vst v7;
	v7 =	vld [tilespmem:s26+$0xFC20];
	_ =	sdelay $0x1  }
0x3bf: {  	[tilespmem:$0x1FBB0] =	vst v25;
	v25 =	vmul.f32 v45, v37;
	v15 =	vadd.f32 v15, v22;
	v22 =	vmul.f32 v53, v37  }
0x3c0: {  	v43 =	vsub.f32 v43, v12;
	v51 =	vsub.f32 v51, v34  }
0x3c1: {  	v46 =	vmovc v34;
	v34 =	vmov v13;
	v1 =	vadd.f32 v25, v20;
	v20 =	vadd.f32 v22, v6;
	v6 =	vld [tilespmem:$0x1FB60]  }
0x3c2: {  	v13 =	vsub.f32 v17, v13;
	v17 =	vmul.f32 v43, v37;
	v4 =	vsub.f32 v4, v42;
	[tilespmem:$0x1FC20] =	vst v7;
	v7 =	vld [tilespmem:$0x1FB80]  }
0x3c3: {  	v49 =	vsub.f32 v49, v14;
	v25 =	vmul.f32 v48, v37;
	[tilespmem:s23+$0x17C60] =	vst v2;
	v2 =	vld [tilespmem:$0x1FB70]  }
0x3c4: {  	v17 =	vadd.f32 v17, v12;
	v4 =	vmul.f32 v4, v37;
	v8 =	vld [tilespmem:$0x1FB90];
	v22 =	vmul.f32 v51, v37  }
0x3c5: {  	v10 =	vmul.f32 v50, v37;
	v0 =	vld [tilespmem:$0x1FB40];
	v5 =	vadd.f32 v25, v23;
	v23 =	vmul.f32 v49, v37  }
0x3c6: {  	v30 =	vld [tilespmem:s26+$0x7C30];
	[tilespmem:s23+$0x17C70] =	vst v15;
	v16 =	vadd.f32 v22, v46;
	v22 =	vmul.f32 v47, v37;
	v18 =	vmul.f32 v6, v37  }
0x3c7: {  	v29 =	vld [tilespmem:s26+$0xFC30];
	[tilespmem:s23+$0x18000] =	vst v17;
	v7 =	vmul.f32 v7, v37;
	v6 =	vmul.f32 v13, v37  }
0x3c8: {  	v13 =	vmul.f32 v35, v37;
	v2 =	vadd.f32 v18, v2;
	v18 =	vmul.f32 v63, v37;
	v37 =	vld [tilespmem:s26+$0x7C40];
	[tilespmem:s23+$0x18010] =	vst v21  }
0x3c9: {  	v58 =	vld [tilespmem:s26+$0xFC40]  }
0x3ca: {  	[tilespmem:s23+$0x18020] =	vst v1;
	v1 =	vld [tilespmem:$0x1FBB0];
	_ =	sdelay $0x2  }
0x3cb: {  	v7 =	vadd.f32 v7, v8;
	v8 =	vld [tilespmem:$0x1FBA0]  }
0x3cc: {  	v0 =	vadd.f32 v10, v0;
	v39 =	vld [tilespmem:s26+$0x7C50];
	[tilespmem:s23+$0x18030] =	vst v19  }
0x3cd: {  	v1 =	vadd.f32 v18, v1;
	v18 =	vld [tilespmem:s26+$0xFC50]  }
0x3ce: {  	[tilespmem:s23+$0x18040] =	vst v0;
	v0 =	vld [tilespmem:$0x1FBC0]  }
0x3cf: {  	v40 =	vld [tilespmem:s26+$0x7C60];
	[tilespmem:s23+$0x18050] =	vst v20  }
0x3d0: {  	v13 =	vadd.f32 v13, v36;
	v36 =	vld [tilespmem:s26+$0xFC60];
	[tilespmem:s23+$0x18060] =	vst v5  }
0x3d1: {  	v57 =	vmov v3;
	v3 =	vadd.f32 v4, v42;
	v42 =	vld [tilespmem:s26+$0x7C70];
	[tilespmem:s23+$0x18070] =	vst v16  }
0x3d2: {  	v12 =	vadd.f32 v23, v14;
	v14 =	vadd.f32 v22, v32;
	v22 =	vld [tilespmem:s26+$0xFC70];
	[tilespmem:s23+$0x18400] =	vst v2  }
0x3d3: {  	v43 =	vld [tilespmem:s26+$0x8000]  }
0x3d4: {  	v6 =	vadd.f32 v6, v34;
	[tilespmem:s23+$0x18410] =	vst v12;
	v63 =	vsub.f32 v0, v62;
	v0 =	vld [tilespmem:$0x1FBD0]  }
0x3d5: {  	v12 =	vld [tilespmem:s26+$0x10000];
	[tilespmem:s23+$0x18420] =	vst v14  }
0x3d6: {  	v44 =	vld [tilespmem:s26+$0x8010];
	[tilespmem:s23+$0x18430] =	vst v6  }
0x3d7: {  	v25 =	vld [tilespmem:s26+$0x10010];
	[tilespmem:s23+$0x18440] =	vst v13  }
0x3d8: {  	v45 =	vld [tilespmem:s26+$0x8020];
	[tilespmem:s23+$0x18450] =	vst v7  }
0x3d9: {  	v23 =	vld [tilespmem:s26+$0x10020]  }
0x3da: {  	[tilespmem:s23+$0x18460] =	vst v1;
	v1 =	vld [tilespmem:$0x1FBE0]  }
0x3db: {  	v52 =	vld [tilespmem:s26+$0x8030];
	[tilespmem:s23+$0x18470] =	vst v3;
	s23 =	smov.u32 s26  }
0x3dc: {  	v16 =	vld [tilespmem:s23+$0x10030]  }
0x3dd: {  	v50 =	vld [tilespmem:s23+$0x8040]  }
0x3de: {  	v20 =	vld [tilespmem:s23+$0x10040]  }
0x3df: {  	v53 =	vld [tilespmem:s23+$0x8050]  }
0x3e0: {  	v4 =	vld [tilespmem:s23+$0x10050]  }
0x3e1: {  	v48 =	vld [tilespmem:s23+$0x8060]  }
0x3e2: {  	v19 =	vld [tilespmem:s23+$0x10060]  }
0x3e3: {  	v9 =	vmov v62;
	v62 =	vsub.f32 v1, v57;
	v1 =	vld [tilespmem:$0x1FBF0]  }
0x3e4: {  	v51 =	vld [tilespmem:s23+$0x8070]  }
0x3e5: {  	v34 =	vld [tilespmem:s23+$0x10070]  }
0x3e6: {  	v46 =	vld [tilespmem:s23+$0x8400]  }
0x3e7: {  	v5 =	vld [tilespmem:s23+$0x10400]  }
0x3e8: {  	v61 =	vsub.f32 v1, v38;
	v1 =	vld [tilespmem:$0x1FC00]  }
0x3e9: {  	v49 =	vld [tilespmem:s23+$0x8410]  }
0x3ea: {  	v14 =	vld [tilespmem:s23+$0x10410]  }
0x3eb: {  	v7 =	vmov v38;
	v47 =	vld [tilespmem:s23+$0x8420];
	v38 =	vsub.f32 v41, v60  }
0x3ec: {  	v10 =	vmovc v59;
	v31 =	vmovc v8;
	v8 =	vmov v60;
	v15 =	vld [tilespmem:s23+$0x10420];
	v60 =	vsub.f32 v24, v59;
	v59 =	vsub.f32 v27, v54  }
0x3ed: {  	p0 =	sne.s32 s25, $0x1E00;
	v27 =	vmov v55;
	v41 =	vsub.f32 v28, v55;
	v55 =	vsub.f32 v1, v56;
	v1 =	vld [tilespmem:$0x1FC10]  }
.Ltmp5:
0x3ee: {  	v17 =	vld [tilespmem:s23+$0x8430];
	(pc) =	sbr.rel @p0 .LBB2_9-.Ltmp5, $4  }
0x3ef: {  	v13 =	vld [tilespmem:s23+$0x10430]  }
0x3f0: {  	v35 =	vld [tilespmem:s23+$0x8440]  }
0x3f1: {  	s13 =	sadd.s32 $0x1, s13;
	v11 =	vmov v26;
	v21 =	vld [tilespmem:s23+$0x10440]  }
0x3f2: {  	s25 =	sadd.s32 $0x200, s25;
	v32 =	vmov s13;
	v0 =	vsub.f32 v0, v31;
	v24 =	vmovc v54;
	v28 =	vmovc v56;
	v54 =	vsub.f32 v1, v26;
	v26 =	vld [tilespmem:$0x1FC20]  }
0x3f3: {  	_ =	sdelay $0x3  }
0x3f4: {  	v1 =	vld.idx.msk [tilespmem:v32+s14+$0x0], $0xffff  }
0x3f5: {  	v2 =	vld [tilespmem:s23+$0x8450]  }
0x3f6: {  	v32 =	vld [tilespmem:s23+$0x8460];
	_ =	sdelay $0x2  }
0x3f7: {  	v56 =	vmul.f32 v63, v1  }
0x3f8: {  	[tilespmem:$0x1FB10] =	vst v2;
	v0 =	vmul.f32 v0, v1  }
0x3f9: {  	[tilespmem:$0x1FB20] =	vst v32;
	v2 =	vmov v5;
	v32 =	vmul.f32 v62, v1;
	v5 =	vadd.f32 v56, v9  }
0x3fa: {  	v0 =	vadd.f32 v0, v31;
	v56 =	vmul.f32 v61, v1  }
0x3fb: {  	v9 =	vadd.f32 v32, v57;
	v57 =	vmul.f32 v38, v1;
	[tilespmem:s23+$0x17800] =	vst v5  }
0x3fc: {  	v62 =	vmul.f32 v60, v1;
	v38 =	vmul.f32 v59, v1;
	v61 =	vadd.f32 v56, v7;
	[tilespmem:s23+$0x17810] =	vst v0  }
0x3fd: {  	v59 =	vmul.f32 v55, v1;
	v5 =	vadd.f32 v57, v8;
	[tilespmem:s23+$0x17820] =	vst v9  }
0x3fe: {  	v6 =	vmov v18;
	v0 =	vadd.f32 v62, v10;
	v7 =	vadd.f32 v38, v24;
	[tilespmem:s23+$0x17830] =	vst v61  }
0x3ff: {  	v56 =	vmul.f32 v41, v1;
	v57 =	vsub.f32 v33, v26;
	v24 =	vadd.f32 v59, v28;
	[tilespmem:s23+$0x17840] =	vst v5  }
0x400: {  	v62 =	vmul.f32 v54, v1;
	v38 =	vsub.f32 v40, v36;
	v40 =	vsub.f32 v42, v22;
	[tilespmem:s23+$0x17850] =	vst v0  }
0x401: {  	v41 =	vsub.f32 v43, v12;
	v60 =	vadd.f32 v56, v27;
	[tilespmem:s23+$0x17860] =	vst v7;
	v5 =	vmul.f32 v57, v1  }
0x402: {  	v61 =	vsub.f32 v30, v29;
	v33 =	vadd.f32 v62, v11;
	[tilespmem:s23+$0x17C00] =	vst v24;
	v9 =	vmul.f32 v38, v1  }
0x403: {  	v27 =	vsub.f32 v37, v58;
	v10 =	vmul.f32 v40, v1;
	[tilespmem:s23+$0x17870] =	vst v60;
	v5 =	vadd.f32 v5, v26  }
0x404: {  	v37 =	vsub.f32 v39, v6;
	v0 =	vmul.f32 v61, v1;
	[tilespmem:s23+$0x17C10] =	vst v33;
	v9 =	vadd.f32 v9, v36  }
0x405: {  	v43 =	vsub.f32 v45, v23;
	v39 =	vmul.f32 v27, v1;
	v10 =	vadd.f32 v10, v22;
	[tilespmem:s23+$0x17C20] =	vst v5  }
0x406: {  	v45 =	vsub.f32 v50, v20;
	v8 =	vmul.f32 v37, v1;
	v0 =	vadd.f32 v0, v29;
	[tilespmem:s23+$0x17C60] =	vst v9  }
0x407: {  	v50 =	vsub.f32 v53, v4;
	v11 =	vadd.f32 v39, v58;
	v5 =	vmul.f32 v41, v1;
	[tilespmem:s23+$0x17C70] =	vst v10  }
0x408: {  	v18 =	vld [tilespmem:s23+$0x10460];
	v42 =	vsub.f32 v44, v25;
	v8 =	vadd.f32 v8, v6;
	v9 =	vmul.f32 v45, v1;
	[tilespmem:s23+$0x17C30] =	vst v0  }
0x409: {  	v55 =	vsub.f32 v49, v14;
	v61 =	vld [tilespmem:$0x1FB20];
	v10 =	vmul.f32 v50, v1;
	[tilespmem:s23+$0x17C40] =	vst v11;
	v5 =	vadd.f32 v5, v12  }
0x40a: {  	v44 =	vsub.f32 v52, v16;
	[tilespmem:s23+$0x17C50] =	vst v8;
	v0 =	vmul.f32 v42, v1;
	v9 =	vadd.f32 v9, v20  }
0x40b: {  	v63 =	vld [tilespmem:s23+$0x8470];
	v52 =	vsub.f32 v48, v19;
	v11 =	vmul.f32 v43, v1;
	v10 =	vadd.f32 v10, v4;
	[tilespmem:s23+$0x18000] =	vst v5  }
0x40c: {  	v31 =	vld [tilespmem:s23+$0x10470];
	v56 =	vsub.f32 v47, v15;
	v8 =	vmul.f32 v44, v1;
	v0 =	vadd.f32 v0, v25;
	[tilespmem:s23+$0x18040] =	vst v9  }
0x40d: {  	v3 =	vld [tilespmem:s23+$0x10450];
	v53 =	vsub.f32 v51, v34;
	v11 =	vadd.f32 v11, v23;
	v5 =	vmul.f32 v52, v1;
	[tilespmem:s23+$0x18050] =	vst v10  }
0x40e: {  	v59 =	vld [tilespmem:$0x1FB10];
	v4 =	vsub.f32 v61, v18;
	v8 =	vadd.f32 v8, v16;
	v9 =	vmul.f32 v56, v1;
	[tilespmem:s23+$0x18010] =	vst v0  }
0x40f: {  	v54 =	vsub.f32 v46, v2;
	[tilespmem:s23+$0x18020] =	vst v11;
	v0 =	vmul.f32 v53, v1;
	v5 =	vadd.f32 v5, v19  }
0x410: {  	v57 =	vsub.f32 v17, v13;
	v4 =	vmul.f32 v4, v1;
	[tilespmem:s23+$0x18030] =	vst v8;
	v9 =	vadd.f32 v9, v15  }
0x411: {  	v62 =	vsub.f32 v63, v31;
	v11 =	vmul.f32 v54, v1;
	v0 =	vadd.f32 v0, v34;
	[tilespmem:s23+$0x18060] =	vst v5  }
0x412: {  	v58 =	vsub.f32 v35, v21;
	v8 =	vmul.f32 v55, v1;
	v63 =	vadd.f32 v4, v18;
	[tilespmem:s23+$0x18420] =	vst v9  }
0x413: {  	v60 =	vmul.f32 v57, v1;
	v11 =	vadd.f32 v11, v2;
	[tilespmem:s23+$0x18070] =	vst v0;
	v0 =	vsub.f32 v59, v3  }
0x414: {  	v8 =	vadd.f32 v8, v14;
	v5 =	vmul.f32 v58, v1;
	[tilespmem:s23+$0x18460] =	vst v63  }
0x415: {  	v2 =	vadd.f32 v60, v13;
	[tilespmem:s23+$0x18400] =	vst v11;
	v0 =	vmul.f32 v0, v1  }
0x416: {  	[tilespmem:s23+$0x18410] =	vst v8;
	v5 =	vadd.f32 v5, v21;
	v1 =	vmul.f32 v62, v1  }
.Ltmp6:
0x417: {  	[tilespmem:s23+$0x18430] =	vst v2;
	v0 =	vadd.f32 v0, v3;
	(pc) =	sbr.rel @p1 .LBB2_12-.Ltmp6, $4  }
0x418: {  	[tilespmem:s23+$0x18440] =	vst v5;
	v1 =	vadd.f32 v1, v31  }
0x419: {  	s13 =	sshll.u32 s22, $0xA;
	[tilespmem:s23+$0x18450] =	vst v0  }
0x41a: {  	s13 =	sadd.s32 s13, s8;
	[tilespmem:s23+$0x18470] =	vst v1  }
0x41b: {  	[hbm4b:s13+s3] =	stream.linear.scatter [tilespmem:s0], [sflag:$0xC], $0x2000, $0x38;
	[tilespmem:$0x19800] =	vst v63  }
0x41c: {  	v0 =	vld [tilespmem:s19+$0x60];
	_ =	sdelay $0x2  }
0x41d: {  	v2 =	vld [tilespmem:$0x1FFD0];
	_ =	sdelay $0x1  }
0x41e: {  	v3 =	vld [tilespmem:$0x1FFE0];
	v1 =	vshll.u32 v0, $0x2  }
0x41f: {  	v0 =	vand.u32 $0x7, v0;
	v1 =	vand.u32 $0xFFFFFFE0, v1  }
0x420: {  	v4 =	vld [tilespmem:$0x1FFF0];
	v0 =	vor.u32 v0, v1  }
0x421: {  	v1 =	vperm.xlane v0, v2;
	_ =	sdelay $0x1  }
0x422: {  	v1 =	vadd.s32 v3, v1;
	_ =	sdelay $0x1  }
0x423: {  	v0 =	vperm.xlane v0, v4;
	_ =	sdelay $0x1  }
0x424: {  	s13 =	simm.s32 $0x5800;
	v0 =	vadd.s32 v3, v0  }
0x425: {  	[tilespmem:s13], [sflag:$0x3] =	stream.indirect_vreg.gather [hbm4b:s1+s3], $0x80, v1, vm0, $0xb8;
	[tilespmem:$0x19800] =	vst v63  }
0x426: {  	s23 =	simm.s32 $0x6000  }
0x427: {  	[tilespmem:s23], [sflag:$0x3] =	stream.indirect_vreg.gather [hbm4b:s7+s3], $0x80, v1, vm0, $0xb8;
	[tilespmem:$0x19800] =	vst v63  }
0x428: {  	s24 =	simm.s32 $0x6800  }
0x429: {  	[tilespmem:s24], [sflag:$0x3] =	stream.indirect_vreg.gather [hbm4b:s1+s3], $0x80, v0, vm0, $0xb8;
	[tilespmem:$0x19800] =	vst v63  }
0x42a: {  	s25 =	simm.s32 $0x7000  }
0x42b: {  	[tilespmem:s25], [sflag:$0x3] =	stream.indirect_vreg.gather [hbm4b:s7+s3], $0x80, v0, vm0, $0xb8;
	[tilespmem:$0x19800] =	vst v63  }
0x42c: {  	v0 =	vld [tilespmem:s19+$0x860];
	_ =	sdelay $0x4  }
0x42d: {  	v63 =	vshll.u32 v0, $0x2  }
0x42e: {  	v0 =	vand.u32 $0x7, v0;
	v1 =	vand.u32 $0xFFFFFFE0, v63  }
0x42f: {  	v0 =	vor.u32 v0, v1  }
0x430: {  	v1 =	vperm.xlane v0, v2;
	_ =	sdelay $0x1  }
0x431: {  	v1 =	vadd.s32 v3, v1;
	_ =	sdelay $0x2  }
0x432: {  	v0 =	vperm.xlane v0, v4  }
0x433: {  	s26 =	simm.s32 $0xD800  }
0x434: {  	v0 =	vadd.s32 v3, v0;
	[tilespmem:s26], [sflag:$0x7] =	stream.indirect_vreg.gather [hbm4b:s1+s3], $0x80, v1, vm0, $0xb8;
	[tilespmem:$0x19800] =	vst v63  }
0x435: {  	s28 =	simm.s32 $0xE000  }
0x436: {  	[tilespmem:s28], [sflag:$0x7] =	stream.indirect_vreg.gather [hbm4b:s7+s3], $0x80, v1, vm0, $0xb8;
	[tilespmem:$0x19800] =	vst v63  }
.Ltmp7:
0x437: {  	s30 =	simm.s32 $0xE800;
	(pc) =	sbr.rel .LBB2_2-.Ltmp7, $4  }
0x438: {  	s31 =	simm.s32 $0xF000;
	s18 =	sadd.s32 $0x1, s18;
	s17 =	sadd.s32 $0x40, s17  }
0x439: {  	[tilespmem:s30], [sflag:$0x7] =	stream.indirect_vreg.gather [hbm4b:s1+s3], $0x80, v0, vm0, $0xb8;
	[tilespmem:$0x19800] =	vst v63  }
0x43a: {  	s29 =	sadd.s32 $0x40, s29;
	s15 =	sadd.s32 $0x40, s15;
	s16 =	sadd.s32 $0x40, s16  }
0x43b: {  	[tilespmem:s31], [sflag:$0x7] =	stream.indirect_vreg.gather [hbm4b:s7+s3], $0x80, v0, vm0, $0xb8;
	[tilespmem:$0x19800] =	vst v63  }
.LBB2_13:
0x43c: {  	_ =	sfence.sel $0x180000  }
0x43d: {  	[bflag:$0x0] =	sbarrier.arrive $0xFFFF  }
0x43e: {  	_ =	strace $0x90000047  }
0x43f: {  	s0 =	stileid.u32;
	[bflag:$0x2] =	sbarrier.arrive $0xFFFF  }
0x440: {  	p0 =	sne.s32 s0, $0x0;
	s0 =	rddreg [dreg:$0x3]  }
0x441: {  	s0 =	sadd.s32 @!p0 $0x100000, s0  }
0x442: {  	[sflag:s0] =	ssyncadd.tile.s32 @!p0 $0x1;
	_ =	shalt  }
.Lfunc_end2:
_tile_overlayer_lowered:
.L_overlay_start_2:
0x443: {  	(tag) =	ssettag $0x2  }
0x444: {  	s0 =	rddreg [dreg:$0x0];
	s2 =	stileid.u32  }
0x445: {  	s1 =	rddreg [dreg:$0x1];
	p0 =	sne.s32 s2, $0x0  }
0x446: {  	s3 =	rddreg [dreg:$0x2];
	[bflag:$0x3] =	sbarrier.arrive $0xFFFF;
	s2 =	simm.s32 @!p0 $0x1C0D  }
0x447: {  	[timem:s3], [sflag:s2] =	dma.local @!p0 [hbm:s0], s1  }
0x448: {  	s0 =	simm.s32 @!p0 $0xD  }
0x449: {  	_ =	swait.ge @!p0 [sflag:s0], s1  }
0x44a: {  	s1 =	ssub.s32 @!p0 $0x0, s1;
	[sflag:s0] =	ssyncset.done @!p0 $0x0  }
0x44b: {  	[sflag:s0] =	ssyncadd.s32 @!p0 s1  }
0x44c: {  	[bflag:$0x3] =	sbarrier.arrive $0xFFFF  }
0x44d: {  	_ =	shalt  }

</sc_bundles>
